<compile_context>
chip_gen: v7x
topology: tpu7x:2x2x1
jax: 0.10.2.dev20260603
libtpu: 0.0.44.dev20260713+nightly
codegen_flags: <defaults>
</compile_context>

<pallas_src>
import jax
import jax.numpy as jnp
from jax import lax
from jax.experimental import pallas as pl
from jax.experimental.pallas import tpu as pltpu
from jax.experimental.pallas import tpu_sc as plsc

N = 10000
E = 320000
F = 128
M = 128
NW = 32
PER_TILE = E // NW
CHUNK = 80
NCHUNK = PER_TILE // CHUNK
NPAD = 10240
NROW = NPAD // 16
XW = 16


def _silu(v):
    return v / (1.0 + jnp.exp(-v))


def _prep_body(h_ref, we1a_ref, we1b_ref, wn1a_ref, a_ref, b_ref, hn_ref):
    hb = h_ref[...]
    a_ref[...] = jnp.dot(hb, we1a_ref[...], preferred_element_type=jnp.float32)
    b_ref[...] = jnp.dot(hb, we1b_ref[...], preferred_element_type=jnp.float32)
    hn_ref[...] = jnp.dot(hb, wn1a_ref[...], preferred_element_type=jnp.float32)


def _prep(h, we1a, we1b, wn1a):
    bn = 1000
    return pl.pallas_call(
        _prep_body,
        grid=(N // bn,),
        in_specs=[
            pl.BlockSpec((bn, F), lambda i: (i, 0)),
            pl.BlockSpec((F, F), lambda i: (0, 0)),
            pl.BlockSpec((F, F), lambda i: (0, 0)),
            pl.BlockSpec((F, F), lambda i: (0, 0)),
        ],
        out_specs=[
            pl.BlockSpec((bn, F), lambda i: (i, 0)),
            pl.BlockSpec((bn, F), lambda i: (i, 0)),
            pl.BlockSpec((bn, F), lambda i: (i, 0)),
        ],
        out_shape=[
            jax.ShapeDtypeStruct((N, F), jnp.float32),
            jax.ShapeDtypeStruct((N, F), jnp.float32),
            jax.ShapeDtypeStruct((N, F), jnp.float32),
        ],
    )(h, we1a, we1b, wn1a)


DXB = 5


def _gather_body(a_hbm, b_hbm, xpad_hbm, src_hbm, dst_hbm, ef_hbm, dx_hbm,
                 sbuf, dbuf, bufa0, bufa1, bufb0, bufb1, xtab, dxbuf,
                 sema, semb):
    wid = lax.axis_index("s") * 2 + lax.axis_index("c")
    pltpu.sync_copy(src_hbm.at[wid], sbuf)
    pltpu.sync_copy(dst_hbm.at[wid], dbuf)
    pltpu.sync_copy(xpad_hbm, xtab)
    bufas = (bufa0, bufa1)
    bufbs = (bufb0, bufb1)

    def issue(j, k):
        pltpu.async_copy(a_hbm.at[sbuf.at[j]], bufas[k], sema)
        pltpu.async_copy(b_hbm.at[dbuf.at[j]], bufbs[k], semb)

    def wait(k):
        pltpu.make_async_copy(a_hbm.at[sbuf.at[0]], bufas[k], sema).wait()
        pltpu.make_async_copy(b_hbm.at[dbuf.at[0]], bufbs[k], semb).wait()

    issue(0, 0)
    eidx = jnp.arange(16, dtype=jnp.int32)

    def chunk2(j, k, bufa, bufb):
        wait(k)
        issue(jnp.minimum(j + 1, NCHUNK - 1), 1 - k)

        @plsc.parallel_loop(0, CHUNK, unroll=4)
        def row(r):
            for c in range(F // 16):
                sl = pl.ds(c * 16, 16)
                bufa[r, sl] = bufa[r, sl] + bufb[r, sl]

        def grp(g, c2):
            si = sbuf[j, pl.ds(g * 16, 16)] * 4
            di = dbuf[j, pl.ds(g * 16, 16)] * 4
            ei = (j % DXB) * CHUNK + g * 16 + eidx
            ds0 = plsc.load_gather(xtab, [di]) - plsc.load_gather(xtab, [si])
            ds1 = (plsc.load_gather(xtab, [di + 1])
                   - plsc.load_gather(xtab, [si + 1]))
            ds2c = (plsc.load_gather(xtab, [di + 2])
                    - plsc.load_gather(xtab, [si + 2]))
            plsc.store_scatter(dxbuf, [ei],
                               ds0 * ds0 + ds1 * ds1 + ds2c * ds2c)
            return c2
        lax.fori_loop(0, CHUNK // 16, grp, 0)
        pltpu.sync_copy(bufa, ef_hbm.at[pl.ds(wid * PER_TILE + j * CHUNK, CHUNK)])

        @pl.when(j % DXB == DXB - 1)
        def _():
            jb = j - (DXB - 1)
            pltpu.sync_copy(
                dxbuf,
                dx_hbm.at[pl.ds(wid * PER_TILE + jb * CHUNK, DXB * CHUNK)])

    def chunk(j, carry):
        @pl.when(j % 2 == 0)
        def _():
            chunk2(j, 0, bufa0, bufb0)

        @pl.when(j % 2 == 1)
        def _():
            chunk2(j, 1, bufa1, bufb1)
        return carry
    lax.fori_loop(0, NCHUNK, chunk, 0)
    wait(NCHUNK % 2)


def _gather(a_tab, b_tab, xpad, src3d, dst3d):
    mesh = plsc.VectorSubcoreMesh(core_axis_name="c", subcore_axis_name="s")
    fn = pl.kernel(
        _gather_body,
        out_type=[
            jax.ShapeDtypeStruct((E, F), jnp.float32),
            jax.ShapeDtypeStruct((E,), jnp.float32),
        ],
        mesh=mesh,
        scratch_types=[
            pltpu.VMEM((NCHUNK, CHUNK), jnp.int32),
            pltpu.VMEM((NCHUNK, CHUNK), jnp.int32),
            pltpu.VMEM((CHUNK, F), jnp.float32),
            pltpu.VMEM((CHUNK, F), jnp.float32),
            pltpu.VMEM((CHUNK, F), jnp.float32),
            pltpu.VMEM((CHUNK, F), jnp.float32),
            pltpu.VMEM((N * 4,), jnp.float32),
            pltpu.VMEM((DXB * CHUNK,), jnp.float32),
            pltpu.SemaphoreType.DMA,
            pltpu.SemaphoreType.DMA,
        ],
        compiler_params=pltpu.CompilerParams(needs_layout_passes=False),
    )
    return fn(a_tab, b_tab, xpad, src3d, dst3d)


def _edge_body(ef_ref, d2_ref, we1dc_ref, be1_ref, we2_ref, be2_ref,
               ww1_ref, bw1_ref, ww2c_ref, bw2_ref, m_ref, wgt_ref):
    ef = ef_ref[...]
    d_row = jnp.sqrt(d2_ref[...])
    douter = jnp.dot(we1dc_ref[...], d_row,
                     preferred_element_type=jnp.float32)
    pre1 = ef + jnp.transpose(douter) + be1_ref[...]
    h1 = _silu(pre1)
    m = _silu(jnp.dot(h1, we2_ref[...], preferred_element_type=jnp.float32)
              + be2_ref[...])
    t = _silu(jnp.dot(m, ww1_ref[...], preferred_element_type=jnp.float32)
              + bw1_ref[...])
    wgt_col = jnp.dot(t, ww2c_ref[...],
                      preferred_element_type=jnp.float32) + bw2_ref[...]
    m_ref[...] = m
    wgt_ref[...] = jnp.transpose(wgt_col)


def _edge_mlp(ef, d2row, we1d_col, be1, we2, be2, ww1, bw1, ww2_col, bw2):
    be = 2560
    return pl.pallas_call(
        _edge_body,
        grid=(E // be,),
        in_specs=[
            pl.BlockSpec((be, F), lambda i: (i, 0)),
            pl.BlockSpec((1, be), lambda i: (0, i)),
            pl.BlockSpec((F, 1), lambda i: (0, 0)),
            pl.BlockSpec((1, F), lambda i: (0, 0)),
            pl.BlockSpec((F, F), lambda i: (0, 0)),
            pl.BlockSpec((1, F), lambda i: (0, 0)),
            pl.BlockSpec((F, F), lambda i: (0, 0)),
            pl.BlockSpec((1, F), lambda i: (0, 0)),
            pl.BlockSpec((F, 1), lambda i: (0, 0)),
            pl.BlockSpec((1, 1), lambda i: (0, 0)),
        ],
        out_specs=[
            pl.BlockSpec((be, F), lambda i: (i, 0)),
            pl.BlockSpec((1, be), lambda i: (0, i)),
        ],
        out_shape=[
            jax.ShapeDtypeStruct((E, F), jnp.float32),
            jax.ShapeDtypeStruct((1, E), jnp.float32),
        ],
    )(ef, d2row, we1d_col, be1, we2, be2, ww1, bw1, ww2_col, bw2)


def _scatter_m_body(m_hbm, src_hbm, accm_hbm, sbuf, bufm0, bufm1, accm,
                    seml, sems):
    cid = lax.axis_index("c")
    sid = lax.axis_index("s")
    wid = sid * 2 + cid
    zero16 = jnp.zeros((16,), jnp.float32)
    bufs = (bufm0, bufm1)

    def zrow(r, c2):
        for c in range(F // 16):
            bufm0[r, pl.ds(c * 16, 16)] = zero16
        return c2
    lax.fori_loop(0, CHUNK, zrow, 0)
    for k in range(NROW // CHUNK):
        pltpu.sync_copy(bufm0, accm.at[pl.ds(sid * NROW + k * CHUNK, CHUNK)])
    plsc.subcore_barrier()

    pltpu.sync_copy(src_hbm.at[wid], sbuf)

    def issue(j, k):
        pltpu.async_copy(m_hbm.at[pl.ds(wid * PER_TILE + j * CHUNK, CHUNK)],
                         bufs[k], seml)

    def wait(k):
        pltpu.make_async_copy(m_hbm.at[pl.ds(0, CHUNK)], bufs[k], seml).wait()

    def wait_scat(j, k):
        pltpu.make_async_copy(bufs[k], accm.at[sbuf.at[j]], sems).wait()

    issue(0, 0)

    def chunk2(j, k, bufm):
        wait(k)

        @pl.when(j >= 1)
        def _():
            wait_scat(j - 1, 1 - k)
        issue(jnp.minimum(j + 1, NCHUNK - 1), 1 - k)
        pltpu.async_copy(bufm, accm.at[sbuf.at[j]], sems, add=True)

    def chunk(j, carry):
        @pl.when(j % 2 == 0)
        def _():
            chunk2(j, 0, bufm0)

        @pl.when(j % 2 == 1)
        def _():
            chunk2(j, 1, bufm1)
        return carry
    lax.fori_loop(0, NCHUNK, chunk, 0)
    wait(NCHUNK % 2)
    wait_scat(NCHUNK - 1, (NCHUNK - 1) % 2)
    plsc.subcore_barrier()

    r0 = sid * NROW
    pltpu.sync_copy(accm.at[pl.ds(r0, NROW)], accm_hbm.at[cid].at[pl.ds(r0, NROW)])


def _scatter_m(m_rows, src3d):
    mesh = plsc.VectorSubcoreMesh(core_axis_name="c", subcore_axis_name="s")
    fn = pl.kernel(
        _scatter_m_body,
        out_type=jax.ShapeDtypeStruct((2, NPAD, F), jnp.float32),
        mesh=mesh,
        scratch_types=[
            pltpu.VMEM((NCHUNK, CHUNK), jnp.int32),
            pltpu.VMEM((CHUNK, F), jnp.float32),
            pltpu.VMEM((CHUNK, F), jnp.float32),
            pltpu.VMEM_SHARED((NPAD, F), jnp.float32),
            pltpu.SemaphoreType.DMA,
            pltpu.SemaphoreType.DMA,
        ],
        compiler_params=pltpu.CompilerParams(needs_layout_passes=False),
    )
    return fn(m_rows, src3d)


NXB = 5
NBATCH = NCHUNK // NXB


def _scatter_x_body(wgt_hbm, src_hbm, dst_hbm, xpad_hbm, accx_hbm,
                    sbuf, dbuf, xtab, bufw0, bufw1, accx, seml):
    wid = lax.axis_index("s") * 2 + lax.axis_index("c")
    zero16 = jnp.zeros((16,), jnp.float32)
    one16 = jnp.ones((16,), jnp.float32)
    bufs = (bufw0, bufw1)

    def zx(i, c2):
        accx[pl.ds(i * 16, 16)] = zero16
        return c2
    lax.fori_loop(0, NPAD * 4 // 16, zx, 0)

    pltpu.sync_copy(src_hbm.at[wid], sbuf)
    pltpu.sync_copy(dst_hbm.at[wid], dbuf)
    pltpu.sync_copy(xpad_hbm, xtab)
    eidx = jnp.arange(16, dtype=jnp.int32)

    def issue(b, k):
        base = wid * PER_TILE + b * NXB * CHUNK
        pltpu.async_copy(wgt_hbm.at[pl.ds(base, NXB * CHUNK)], bufs[k], seml)

    def wait(k):
        pltpu.make_async_copy(wgt_hbm.at[pl.ds(0, NXB * CHUNK)],
                              bufs[k], seml).wait()

    issue(0, 0)

    def batch2(b, k, bufw):
        wait(k)
        issue(jnp.minimum(b + 1, NBATCH - 1), 1 - k)

        def grp(g, c2):
            j = b * NXB + g // (CHUNK // 16)
            gg = g % (CHUNK // 16)
            ni = sbuf[j, pl.ds(gg * 16, 16)]
            si = ni * 4
            di = dbuf[j, pl.ds(gg * 16, 16)] * 4
            wv = bufw[pl.ds(g * 16, 16)]
            for c in range(3):
                xs = plsc.load_gather(xtab, [si + c])
                xd = plsc.load_gather(xtab, [di + c])
                plsc.addupdate_scatter(accx, [ni + c * NPAD], (xd - xs) * wv)
            plsc.addupdate_scatter(accx, [ni + 3 * NPAD], one16)
            return c2
        lax.fori_loop(0, NXB * CHUNK // 16, grp, 0)

    def batch(b, carry):
        @pl.when(b % 2 == 0)
        def _():
            batch2(b, 0, bufw0)

        @pl.when(b % 2 == 1)
        def _():
            batch2(b, 1, bufw1)
        return carry
    lax.fori_loop(0, NBATCH, batch, 0)
    wait(NBATCH % 2)
    pltpu.sync_copy(accx, accx_hbm.at[wid])


def _scatter_x(wgt_flat, src3d, dst3d, xpad):
    mesh = plsc.VectorSubcoreMesh(core_axis_name="c", subcore_axis_name="s")
    fn = pl.kernel(
        _scatter_x_body,
        out_type=jax.ShapeDtypeStruct((NW, NPAD * 4), jnp.float32),
        mesh=mesh,
        scratch_types=[
            pltpu.VMEM((NCHUNK, CHUNK), jnp.int32),
            pltpu.VMEM((NCHUNK, CHUNK), jnp.int32),
            pltpu.VMEM((N * 4,), jnp.float32),
            pltpu.VMEM((NXB * CHUNK,), jnp.float32),
            pltpu.VMEM((NXB * CHUNK,), jnp.float32),
            pltpu.VMEM((NPAD * 4,), jnp.float32),
            pltpu.SemaphoreType.DMA,
        ],
        compiler_params=pltpu.CompilerParams(needs_layout_passes=False),
    )
    return fn(wgt_flat, src3d, dst3d, xpad)


def _node_body(accm_ref, accx_ref, x_ref, h_ref, hn_ref, wn1b_ref, bn1_ref,
               wn2_ref, bn2_ref, xp_ref, hp_ref):
    am = accm_ref[...]
    m_sum = am[0] + am[1]
    ax = jnp.sum(accx_ref[...], axis=0)
    x_sum = jnp.transpose(ax[:3])
    cnt = jnp.transpose(ax[3:4])
    m_i = m_sum / jnp.maximum(cnt, 1.0)
    pre = (hn_ref[...]
           + jnp.dot(m_i, wn1b_ref[...], preferred_element_type=jnp.float32)
           + bn1_ref[...])
    upd = jnp.dot(_silu(pre), wn2_ref[...], preferred_element_type=jnp.float32)
    hp_ref[...] = h_ref[...] + upd + bn2_ref[...]
    xp_ref[...] = x_ref[...] + x_sum


def _node(accm, accx4, x, h, hn, wn1b, bn1, wn2, bn2):
    bn = 1024
    return pl.pallas_call(
        _node_body,
        grid=(NPAD // bn,),
        in_specs=[
            pl.BlockSpec((2, bn, F), lambda i: (0, i, 0)),
            pl.BlockSpec((NW, 4, bn), lambda i: (0, 0, i)),
            pl.BlockSpec((bn, 3), lambda i: (i, 0)),
            pl.BlockSpec((bn, F), lambda i: (i, 0)),
            pl.BlockSpec((bn, F), lambda i: (i, 0)),
            pl.BlockSpec((F, F), lambda i: (0, 0)),
            pl.BlockSpec((1, F), lambda i: (0, 0)),
            pl.BlockSpec((F, F), lambda i: (0, 0)),
            pl.BlockSpec((1, F), lambda i: (0, 0)),
        ],
        out_specs=[
            pl.BlockSpec((bn, 3), lambda i: (i, 0)),
            pl.BlockSpec((bn, F), lambda i: (i, 0)),
        ],
        out_shape=[
            jax.ShapeDtypeStruct((N, 3), jnp.float32),
            jax.ShapeDtypeStruct((N, F), jnp.float32),
        ],
    )(accm, accx4, x, h, hn, wn1b, bn1, wn2, bn2)


def kernel(x, h, edges, We1, be1, We2, be2, Ww1, bw1, Ww2, bw2, Wn1, bn1, Wn2, bn2):
    src3d = edges[0].astype(jnp.int32).reshape(NW, NCHUNK, CHUNK)
    dst3d = edges[1].astype(jnp.int32).reshape(NW, NCHUNK, CHUNK)
    xpad = jnp.pad(x, ((0, 0), (0, 1))).reshape(N * 4)
    we1a = We1[:F]
    we1b = We1[F:2 * F]
    we1d_col = We1[2 * F:2 * F + 1].reshape(F, 1)
    wn1a = Wn1[:F]
    wn1b = Wn1[F:]

    a_tab, b_tab, hn = _prep(h, we1a, we1b, wn1a)
    ef, d2 = _gather(a_tab, b_tab, xpad, src3d, dst3d)
    m_rows, wgt_row = _edge_mlp(ef, d2.reshape(1, E), we1d_col,
                                be1.reshape(1, F), We2,
                                be2.reshape(1, F), Ww1, bw1.reshape(1, F),
                                Ww2, bw2.reshape(1, 1))
    accm = _scatter_m(m_rows, src3d)
    accx = _scatter_x(wgt_row.reshape(E), src3d, dst3d, xpad)
    accx4 = accx.reshape(NW, 4, NPAD)
    x_prime, h_prime = _node(accm, accx4, x, h, hn, wn1b, bn1.reshape(1, F),
                             Wn2, bn2.reshape(1, F))
    return (x_prime, h_prime)

# --- scband reference (transcript-rebuilt; emitter-appended) ---
"""Pipeline reference for scband-egnn-48507360641324 (READ-ONLY COPY).

The authoritative reference and input builder live on the scoring server;
editing this copy changes nothing except your own understanding.
"""

import jax, jax.numpy as jnp
import numpy as np

N = 10000
E = 320000
F = 128
M = 128


def setup_inputs(seed: int = 0) -> dict:
    key = jax.random.key(seed)
    ks = jax.random.split(key, 20)
    x = jax.random.normal(ks[0], (N, 3), dtype=jnp.float32)
    h = jax.random.normal(ks[1], (N, F), dtype=jnp.float32)
    edges = jax.random.randint(ks[2], (2, E), 0, N, dtype=jnp.int64)
    s = 0.05
    params = {
        'We1': jax.random.normal(ks[3], (2 * F + 1, F), dtype=jnp.float32) * s,
        'be1': jnp.zeros((F,), dtype=jnp.float32),
        'We2': jax.random.normal(ks[4], (F, M), dtype=jnp.float32) * s,
        'be2': jnp.zeros((M,), dtype=jnp.float32),
        'Ww1': jax.random.normal(ks[5], (M, M), dtype=jnp.float32) * s,
        'bw1': jnp.zeros((M,), dtype=jnp.float32),
        'Ww2': jax.random.normal(ks[6], (M, 1), dtype=jnp.float32) * s,
        'bw2': jnp.zeros((1,), dtype=jnp.float32),
        'Wn1': jax.random.normal(ks[7], (F + M, F), dtype=jnp.float32) * s,
        'bn1': jnp.zeros((F,), dtype=jnp.float32),
        'Wn2': jax.random.normal(ks[8], (F, F), dtype=jnp.float32) * s,
        'bn2': jnp.zeros((F,), dtype=jnp.float32),
    }
    return {'x': x, 'h': h, 'edges': edges, **params}


def reference(x, h, edges, We1, be1, We2, be2, Ww1, bw1, Ww2, bw2, Wn1, bn1, Wn2, bn2):
    silu = jax.nn.silu
    src = edges[0]
    dst = edges[1]
    # Edges module
    d_ij = jnp.linalg.norm(x[src] - x[dst], axis=1, keepdims=True)
    inp = jnp.concatenate((h[src], h[dst], d_ij), axis=1)
    m_ij = silu(silu(inp @ We1 + be1) @ We2 + be2)
    # PosUpdate (attention=False, normalize=False)
    w_ij = silu(m_ij @ Ww1 + bw1) @ Ww2 + bw2
    x_ij = (x[dst] - x[src]) * w_ij
    x_diff = jax.ops.segment_sum(x_ij, src, num_segments=N)
    x_prime = x + x_diff
    # NodeUpdate: scatter_mean over src
    m_sum = jax.ops.segment_sum(m_ij, src, num_segments=N)
    counts = jax.ops.segment_sum(jnp.ones((E, 1), dtype=m_ij.dtype), src, num_segments=N)
    m_i = m_sum / jnp.clip(counts, 1.0, None)
    node_in = jnp.concatenate((h, m_i), axis=1)
    h_prime = h + (silu(node_in @ Wn1 + bn1) @ Wn2 + bn2)
    return (x_prime, h_prime)

if __name__ == "__main__":
    import jax
    _d = setup_inputs()
    print(jax.jit(kernel)(*tuple(_d.values())))

</pallas_src>

<mosaic_0001>
#map = affine_map<(d0, d1) -> (0, 0)>
#map1 = affine_map<(d0, d1) -> (0, 0, 0)>
module attributes {stable_mosaic.version = 14 : i64} {
  func.func @_scatter_m_body(%arg0: i32, %arg1: i32, %arg2: memref<320000x128xf32, #tpu.memory_space<hbm>>, %arg3: memref<32x125x80xi32, #tpu.memory_space<hbm>>, %arg4: memref<2x10240x128xf32, #tpu.memory_space<hbm>>, %arg5: memref<125x80xi32, #tpu.memory_space<vmem>>, %arg6: memref<80x128xf32, #tpu.memory_space<vmem>>, %arg7: memref<80x128xf32, #tpu.memory_space<vmem>>, %arg8: memref<10240x128xf32, #tpu.memory_space<vmem_shared>>, %arg9: memref<!tpu.dma_semaphore, #tpu.memory_space<semaphore_mem>>, %arg10: memref<!tpu.dma_semaphore, #tpu.memory_space<semaphore_mem>>) attributes {dimension_semantics = [#tpu.dimension_semantics<core_parallel>, #tpu.dimension_semantics<subcore_parallel>], iteration_bounds = array<i64: 2, 16>, scalar_prefetch = 0 : i64, scratch_operands = 6 : i64, tpu.core_type = #tpu.core_type<sc_vector_subcore>, window_params = [{transform_indices = #map}, {transform_indices = #map1}, {transform_indices = #map1}]} {
    %mul3A = arith.constant 2 : i32
    %mul3A_0 = arith.muli %arg1, %mul3A : i32
    %add3A = arith.addi %mul3A_0, %arg0 : i32
    %broadcast_in_dim3A = arith.constant 0.000000e+00 : f32
    %broadcast_in_dim3A_1 = vector.broadcast %broadcast_in_dim3A : f32 to vector<16xf32>
    %scan3A = arith.constant 0 : i32
    %scan3A_2 = arith.constant 0 : i32
    %scan3A_3 = arith.constant 80 : i32
    %scan3A_4 = arith.addi %scan3A_2, %scan3A_3 : i32
    %scan3A_5 = arith.constant 1 : i32
    scf.for %scan3A_67 = %scan3A_2 to %scan3A_4 step %scan3A_5  : i32 {
      %swap3A = arith.index_cast %scan3A_67 : i32 to index
      %swap3A_68 = arith.constant 0 : index
      %swap3A_69 = tpu.vector_load %arg6[%swap3A, %swap3A_68] {strides = array<i32>} : memref<80x128xf32, #tpu.memory_space<vmem>>, vector<16xf32>,
      tpu.vector_store %arg6[%swap3A, %swap3A_68], %broadcast_in_dim3A_1 {strides = array<i32>} : memref<80x128xf32, #tpu.memory_space<vmem>>, vector<16xf32>,
      %swap3A_70 = arith.index_cast %scan3A_67 : i32 to index
      %swap3A_71 = arith.constant 16 : index
      %swap3A_72 = tpu.vector_load %arg6[%swap3A_70, %swap3A_71] {strides = array<i32>} : memref<80x128xf32, #tpu.memory_space<vmem>>, vector<16xf32>,
      tpu.vector_store %arg6[%swap3A_70, %swap3A_71], %broadcast_in_dim3A_1 {strides = array<i32>} : memref<80x128xf32, #tpu.memory_space<vmem>>, vector<16xf32>,
      %swap3A_73 = arith.index_cast %scan3A_67 : i32 to index
      %swap3A_74 = arith.constant 32 : index
      %swap3A_75 = tpu.vector_load %arg6[%swap3A_73, %swap3A_74] {strides = array<i32>} : memref<80x128xf32, #tpu.memory_space<vmem>>, vector<16xf32>,
      tpu.vector_store %arg6[%swap3A_73, %swap3A_74], %broadcast_in_dim3A_1 {strides = array<i32>} : memref<80x128xf32, #tpu.memory_space<vmem>>, vector<16xf32>,
      %swap3A_76 = arith.index_cast %scan3A_67 : i32 to index
      %swap3A_77 = arith.constant 48 : index
      %swap3A_78 = tpu.vector_load %arg6[%swap3A_76, %swap3A_77] {strides = array<i32>} : memref<80x128xf32, #tpu.memory_space<vmem>>, vector<16xf32>,
      tpu.vector_store %arg6[%swap3A_76, %swap3A_77], %broadcast_in_dim3A_1 {strides = array<i32>} : memref<80x128xf32, #tpu.memory_space<vmem>>, vector<16xf32>,
      %swap3A_79 = arith.index_cast %scan3A_67 : i32 to index
      %swap3A_80 = arith.constant 64 : index
      %swap3A_81 = tpu.vector_load %arg6[%swap3A_79, %swap3A_80] {strides = array<i32>} : memref<80x128xf32, #tpu.memory_space<vmem>>, vector<16xf32>,
      tpu.vector_store %arg6[%swap3A_79, %swap3A_80], %broadcast_in_dim3A_1 {strides = array<i32>} : memref<80x128xf32, #tpu.memory_space<vmem>>, vector<16xf32>,
      %swap3A_82 = arith.index_cast %scan3A_67 : i32 to index
      %swap3A_83 = arith.constant 80 : index
      %swap3A_84 = tpu.vector_load %arg6[%swap3A_82, %swap3A_83] {strides = array<i32>} : memref<80x128xf32, #tpu.memory_space<vmem>>, vector<16xf32>,
      tpu.vector_store %arg6[%swap3A_82, %swap3A_83], %broadcast_in_dim3A_1 {strides = array<i32>} : memref<80x128xf32, #tpu.memory_space<vmem>>, vector<16xf32>,
      %swap3A_85 = arith.index_cast %scan3A_67 : i32 to index
      %swap3A_86 = arith.constant 96 : index
      %swap3A_87 = tpu.vector_load %arg6[%swap3A_85, %swap3A_86] {strides = array<i32>} : memref<80x128xf32, #tpu.memory_space<vmem>>, vector<16xf32>,
      tpu.vector_store %arg6[%swap3A_85, %swap3A_86], %broadcast_in_dim3A_1 {strides = array<i32>} : memref<80x128xf32, #tpu.memory_space<vmem>>, vector<16xf32>,
      %swap3A_88 = arith.index_cast %scan3A_67 : i32 to index
      %swap3A_89 = arith.constant 112 : index
      %swap3A_90 = tpu.vector_load %arg6[%swap3A_88, %swap3A_89] {strides = array<i32>} : memref<80x128xf32, #tpu.memory_space<vmem>>, vector<16xf32>,
      tpu.vector_store %arg6[%swap3A_88, %swap3A_89], %broadcast_in_dim3A_1 {strides = array<i32>} : memref<80x128xf32, #tpu.memory_space<vmem>>, vector<16xf32>,
    }
    %scan3A_6 = arith.constant 80 : i32
    %mul3A_7 = arith.constant 640 : i32
    %mul3A_8 = arith.muli %arg1, %mul3A_7 : i32
    %add3A_9 = arith.constant 0 : i32
    %add3A_10 = arith.addi %mul3A_8, %add3A_9 : i32
    "tpu.region"() ({
      %run_scoped3A = tpu.sem_alloc : memref<!tpu.dma_semaphore, #tpu.memory_space<semaphore_mem>>
      %dma_start3A_67 = arith.constant 0 : i32
      %dma_start3A_68 = tpu.memref_slice %arg8[%add3A_10, %dma_start3A_67] : memref<10240x128xf32, #tpu.memory_space<vmem_shared>> -> memref<80x128xf32, #tpu.memory_space<vmem_shared>>
      %dma_start3A_69 = arith.constant 0 : i32
      %dma_start3A_70 = tpu.memref_slice %arg8[%add3A_10, %dma_start3A_69] : memref<10240x128xf32, #tpu.memory_space<vmem_shared>> -> memref<80x128xf32, #tpu.memory_space<vmem_shared>>
      tpu.enqueue_dma source(%arg6 : memref<80x128xf32, #tpu.memory_space<vmem>>) target(%dma_start3A_70 : memref<80x128xf32, #tpu.memory_space<vmem_shared>>) target_semaphore(%run_scoped3A : memref<!tpu.dma_semaphore, #tpu.memory_space<semaphore_mem>>)
      %dma_wait3A_71 = arith.constant 0 : i32
      %dma_wait3A_72 = tpu.memref_slice %arg8[%add3A_10, %dma_wait3A_71] : memref<10240x128xf32, #tpu.memory_space<vmem_shared>> -> memref<80x128xf32, #tpu.memory_space<vmem_shared>>
      %dma_wait3A_73 = arith.constant 0 : i32
      %dma_wait3A_74 = tpu.memref_slice %arg8[%add3A_10, %dma_wait3A_73] : memref<10240x128xf32, #tpu.memory_space<vmem_shared>> -> memref<80x128xf32, #tpu.memory_space<vmem_shared>>
      tpu.wait_dma2 semaphore(%run_scoped3A : memref<!tpu.dma_semaphore, #tpu.memory_space<semaphore_mem>>) src(%arg6 : memref<80x128xf32, #tpu.memory_space<vmem>>) dst(%dma_wait3A_74 : memref<80x128xf32, #tpu.memory_space<vmem_shared>>)
      tpu.yield
    }) : () -> ()
    %mul3A_11 = arith.constant 640 : i32
    %mul3A_12 = arith.muli %arg1, %mul3A_11 : i32
    %add3A_13 = arith.constant 80 : i32
    %add3A_14 = arith.addi %mul3A_12, %add3A_13 : i32
    "tpu.region"() ({
      %run_scoped3A = tpu.sem_alloc : memref<!tpu.dma_semaphore, #tpu.memory_space<semaphore_mem>>
      %dma_start3A_67 = arith.constant 0 : i32
      %dma_start3A_68 = tpu.memref_slice %arg8[%add3A_14, %dma_start3A_67] : memref<10240x128xf32, #tpu.memory_space<vmem_shared>> -> memref<80x128xf32, #tpu.memory_space<vmem_shared>>
      %dma_start3A_69 = arith.constant 0 : i32
      %dma_start3A_70 = tpu.memref_slice %arg8[%add3A_14, %dma_start3A_69] : memref<10240x128xf32, #tpu.memory_space<vmem_shared>> -> memref<80x128xf32, #tpu.memory_space<vmem_shared>>
      tpu.enqueue_dma source(%arg6 : memref<80x128xf32, #tpu.memory_space<vmem>>) target(%dma_start3A_70 : memref<80x128xf32, #tpu.memory_space<vmem_shared>>) target_semaphore(%run_scoped3A : memref<!tpu.dma_semaphore, #tpu.memory_space<semaphore_mem>>)
      %dma_wait3A_71 = arith.constant 0 : i32
      %dma_wait3A_72 = tpu.memref_slice %arg8[%add3A_14, %dma_wait3A_71] : memref<10240x128xf32, #tpu.memory_space<vmem_shared>> -> memref<80x128xf32, #tpu.memory_space<vmem_shared>>
      %dma_wait3A_73 = arith.constant 0 : i32
      %dma_wait3A_74 = tpu.memref_slice %arg8[%add3A_14, %dma_wait3A_73] : memref<10240x128xf32, #tpu.memory_space<vmem_shared>> -> memref<80x128xf32, #tpu.memory_space<vmem_shared>>
      tpu.wait_dma2 semaphore(%run_scoped3A : memref<!tpu.dma_semaphore, #tpu.memory_space<semaphore_mem>>) src(%arg6 : memref<80x128xf32, #tpu.memory_space<vmem>>) dst(%dma_wait3A_74 : memref<80x128xf32, #tpu.memory_space<vmem_shared>>)
      tpu.yield
    }) : () -> ()
    %mul3A_15 = arith.constant 640 : i32
    %mul3A_16 = arith.muli %arg1, %mul3A_15 : i32
    %add3A_17 = arith.constant 160 : i32
    %add3A_18 = arith.addi %mul3A_16, %add3A_17 : i32
    "tpu.region"() ({
      %run_scoped3A = tpu.sem_alloc : memref<!tpu.dma_semaphore, #tpu.memory_space<semaphore_mem>>
      %dma_start3A_67 = arith.constant 0 : i32
      %dma_start3A_68 = tpu.memref_slice %arg8[%add3A_18, %dma_start3A_67] : memref<10240x128xf32, #tpu.memory_space<vmem_shared>> -> memref<80x128xf32, #tpu.memory_space<vmem_shared>>
      %dma_start3A_69 = arith.constant 0 : i32
      %dma_start3A_70 = tpu.memref_slice %arg8[%add3A_18, %dma_start3A_69] : memref<10240x128xf32, #tpu.memory_space<vmem_shared>> -> memref<80x128xf32, #tpu.memory_space<vmem_shared>>
      tpu.enqueue_dma source(%arg6 : memref<80x128xf32, #tpu.memory_space<vmem>>) target(%dma_start3A_70 : memref<80x128xf32, #tpu.memory_space<vmem_shared>>) target_semaphore(%run_scoped3A : memref<!tpu.dma_semaphore, #tpu.memory_space<semaphore_mem>>)
      %dma_wait3A_71 = arith.constant 0 : i32
      %dma_wait3A_72 = tpu.memref_slice %arg8[%add3A_18, %dma_wait3A_71] : memref<10240x128xf32, #tpu.memory_space<vmem_shared>> -> memref<80x128xf32, #tpu.memory_space<vmem_shared>>
      %dma_wait3A_73 = arith.constant 0 : i32
      %dma_wait3A_74 = tpu.memref_slice %arg8[%add3A_18, %dma_wait3A_73] : memref<10240x128xf32, #tpu.memory_space<vmem_shared>> -> memref<80x128xf32, #tpu.memory_space<vmem_shared>>
      tpu.wait_dma2 semaphore(%run_scoped3A : memref<!tpu.dma_semaphore, #tpu.memory_space<semaphore_mem>>) src(%arg6 : memref<80x128xf32, #tpu.memory_space<vmem>>) dst(%dma_wait3A_74 : memref<80x128xf32, #tpu.memory_space<vmem_shared>>)
      tpu.yield
    }) : () -> ()
    %mul3A_19 = arith.constant 640 : i32
    %mul3A_20 = arith.muli %arg1, %mul3A_19 : i32
    %add3A_21 = arith.constant 240 : i32
    %add3A_22 = arith.addi %mul3A_20, %add3A_21 : i32
    "tpu.region"() ({
      %run_scoped3A = tpu.sem_alloc : memref<!tpu.dma_semaphore, #tpu.memory_space<semaphore_mem>>
      %dma_start3A_67 = arith.constant 0 : i32
      %dma_start3A_68 = tpu.memref_slice %arg8[%add3A_22, %dma_start3A_67] : memref<10240x128xf32, #tpu.memory_space<vmem_shared>> -> memref<80x128xf32, #tpu.memory_space<vmem_shared>>
      %dma_start3A_69 = arith.constant 0 : i32
      %dma_start3A_70 = tpu.memref_slice %arg8[%add3A_22, %dma_start3A_69] : memref<10240x128xf32, #tpu.memory_space<vmem_shared>> -> memref<80x128xf32, #tpu.memory_space<vmem_shared>>
      tpu.enqueue_dma source(%arg6 : memref<80x128xf32, #tpu.memory_space<vmem>>) target(%dma_start3A_70 : memref<80x128xf32, #tpu.memory_space<vmem_shared>>) target_semaphore(%run_scoped3A : memref<!tpu.dma_semaphore, #tpu.memory_space<semaphore_mem>>)
      %dma_wait3A_71 = arith.constant 0 : i32
      %dma_wait3A_72 = tpu.memref_slice %arg8[%add3A_22, %dma_wait3A_71] : memref<10240x128xf32, #tpu.memory_space<vmem_shared>> -> memref<80x128xf32, #tpu.memory_space<vmem_shared>>
      %dma_wait3A_73 = arith.constant 0 : i32
      %dma_wait3A_74 = tpu.memref_slice %arg8[%add3A_22, %dma_wait3A_73] : memref<10240x128xf32, #tpu.memory_space<vmem_shared>> -> memref<80x128xf32, #tpu.memory_space<vmem_shared>>
      tpu.wait_dma2 semaphore(%run_scoped3A : memref<!tpu.dma_semaphore, #tpu.memory_space<semaphore_mem>>) src(%arg6 : memref<80x128xf32, #tpu.memory_space<vmem>>) dst(%dma_wait3A_74 : memref<80x128xf32, #tpu.memory_space<vmem_shared>>)
      tpu.yield
    }) : () -> ()
    %mul3A_23 = arith.constant 640 : i32
    %mul3A_24 = arith.muli %arg1, %mul3A_23 : i32
    %add3A_25 = arith.constant 320 : i32
    %add3A_26 = arith.addi %mul3A_24, %add3A_25 : i32
    "tpu.region"() ({
      %run_scoped3A = tpu.sem_alloc : memref<!tpu.dma_semaphore, #tpu.memory_space<semaphore_mem>>
      %dma_start3A_67 = arith.constant 0 : i32
      %dma_start3A_68 = tpu.memref_slice %arg8[%add3A_26, %dma_start3A_67] : memref<10240x128xf32, #tpu.memory_space<vmem_shared>> -> memref<80x128xf32, #tpu.memory_space<vmem_shared>>
      %dma_start3A_69 = arith.constant 0 : i32
      %dma_start3A_70 = tpu.memref_slice %arg8[%add3A_26, %dma_start3A_69] : memref<10240x128xf32, #tpu.memory_space<vmem_shared>> -> memref<80x128xf32, #tpu.memory_space<vmem_shared>>
      tpu.enqueue_dma source(%arg6 : memref<80x128xf32, #tpu.memory_space<vmem>>) target(%dma_start3A_70 : memref<80x128xf32, #tpu.memory_space<vmem_shared>>) target_semaphore(%run_scoped3A : memref<!tpu.dma_semaphore, #tpu.memory_space<semaphore_mem>>)
      %dma_wait3A_71 = arith.constant 0 : i32
      %dma_wait3A_72 = tpu.memref_slice %arg8[%add3A_26, %dma_wait3A_71] : memref<10240x128xf32, #tpu.memory_space<vmem_shared>> -> memref<80x128xf32, #tpu.memory_space<vmem_shared>>
      %dma_wait3A_73 = arith.constant 0 : i32
      %dma_wait3A_74 = tpu.memref_slice %arg8[%add3A_26, %dma_wait3A_73] : memref<10240x128xf32, #tpu.memory_space<vmem_shared>> -> memref<80x128xf32, #tpu.memory_space<vmem_shared>>
      tpu.wait_dma2 semaphore(%run_scoped3A : memref<!tpu.dma_semaphore, #tpu.memory_space<semaphore_mem>>) src(%arg6 : memref<80x128xf32, #tpu.memory_space<vmem>>) dst(%dma_wait3A_74 : memref<80x128xf32, #tpu.memory_space<vmem_shared>>)
      tpu.yield
    }) : () -> ()
    %mul3A_27 = arith.constant 640 : i32
    %mul3A_28 = arith.muli %arg1, %mul3A_27 : i32
    %add3A_29 = arith.constant 400 : i32
    %add3A_30 = arith.addi %mul3A_28, %add3A_29 : i32
    "tpu.region"() ({
      %run_scoped3A = tpu.sem_alloc : memref<!tpu.dma_semaphore, #tpu.memory_space<semaphore_mem>>
      %dma_start3A_67 = arith.constant 0 : i32
      %dma_start3A_68 = tpu.memref_slice %arg8[%add3A_30, %dma_start3A_67] : memref<10240x128xf32, #tpu.memory_space<vmem_shared>> -> memref<80x128xf32, #tpu.memory_space<vmem_shared>>
      %dma_start3A_69 = arith.constant 0 : i32
      %dma_start3A_70 = tpu.memref_slice %arg8[%add3A_30, %dma_start3A_69] : memref<10240x128xf32, #tpu.memory_space<vmem_shared>> -> memref<80x128xf32, #tpu.memory_space<vmem_shared>>
      tpu.enqueue_dma source(%arg6 : memref<80x128xf32, #tpu.memory_space<vmem>>) target(%dma_start3A_70 : memref<80x128xf32, #tpu.memory_space<vmem_shared>>) target_semaphore(%run_scoped3A : memref<!tpu.dma_semaphore, #tpu.memory_space<semaphore_mem>>)
      %dma_wait3A_71 = arith.constant 0 : i32
      %dma_wait3A_72 = tpu.memref_slice %arg8[%add3A_30, %dma_wait3A_71] : memref<10240x128xf32, #tpu.memory_space<vmem_shared>> -> memref<80x128xf32, #tpu.memory_space<vmem_shared>>
      %dma_wait3A_73 = arith.constant 0 : i32
      %dma_wait3A_74 = tpu.memref_slice %arg8[%add3A_30, %dma_wait3A_73] : memref<10240x128xf32, #tpu.memory_space<vmem_shared>> -> memref<80x128xf32, #tpu.memory_space<vmem_shared>>
      tpu.wait_dma2 semaphore(%run_scoped3A : memref<!tpu.dma_semaphore, #tpu.memory_space<semaphore_mem>>) src(%arg6 : memref<80x128xf32, #tpu.memory_space<vmem>>) dst(%dma_wait3A_74 : memref<80x128xf32, #tpu.memory_space<vmem_shared>>)
      tpu.yield
    }) : () -> ()
    %mul3A_31 = arith.constant 640 : i32
    %mul3A_32 = arith.muli %arg1, %mul3A_31 : i32
    %add3A_33 = arith.constant 480 : i32
    %add3A_34 = arith.addi %mul3A_32, %add3A_33 : i32
    "tpu.region"() ({
      %run_scoped3A = tpu.sem_alloc : memref<!tpu.dma_semaphore, #tpu.memory_space<semaphore_mem>>
      %dma_start3A_67 = arith.constant 0 : i32
      %dma_start3A_68 = tpu.memref_slice %arg8[%add3A_34, %dma_start3A_67] : memref<10240x128xf32, #tpu.memory_space<vmem_shared>> -> memref<80x128xf32, #tpu.memory_space<vmem_shared>>
      %dma_start3A_69 = arith.constant 0 : i32
      %dma_start3A_70 = tpu.memref_slice %arg8[%add3A_34, %dma_start3A_69] : memref<10240x128xf32, #tpu.memory_space<vmem_shared>> -> memref<80x128xf32, #tpu.memory_space<vmem_shared>>
      tpu.enqueue_dma source(%arg6 : memref<80x128xf32, #tpu.memory_space<vmem>>) target(%dma_start3A_70 : memref<80x128xf32, #tpu.memory_space<vmem_shared>>) target_semaphore(%run_scoped3A : memref<!tpu.dma_semaphore, #tpu.memory_space<semaphore_mem>>)
      %dma_wait3A_71 = arith.constant 0 : i32
      %dma_wait3A_72 = tpu.memref_slice %arg8[%add3A_34, %dma_wait3A_71] : memref<10240x128xf32, #tpu.memory_space<vmem_shared>> -> memref<80x128xf32, #tpu.memory_space<vmem_shared>>
      %dma_wait3A_73 = arith.constant 0 : i32
      %dma_wait3A_74 = tpu.memref_slice %arg8[%add3A_34, %dma_wait3A_73] : memref<10240x128xf32, #tpu.memory_space<vmem_shared>> -> memref<80x128xf32, #tpu.memory_space<vmem_shared>>
      tpu.wait_dma2 semaphore(%run_scoped3A : memref<!tpu.dma_semaphore, #tpu.memory_space<semaphore_mem>>) src(%arg6 : memref<80x128xf32, #tpu.memory_space<vmem>>) dst(%dma_wait3A_74 : memref<80x128xf32, #tpu.memory_space<vmem_shared>>)
      tpu.yield
    }) : () -> ()
    %mul3A_35 = arith.constant 640 : i32
    %mul3A_36 = arith.muli %arg1, %mul3A_35 : i32
    %add3A_37 = arith.constant 560 : i32
    %add3A_38 = arith.addi %mul3A_36, %add3A_37 : i32
    "tpu.region"() ({
      %run_scoped3A = tpu.sem_alloc : memref<!tpu.dma_semaphore, #tpu.memory_space<semaphore_mem>>
      %dma_start3A_67 = arith.constant 0 : i32
      %dma_start3A_68 = tpu.memref_slice %arg8[%add3A_38, %dma_start3A_67] : memref<10240x128xf32, #tpu.memory_space<vmem_shared>> -> memref<80x128xf32, #tpu.memory_space<vmem_shared>>
      %dma_start3A_69 = arith.constant 0 : i32
      %dma_start3A_70 = tpu.memref_slice %arg8[%add3A_38, %dma_start3A_69] : memref<10240x128xf32, #tpu.memory_space<vmem_shared>> -> memref<80x128xf32, #tpu.memory_space<vmem_shared>>
      tpu.enqueue_dma source(%arg6 : memref<80x128xf32, #tpu.memory_space<vmem>>) target(%dma_start3A_70 : memref<80x128xf32, #tpu.memory_space<vmem_shared>>) target_semaphore(%run_scoped3A : memref<!tpu.dma_semaphore, #tpu.memory_space<semaphore_mem>>)
      %dma_wait3A_71 = arith.constant 0 : i32
      %dma_wait3A_72 = tpu.memref_slice %arg8[%add3A_38, %dma_wait3A_71] : memref<10240x128xf32, #tpu.memory_space<vmem_shared>> -> memref<80x128xf32, #tpu.memory_space<vmem_shared>>
      %dma_wait3A_73 = arith.constant 0 : i32
      %dma_wait3A_74 = tpu.memref_slice %arg8[%add3A_38, %dma_wait3A_73] : memref<10240x128xf32, #tpu.memory_space<vmem_shared>> -> memref<80x128xf32, #tpu.memory_space<vmem_shared>>
      tpu.wait_dma2 semaphore(%run_scoped3A : memref<!tpu.dma_semaphore, #tpu.memory_space<semaphore_mem>>) src(%arg6 : memref<80x128xf32, #tpu.memory_space<vmem>>) dst(%dma_wait3A_74 : memref<80x128xf32, #tpu.memory_space<vmem_shared>>)
      tpu.yield
    }) : () -> ()
    %barrier3A = arith.constant 0 : index
    tpu.barrier barrier_id(%barrier3A)
    "tpu.region"() ({
      %run_scoped3A = tpu.sem_alloc : memref<!tpu.dma_semaphore, #tpu.memory_space<semaphore_mem>>
      %dma_start3A_67 = arith.constant 0 : i32
      %dma_start3A_68 = arith.constant 0 : i32
      %dma_start3A_69 = tpu.memref_slice %arg3[%add3A, %dma_start3A_67, %dma_start3A_68] : memref<32x125x80xi32, #tpu.memory_space<hbm>> -> memref<1x125x80xi32, #tpu.memory_space<hbm>>
      %dma_start3A_70 = tpu.memref_squeeze %dma_start3A_69 : memref<1x125x80xi32, #tpu.memory_space<hbm>> -> memref<125x80xi32, #tpu.memory_space<hbm>>
      %dma_start3A_71 = arith.constant 0 : i32
      %dma_start3A_72 = arith.constant 0 : i32
      %dma_start3A_73 = tpu.memref_slice %arg3[%add3A, %dma_start3A_71, %dma_start3A_72] : memref<32x125x80xi32, #tpu.memory_space<hbm>> -> memref<1x125x80xi32, #tpu.memory_space<hbm>>
      %dma_start3A_74 = tpu.memref_squeeze %dma_start3A_73 : memref<1x125x80xi32, #tpu.memory_space<hbm>> -> memref<125x80xi32, #tpu.memory_space<hbm>>
      tpu.enqueue_dma source(%dma_start3A_74 : memref<125x80xi32, #tpu.memory_space<hbm>>) target(%arg5 : memref<125x80xi32, #tpu.memory_space<vmem>>) target_semaphore(%run_scoped3A : memref<!tpu.dma_semaphore, #tpu.memory_space<semaphore_mem>>)
      %dma_wait3A_75 = arith.constant 0 : i32
      %dma_wait3A_76 = arith.constant 0 : i32
      %dma_wait3A_77 = tpu.memref_slice %arg3[%add3A, %dma_wait3A_75, %dma_wait3A_76] : memref<32x125x80xi32, #tpu.memory_space<hbm>> -> memref<1x125x80xi32, #tpu.memory_space<hbm>>
      %dma_wait3A_78 = tpu.memref_squeeze %dma_wait3A_77 : memref<1x125x80xi32, #tpu.memory_space<hbm>> -> memref<125x80xi32, #tpu.memory_space<hbm>>
      %dma_wait3A_79 = arith.constant 0 : i32
      %dma_wait3A_80 = arith.constant 0 : i32
      %dma_wait3A_81 = tpu.memref_slice %arg3[%add3A, %dma_wait3A_79, %dma_wait3A_80] : memref<32x125x80xi32, #tpu.memory_space<hbm>> -> memref<1x125x80xi32, #tpu.memory_space<hbm>>
      %dma_wait3A_82 = tpu.memref_squeeze %dma_wait3A_81 : memref<1x125x80xi32, #tpu.memory_space<hbm>> -> memref<125x80xi32, #tpu.memory_space<hbm>>
      tpu.wait_dma2 semaphore(%run_scoped3A : memref<!tpu.dma_semaphore, #tpu.memory_space<semaphore_mem>>) src(%dma_wait3A_82 : memref<125x80xi32, #tpu.memory_space<hbm>>) dst(%arg5 : memref<125x80xi32, #tpu.memory_space<vmem>>)
      tpu.yield
    }) : () -> ()
    %mul3A_39 = arith.constant 10000 : i32
    %mul3A_40 = arith.muli %add3A, %mul3A_39 : i32
    %add3A_41 = arith.constant 0 : i32
    %add3A_42 = arith.addi %mul3A_40, %add3A_41 : i32
    %dma_start3A = arith.constant 0 : i32
    %dma_start3A_43 = tpu.memref_slice %arg2[%add3A_42, %dma_start3A] : memref<320000x128xf32, #tpu.memory_space<hbm>> -> memref<80x128xf32, #tpu.memory_space<hbm>>
    %dma_start3A_44 = arith.constant 0 : i32
    %dma_start3A_45 = tpu.memref_slice %arg2[%add3A_42, %dma_start3A_44] : memref<320000x128xf32, #tpu.memory_space<hbm>> -> memref<80x128xf32, #tpu.memory_space<hbm>>
    tpu.enqueue_dma source(%dma_start3A_45 : memref<80x128xf32, #tpu.memory_space<hbm>>) target(%arg6 : memref<80x128xf32, #tpu.memory_space<vmem>>) target_semaphore(%arg9 : memref<!tpu.dma_semaphore, #tpu.memory_space<semaphore_mem>>)
    %scan3A_46 = arith.constant 0 : i32
    %scan3A_47 = arith.constant 0 : i32
    %scan3A_48 = arith.constant 125 : i32
    %scan3A_49 = arith.addi %scan3A_47, %scan3A_48 : i32
    %scan3A_50 = arith.constant 1 : i32
    scf.for %scan3A_67 = %scan3A_47 to %scan3A_49 step %scan3A_50  : i32 {
      %jit3A = arith.constant 2 : i32
      %eq3A = arith.constant 0 : i32
      %eq3A_68 = arith.cmpi eq, %jit3A, %eq3A : i32
      %jit3A_69 = arith.constant 1 : i32
      %select_n3A = arith.select %eq3A_68, %jit3A_69, %jit3A : i32
      %rem3A = arith.remsi %scan3A_67, %select_n3A : i32
      %ne3A = arith.constant 0 : i32
      %ne3A_70 = arith.cmpi ne, %rem3A, %ne3A : i32
      %lt3A = arith.constant 0 : i32
      %lt3A_71 = arith.cmpi slt, %rem3A, %lt3A : i32
      %lt3A_72 = arith.constant 0 : i32
      %lt3A_73 = arith.cmpi slt, %select_n3A, %lt3A_72 : i32
      %ne3A_74 = arith.xori %lt3A_71, %lt3A_73 : i1
      %and3A = arith.andi %ne3A_74, %ne3A_70 : i1
      %add3A_75 = arith.addi %rem3A, %select_n3A : i32
      %select_n3A_76 = arith.select %and3A, %add3A_75, %rem3A : i32
      %eq3A_77 = arith.constant 0 : i32
      %eq3A_78 = arith.cmpi eq, %select_n3A_76, %eq3A_77 : i32
      %convert_element_type3A = arith.extui %eq3A_78 : i1 to i32
      %cond3A = arith.constant 0 : i32
      %cond3A_79 = arith.cmpi ne, %convert_element_type3A, %cond3A : i32
      scf.if %cond3A_79 {
        %dma_wait3A_101 = arith.constant 0 : i32
        %dma_wait3A_102 = arith.constant 0 : i32
        %dma_wait3A_103 = tpu.memref_slice %arg2[%dma_wait3A_101, %dma_wait3A_102] : memref<320000x128xf32, #tpu.memory_space<hbm>> -> memref<80x128xf32, #tpu.memory_space<hbm>>
        %dma_wait3A_104 = arith.constant 0 : i32
        %dma_wait3A_105 = arith.constant 0 : i32
        %dma_wait3A_106 = tpu.memref_slice %arg2[%dma_wait3A_104, %dma_wait3A_105] : memref<320000x128xf32, #tpu.memory_space<hbm>> -> memref<80x128xf32, #tpu.memory_space<hbm>>
        tpu.wait_dma2 semaphore(%arg9 : memref<!tpu.dma_semaphore, #tpu.memory_space<semaphore_mem>>) src(%dma_wait3A_106 : memref<80x128xf32, #tpu.memory_space<hbm>>) dst(%arg6 : memref<80x128xf32, #tpu.memory_space<vmem>>)
        %ge3A = arith.constant 1 : i32
        %ge3A_107 = arith.cmpi sge, %scan3A_67, %ge3A : i32
        %convert_element_type3A_108 = arith.extui %ge3A_107 : i1 to i32
        %cond3A_109 = arith.constant 0 : i32
        %cond3A_110 = arith.cmpi ne, %convert_element_type3A_108, %cond3A_109 : i32
        scf.if %cond3A_110 {
          %sub3A = arith.constant 1 : i32
          %sub3A_129 = arith.subi %scan3A_67, %sub3A : i32
          %dma_wait3A_130 = arith.constant 0 : i32
          %dma_wait3A_131 = tpu.memref_slice %arg5[%sub3A_129, %dma_wait3A_130] : memref<125x80xi32, #tpu.memory_space<vmem>> -> memref<1x80xi32, #tpu.memory_space<vmem>>
          %dma_wait3A_132 = tpu.memref_squeeze %dma_wait3A_131 : memref<1x80xi32, #tpu.memory_space<vmem>> -> memref<80xi32, #tpu.memory_space<vmem>>
          %dma_wait3A_133 = arith.constant 0 : i32
          %dma_wait3A_134 = arith.constant 0 : i32
          %dma_wait3A_135 = tpu.memref_slice %arg8[%dma_wait3A_133, %dma_wait3A_134] : memref<10240x128xf32, #tpu.memory_space<vmem_shared>> -> memref<10240x128xf32, #tpu.memory_space<vmem_shared>>
          tpu.wait_indirect_dma semaphore(%arg10 : memref<!tpu.dma_semaphore, #tpu.memory_space<semaphore_mem>>) src(%arg7 : memref<80x128xf32, #tpu.memory_space<vmem>>) dst(%dma_wait3A_135 : memref<10240x128xf32, #tpu.memory_space<vmem_shared>>)
        } else {
        }
        %add3A_111 = arith.constant 1 : i32
        %add3A_112 = arith.addi %scan3A_67, %add3A_111 : i32
        %min3A = arith.constant 124 : i32
        %min3A_113 = arith.minsi %add3A_112, %min3A : i32
        %mul3A_114 = arith.constant 10000 : i32
        %mul3A_115 = arith.muli %add3A, %mul3A_114 : i32
        %mul3A_116 = arith.constant 80 : i32
        %mul3A_117 = arith.muli %min3A_113, %mul3A_116 : i32
        %add3A_118 = arith.addi %mul3A_115, %mul3A_117 : i32
        %dma_start3A_119 = arith.constant 0 : i32
        %dma_start3A_120 = tpu.memref_slice %arg2[%add3A_118, %dma_start3A_119] : memref<320000x128xf32, #tpu.memory_space<hbm>> -> memref<80x128xf32, #tpu.memory_space<hbm>>
        %dma_start3A_121 = arith.constant 0 : i32
        %dma_start3A_122 = tpu.memref_slice %arg2[%add3A_118, %dma_start3A_121] : memref<320000x128xf32, #tpu.memory_space<hbm>> -> memref<80x128xf32, #tpu.memory_space<hbm>>
        tpu.enqueue_dma source(%dma_start3A_122 : memref<80x128xf32, #tpu.memory_space<hbm>>) target(%arg7 : memref<80x128xf32, #tpu.memory_space<vmem>>) target_semaphore(%arg9 : memref<!tpu.dma_semaphore, #tpu.memory_space<semaphore_mem>>)
        %dma_start3A_123 = arith.constant 0 : i32
        %dma_start3A_124 = tpu.memref_slice %arg5[%scan3A_67, %dma_start3A_123] : memref<125x80xi32, #tpu.memory_space<vmem>> -> memref<1x80xi32, #tpu.memory_space<vmem>>
        %dma_start3A_125 = tpu.memref_squeeze %dma_start3A_124 : memref<1x80xi32, #tpu.memory_space<vmem>> -> memref<80xi32, #tpu.memory_space<vmem>>
        %dma_start3A_126 = arith.constant 0 : i32
        %dma_start3A_127 = arith.constant 0 : i32
        %dma_start3A_128 = tpu.memref_slice %arg8[%dma_start3A_126, %dma_start3A_127] : memref<10240x128xf32, #tpu.memory_space<vmem_shared>> -> memref<10240x128xf32, #tpu.memory_space<vmem_shared>>
        tpu.enqueue_indirect_dma source(%arg6 : memref<80x128xf32, #tpu.memory_space<vmem>>) target(%dma_start3A_128 : memref<10240x128xf32, #tpu.memory_space<vmem_shared>>) offsets(%dma_start3A_125 : memref<80xi32, #tpu.memory_space<vmem>>) semaphore(%arg10 : memref<!tpu.dma_semaphore, #tpu.memory_space<semaphore_mem>>) {add = true}
      } else {
      }
      %jit3A_80 = arith.constant 2 : i32
      %eq3A_81 = arith.constant 0 : i32
      %eq3A_82 = arith.cmpi eq, %jit3A_80, %eq3A_81 : i32
      %jit3A_83 = arith.constant 1 : i32
      %select_n3A_84 = arith.select %eq3A_82, %jit3A_83, %jit3A_80 : i32
      %rem3A_85 = arith.remsi %scan3A_67, %select_n3A_84 : i32
      %ne3A_86 = arith.constant 0 : i32
      %ne3A_87 = arith.cmpi ne, %rem3A_85, %ne3A_86 : i32
      %lt3A_88 = arith.constant 0 : i32
      %lt3A_89 = arith.cmpi slt, %rem3A_85, %lt3A_88 : i32
      %lt3A_90 = arith.constant 0 : i32
      %lt3A_91 = arith.cmpi slt, %select_n3A_84, %lt3A_90 : i32
      %ne3A_92 = arith.xori %lt3A_89, %lt3A_91 : i1
      %and3A_93 = arith.andi %ne3A_92, %ne3A_87 : i1
      %add3A_94 = arith.addi %rem3A_85, %select_n3A_84 : i32
      %select_n3A_95 = arith.select %and3A_93, %add3A_94, %rem3A_85 : i32
      %eq3A_96 = arith.constant 1 : i32
      %eq3A_97 = arith.cmpi eq, %select_n3A_95, %eq3A_96 : i32
      %convert_element_type3A_98 = arith.extui %eq3A_97 : i1 to i32
      %cond3A_99 = arith.constant 0 : i32
      %cond3A_100 = arith.cmpi ne, %convert_element_type3A_98, %cond3A_99 : i32
      scf.if %cond3A_100 {
        %dma_wait3A_101 = arith.constant 0 : i32
        %dma_wait3A_102 = arith.constant 0 : i32
        %dma_wait3A_103 = tpu.memref_slice %arg2[%dma_wait3A_101, %dma_wait3A_102] : memref<320000x128xf32, #tpu.memory_space<hbm>> -> memref<80x128xf32, #tpu.memory_space<hbm>>
        %dma_wait3A_104 = arith.constant 0 : i32
        %dma_wait3A_105 = arith.constant 0 : i32
        %dma_wait3A_106 = tpu.memref_slice %arg2[%dma_wait3A_104, %dma_wait3A_105] : memref<320000x128xf32, #tpu.memory_space<hbm>> -> memref<80x128xf32, #tpu.memory_space<hbm>>
        tpu.wait_dma2 semaphore(%arg9 : memref<!tpu.dma_semaphore, #tpu.memory_space<semaphore_mem>>) src(%dma_wait3A_106 : memref<80x128xf32, #tpu.memory_space<hbm>>) dst(%arg7 : memref<80x128xf32, #tpu.memory_space<vmem>>)
        %ge3A = arith.constant 1 : i32
        %ge3A_107 = arith.cmpi sge, %scan3A_67, %ge3A : i32
        %convert_element_type3A_108 = arith.extui %ge3A_107 : i1 to i32
        %cond3A_109 = arith.constant 0 : i32
        %cond3A_110 = arith.cmpi ne, %convert_element_type3A_108, %cond3A_109 : i32
        scf.if %cond3A_110 {
          %sub3A = arith.constant 1 : i32
          %sub3A_129 = arith.subi %scan3A_67, %sub3A : i32
          %dma_wait3A_130 = arith.constant 0 : i32
          %dma_wait3A_131 = tpu.memref_slice %arg5[%sub3A_129, %dma_wait3A_130] : memref<125x80xi32, #tpu.memory_space<vmem>> -> memref<1x80xi32, #tpu.memory_space<vmem>>
          %dma_wait3A_132 = tpu.memref_squeeze %dma_wait3A_131 : memref<1x80xi32, #tpu.memory_space<vmem>> -> memref<80xi32, #tpu.memory_space<vmem>>
          %dma_wait3A_133 = arith.constant 0 : i32
          %dma_wait3A_134 = arith.constant 0 : i32
          %dma_wait3A_135 = tpu.memref_slice %arg8[%dma_wait3A_133, %dma_wait3A_134] : memref<10240x128xf32, #tpu.memory_space<vmem_shared>> -> memref<10240x128xf32, #tpu.memory_space<vmem_shared>>
          tpu.wait_indirect_dma semaphore(%arg10 : memref<!tpu.dma_semaphore, #tpu.memory_space<semaphore_mem>>) src(%arg6 : memref<80x128xf32, #tpu.memory_space<vmem>>) dst(%dma_wait3A_135 : memref<10240x128xf32, #tpu.memory_space<vmem_shared>>)
        } else {
        }
        %add3A_111 = arith.constant 1 : i32
        %add3A_112 = arith.addi %scan3A_67, %add3A_111 : i32
        %min3A = arith.constant 124 : i32
        %min3A_113 = arith.minsi %add3A_112, %min3A : i32
        %mul3A_114 = arith.constant 10000 : i32
        %mul3A_115 = arith.muli %add3A, %mul3A_114 : i32
        %mul3A_116 = arith.constant 80 : i32
        %mul3A_117 = arith.muli %min3A_113, %mul3A_116 : i32
        %add3A_118 = arith.addi %mul3A_115, %mul3A_117 : i32
        %dma_start3A_119 = arith.constant 0 : i32
        %dma_start3A_120 = tpu.memref_slice %arg2[%add3A_118, %dma_start3A_119] : memref<320000x128xf32, #tpu.memory_space<hbm>> -> memref<80x128xf32, #tpu.memory_space<hbm>>
        %dma_start3A_121 = arith.constant 0 : i32
        %dma_start3A_122 = tpu.memref_slice %arg2[%add3A_118, %dma_start3A_121] : memref<320000x128xf32, #tpu.memory_space<hbm>> -> memref<80x128xf32, #tpu.memory_space<hbm>>
        tpu.enqueue_dma source(%dma_start3A_122 : memref<80x128xf32, #tpu.memory_space<hbm>>) target(%arg6 : memref<80x128xf32, #tpu.memory_space<vmem>>) target_semaphore(%arg9 : memref<!tpu.dma_semaphore, #tpu.memory_space<semaphore_mem>>)
        %dma_start3A_123 = arith.constant 0 : i32
        %dma_start3A_124 = tpu.memref_slice %arg5[%scan3A_67, %dma_start3A_123] : memref<125x80xi32, #tpu.memory_space<vmem>> -> memref<1x80xi32, #tpu.memory_space<vmem>>
        %dma_start3A_125 = tpu.memref_squeeze %dma_start3A_124 : memref<1x80xi32, #tpu.memory_space<vmem>> -> memref<80xi32, #tpu.memory_space<vmem>>
        %dma_start3A_126 = arith.constant 0 : i32
        %dma_start3A_127 = arith.constant 0 : i32
        %dma_start3A_128 = tpu.memref_slice %arg8[%dma_start3A_126, %dma_start3A_127] : memref<10240x128xf32, #tpu.memory_space<vmem_shared>> -> memref<10240x128xf32, #tpu.memory_space<vmem_shared>>
        tpu.enqueue_indirect_dma source(%arg7 : memref<80x128xf32, #tpu.memory_space<vmem>>) target(%dma_start3A_128 : memref<10240x128xf32, #tpu.memory_space<vmem_shared>>) offsets(%dma_start3A_125 : memref<80xi32, #tpu.memory_space<vmem>>) semaphore(%arg10 : memref<!tpu.dma_semaphore, #tpu.memory_space<semaphore_mem>>) {add = true}
      } else {
      }
    }
    %scan3A_51 = arith.constant 125 : i32
    %dma_wait3A = arith.constant 0 : i32
    %dma_wait3A_52 = arith.constant 0 : i32
    %dma_wait3A_53 = tpu.memref_slice %arg2[%dma_wait3A, %dma_wait3A_52] : memref<320000x128xf32, #tpu.memory_space<hbm>> -> memref<80x128xf32, #tpu.memory_space<hbm>>
    %dma_wait3A_54 = arith.constant 0 : i32
    %dma_wait3A_55 = arith.constant 0 : i32
    %dma_wait3A_56 = tpu.memref_slice %arg2[%dma_wait3A_54, %dma_wait3A_55] : memref<320000x128xf32, #tpu.memory_space<hbm>> -> memref<80x128xf32, #tpu.memory_space<hbm>>
    tpu.wait_dma2 semaphore(%arg9 : memref<!tpu.dma_semaphore, #tpu.memory_space<semaphore_mem>>) src(%dma_wait3A_56 : memref<80x128xf32, #tpu.memory_space<hbm>>) dst(%arg7 : memref<80x128xf32, #tpu.memory_space<vmem>>)
    %dma_wait3A_57 = arith.constant 124 : i32
    %dma_wait3A_58 = arith.constant 0 : i32
    %dma_wait3A_59 = tpu.memref_slice %arg5[%dma_wait3A_57, %dma_wait3A_58] : memref<125x80xi32, #tpu.memory_space<vmem>> -> memref<1x80xi32, #tpu.memory_space<vmem>>
    %dma_wait3A_60 = tpu.memref_squeeze %dma_wait3A_59 : memref<1x80xi32, #tpu.memory_space<vmem>> -> memref<80xi32, #tpu.memory_space<vmem>>
    %dma_wait3A_61 = arith.constant 0 : i32
    %dma_wait3A_62 = arith.constant 0 : i32
    %dma_wait3A_63 = tpu.memref_slice %arg8[%dma_wait3A_61, %dma_wait3A_62] : memref<10240x128xf32, #tpu.memory_space<vmem_shared>> -> memref<10240x128xf32, #tpu.memory_space<vmem_shared>>
    tpu.wait_indirect_dma semaphore(%arg10 : memref<!tpu.dma_semaphore, #tpu.memory_space<semaphore_mem>>) src(%arg6 : memref<80x128xf32, #tpu.memory_space<vmem>>) dst(%dma_wait3A_63 : memref<10240x128xf32, #tpu.memory_space<vmem_shared>>)
    %barrier3A_64 = arith.constant 0 : index
    tpu.barrier barrier_id(%barrier3A_64)
    %mul3A_65 = arith.constant 640 : i32
    %mul3A_66 = arith.muli %arg1, %mul3A_65 : i32
    "tpu.region"() ({
      %run_scoped3A = tpu.sem_alloc : memref<!tpu.dma_semaphore, #tpu.memory_space<semaphore_mem>>
      %dma_start3A_67 = arith.constant 0 : i32
      %dma_start3A_68 = arith.constant 0 : i32
      %dma_start3A_69 = tpu.memref_slice %arg4[%arg0, %dma_start3A_67, %dma_start3A_68] : memref<2x10240x128xf32, #tpu.memory_space<hbm>> -> memref<1x10240x128xf32, #tpu.memory_space<hbm>>
      %dma_start3A_70 = tpu.memref_squeeze %dma_start3A_69 : memref<1x10240x128xf32, #tpu.memory_space<hbm>> -> memref<10240x128xf32, #tpu.memory_space<hbm>>
      %dma_start3A_71 = arith.constant 0 : i32
      %dma_start3A_72 = tpu.memref_slice %dma_start3A_70[%mul3A_66, %dma_start3A_71] : memref<10240x128xf32, #tpu.memory_space<hbm>> -> memref<640x128xf32, #tpu.memory_space<hbm>>
      %dma_start3A_73 = arith.constant 0 : i32
      %dma_start3A_74 = tpu.memref_slice %arg8[%mul3A_66, %dma_start3A_73] : memref<10240x128xf32, #tpu.memory_space<vmem_shared>> -> memref<640x128xf32, #tpu.memory_space<vmem_shared>>
      tpu.enqueue_dma source(%dma_start3A_74 : memref<640x128xf32, #tpu.memory_space<vmem_shared>>) target(%dma_start3A_72 : memref<640x128xf32, #tpu.memory_space<hbm>>) target_semaphore(%run_scoped3A : memref<!tpu.dma_semaphore, #tpu.memory_space<semaphore_mem>>)
      %dma_wait3A_75 = arith.constant 0 : i32
      %dma_wait3A_76 = arith.constant 0 : i32
      %dma_wait3A_77 = tpu.memref_slice %arg4[%arg0, %dma_wait3A_75, %dma_wait3A_76] : memref<2x10240x128xf32, #tpu.memory_space<hbm>> -> memref<1x10240x128xf32, #tpu.memory_space<hbm>>
      %dma_wait3A_78 = tpu.memref_squeeze %dma_wait3A_77 : memref<1x10240x128xf32, #tpu.memory_space<hbm>> -> memref<10240x128xf32, #tpu.memory_space<hbm>>
      %dma_wait3A_79 = arith.constant 0 : i32
      %dma_wait3A_80 = tpu.memref_slice %dma_wait3A_78[%mul3A_66, %dma_wait3A_79] : memref<10240x128xf32, #tpu.memory_space<hbm>> -> memref<640x128xf32, #tpu.memory_space<hbm>>
      %dma_wait3A_81 = arith.constant 0 : i32
      %dma_wait3A_82 = tpu.memref_slice %arg8[%mul3A_66, %dma_wait3A_81] : memref<10240x128xf32, #tpu.memory_space<vmem_shared>> -> memref<640x128xf32, #tpu.memory_space<vmem_shared>>
      tpu.wait_dma2 semaphore(%run_scoped3A : memref<!tpu.dma_semaphore, #tpu.memory_space<semaphore_mem>>) src(%dma_wait3A_82 : memref<640x128xf32, #tpu.memory_space<vmem_shared>>) dst(%dma_wait3A_80 : memref<640x128xf32, #tpu.memory_space<hbm>>)
      tpu.yield
    }) : () -> ()
    return
  }
}

#map = affine_map<(d0, d1) -> (0, 0)>
#map1 = affine_map<(d0, d1) -> (0)>
#map2 = affine_map<(d0, d1) -> (0, 0, 0)>
module attributes {stable_mosaic.version = 14 : i64} {
  func.func @_gather_body(%arg0: i32, %arg1: i32, %arg2: memref<10000x128xf32, #tpu.memory_space<hbm>>, %arg3: memref<10000x128xf32, #tpu.memory_space<hbm>>, %arg4: memref<40000xf32, #tpu.memory_space<hbm>>, %arg5: memref<32x125x80xi32, #tpu.memory_space<hbm>>, %arg6: memref<32x125x80xi32, #tpu.memory_space<hbm>>, %arg7: memref<320000x128xf32, #tpu.memory_space<hbm>>, %arg8: memref<320000xf32, #tpu.memory_space<hbm>>, %arg9: memref<125x80xi32, #tpu.memory_space<vmem>>, %arg10: memref<125x80xi32, #tpu.memory_space<vmem>>, %arg11: memref<80x128xf32, #tpu.memory_space<vmem>>, %arg12: memref<80x128xf32, #tpu.memory_space<vmem>>, %arg13: memref<80x128xf32, #tpu.memory_space<vmem>>, %arg14: memref<80x128xf32, #tpu.memory_space<vmem>>, %arg15: memref<40000xf32, #tpu.memory_space<vmem>>, %arg16: memref<400xf32, #tpu.memory_space<vmem>>, %arg17: memref<!tpu.dma_semaphore, #tpu.memory_space<semaphore_mem>>, %arg18: memref<!tpu.dma_semaphore, #tpu.memory_space<semaphore_mem>>) attributes {dimension_semantics = [#tpu.dimension_semantics<core_parallel>, #tpu.dimension_semantics<subcore_parallel>], iteration_bounds = array<i64: 2, 16>, scalar_prefetch = 0 : i64, scratch_operands = 10 : i64, tpu.core_type = #tpu.core_type<sc_vector_subcore>, window_params = [{transform_indices = #map}, {transform_indices = #map}, {transform_indices = #map1}, {transform_indices = #map2}, {transform_indices = #map2}, {transform_indices = #map}, {transform_indices = #map1}]} {
    %mul3A = arith.constant 2 : i32
    %mul3A_0 = arith.muli %arg1, %mul3A : i32
    %add3A = arith.addi %mul3A_0, %arg0 : i32
    "tpu.region"() ({
      %run_scoped3A = tpu.sem_alloc : memref<!tpu.dma_semaphore, #tpu.memory_space<semaphore_mem>>
      %dma_start3A_32 = arith.constant 0 : i32
      %dma_start3A_33 = arith.constant 0 : i32
      %dma_start3A_34 = tpu.memref_slice %arg5[%add3A, %dma_start3A_32, %dma_start3A_33] : memref<32x125x80xi32, #tpu.memory_space<hbm>> -> memref<1x125x80xi32, #tpu.memory_space<hbm>>
      %dma_start3A_35 = tpu.memref_squeeze %dma_start3A_34 : memref<1x125x80xi32, #tpu.memory_space<hbm>> -> memref<125x80xi32, #tpu.memory_space<hbm>>
      %dma_start3A_36 = arith.constant 0 : i32
      %dma_start3A_37 = arith.constant 0 : i32
      %dma_start3A_38 = tpu.memref_slice %arg5[%add3A, %dma_start3A_36, %dma_start3A_37] : memref<32x125x80xi32, #tpu.memory_space<hbm>> -> memref<1x125x80xi32, #tpu.memory_space<hbm>>
      %dma_start3A_39 = tpu.memref_squeeze %dma_start3A_38 : memref<1x125x80xi32, #tpu.memory_space<hbm>> -> memref<125x80xi32, #tpu.memory_space<hbm>>
      tpu.enqueue_dma source(%dma_start3A_39 : memref<125x80xi32, #tpu.memory_space<hbm>>) target(%arg9 : memref<125x80xi32, #tpu.memory_space<vmem>>) target_semaphore(%run_scoped3A : memref<!tpu.dma_semaphore, #tpu.memory_space<semaphore_mem>>)
      %dma_wait3A_40 = arith.constant 0 : i32
      %dma_wait3A_41 = arith.constant 0 : i32
      %dma_wait3A_42 = tpu.memref_slice %arg5[%add3A, %dma_wait3A_40, %dma_wait3A_41] : memref<32x125x80xi32, #tpu.memory_space<hbm>> -> memref<1x125x80xi32, #tpu.memory_space<hbm>>
      %dma_wait3A_43 = tpu.memref_squeeze %dma_wait3A_42 : memref<1x125x80xi32, #tpu.memory_space<hbm>> -> memref<125x80xi32, #tpu.memory_space<hbm>>
      %dma_wait3A_44 = arith.constant 0 : i32
      %dma_wait3A_45 = arith.constant 0 : i32
      %dma_wait3A_46 = tpu.memref_slice %arg5[%add3A, %dma_wait3A_44, %dma_wait3A_45] : memref<32x125x80xi32, #tpu.memory_space<hbm>> -> memref<1x125x80xi32, #tpu.memory_space<hbm>>
      %dma_wait3A_47 = tpu.memref_squeeze %dma_wait3A_46 : memref<1x125x80xi32, #tpu.memory_space<hbm>> -> memref<125x80xi32, #tpu.memory_space<hbm>>
      tpu.wait_dma2 semaphore(%run_scoped3A : memref<!tpu.dma_semaphore, #tpu.memory_space<semaphore_mem>>) src(%dma_wait3A_47 : memref<125x80xi32, #tpu.memory_space<hbm>>) dst(%arg9 : memref<125x80xi32, #tpu.memory_space<vmem>>)
      tpu.yield
    }) : () -> ()
    "tpu.region"() ({
      %run_scoped3A = tpu.sem_alloc : memref<!tpu.dma_semaphore, #tpu.memory_space<semaphore_mem>>
      %dma_start3A_32 = arith.constant 0 : i32
      %dma_start3A_33 = arith.constant 0 : i32
      %dma_start3A_34 = tpu.memref_slice %arg6[%add3A, %dma_start3A_32, %dma_start3A_33] : memref<32x125x80xi32, #tpu.memory_space<hbm>> -> memref<1x125x80xi32, #tpu.memory_space<hbm>>
      %dma_start3A_35 = tpu.memref_squeeze %dma_start3A_34 : memref<1x125x80xi32, #tpu.memory_space<hbm>> -> memref<125x80xi32, #tpu.memory_space<hbm>>
      %dma_start3A_36 = arith.constant 0 : i32
      %dma_start3A_37 = arith.constant 0 : i32
      %dma_start3A_38 = tpu.memref_slice %arg6[%add3A, %dma_start3A_36, %dma_start3A_37] : memref<32x125x80xi32, #tpu.memory_space<hbm>> -> memref<1x125x80xi32, #tpu.memory_space<hbm>>
      %dma_start3A_39 = tpu.memref_squeeze %dma_start3A_38 : memref<1x125x80xi32, #tpu.memory_space<hbm>> -> memref<125x80xi32, #tpu.memory_space<hbm>>
      tpu.enqueue_dma source(%dma_start3A_39 : memref<125x80xi32, #tpu.memory_space<hbm>>) target(%arg10 : memref<125x80xi32, #tpu.memory_space<vmem>>) target_semaphore(%run_scoped3A : memref<!tpu.dma_semaphore, #tpu.memory_space<semaphore_mem>>)
      %dma_wait3A_40 = arith.constant 0 : i32
      %dma_wait3A_41 = arith.constant 0 : i32
      %dma_wait3A_42 = tpu.memref_slice %arg6[%add3A, %dma_wait3A_40, %dma_wait3A_41] : memref<32x125x80xi32, #tpu.memory_space<hbm>> -> memref<1x125x80xi32, #tpu.memory_space<hbm>>
      %dma_wait3A_43 = tpu.memref_squeeze %dma_wait3A_42 : memref<1x125x80xi32, #tpu.memory_space<hbm>> -> memref<125x80xi32, #tpu.memory_space<hbm>>
      %dma_wait3A_44 = arith.constant 0 : i32
      %dma_wait3A_45 = arith.constant 0 : i32
      %dma_wait3A_46 = tpu.memref_slice %arg6[%add3A, %dma_wait3A_44, %dma_wait3A_45] : memref<32x125x80xi32, #tpu.memory_space<hbm>> -> memref<1x125x80xi32, #tpu.memory_space<hbm>>
      %dma_wait3A_47 = tpu.memref_squeeze %dma_wait3A_46 : memref<1x125x80xi32, #tpu.memory_space<hbm>> -> memref<125x80xi32, #tpu.memory_space<hbm>>
      tpu.wait_dma2 semaphore(%run_scoped3A : memref<!tpu.dma_semaphore, #tpu.memory_space<semaphore_mem>>) src(%dma_wait3A_47 : memref<125x80xi32, #tpu.memory_space<hbm>>) dst(%arg10 : memref<125x80xi32, #tpu.memory_space<vmem>>)
      tpu.yield
    }) : () -> ()
    "tpu.region"() ({
      %run_scoped3A = tpu.sem_alloc : memref<!tpu.dma_semaphore, #tpu.memory_space<semaphore_mem>>
      tpu.enqueue_dma source(%arg4 : memref<40000xf32, #tpu.memory_space<hbm>>) target(%arg15 : memref<40000xf32, #tpu.memory_space<vmem>>) target_semaphore(%run_scoped3A : memref<!tpu.dma_semaphore, #tpu.memory_space<semaphore_mem>>)
      tpu.wait_dma2 semaphore(%run_scoped3A : memref<!tpu.dma_semaphore, #tpu.memory_space<semaphore_mem>>) src(%arg4 : memref<40000xf32, #tpu.memory_space<hbm>>) dst(%arg15 : memref<40000xf32, #tpu.memory_space<vmem>>)
      tpu.yield
    }) : () -> ()
    %dma_start3A = arith.constant 0 : i32
    %dma_start3A_1 = arith.constant 0 : i32
    %dma_start3A_2 = tpu.memref_slice %arg9[%dma_start3A, %dma_start3A_1] : memref<125x80xi32, #tpu.memory_space<vmem>> -> memref<1x80xi32, #tpu.memory_space<vmem>>
    %dma_start3A_3 = tpu.memref_squeeze %dma_start3A_2 : memref<1x80xi32, #tpu.memory_space<vmem>> -> memref<80xi32, #tpu.memory_space<vmem>>
    %dma_start3A_4 = arith.constant 0 : i32
    %dma_start3A_5 = arith.constant 0 : i32
    %dma_start3A_6 = tpu.memref_slice %arg2[%dma_start3A_4, %dma_start3A_5] : memref<10000x128xf32, #tpu.memory_space<hbm>> -> memref<10000x128xf32, #tpu.memory_space<hbm>>
    tpu.enqueue_indirect_dma source(%dma_start3A_6 : memref<10000x128xf32, #tpu.memory_space<hbm>>) target(%arg11 : memref<80x128xf32, #tpu.memory_space<vmem>>) offsets(%dma_start3A_3 : memref<80xi32, #tpu.memory_space<vmem>>) semaphore(%arg17 : memref<!tpu.dma_semaphore, #tpu.memory_space<semaphore_mem>>)
    %dma_start3A_7 = arith.constant 0 : i32
    %dma_start3A_8 = arith.constant 0 : i32
    %dma_start3A_9 = tpu.memref_slice %arg10[%dma_start3A_7, %dma_start3A_8] : memref<125x80xi32, #tpu.memory_space<vmem>> -> memref<1x80xi32, #tpu.memory_space<vmem>>
    %dma_start3A_10 = tpu.memref_squeeze %dma_start3A_9 : memref<1x80xi32, #tpu.memory_space<vmem>> -> memref<80xi32, #tpu.memory_space<vmem>>
    %dma_start3A_11 = arith.constant 0 : i32
    %dma_start3A_12 = arith.constant 0 : i32
    %dma_start3A_13 = tpu.memref_slice %arg3[%dma_start3A_11, %dma_start3A_12] : memref<10000x128xf32, #tpu.memory_space<hbm>> -> memref<10000x128xf32, #tpu.memory_space<hbm>>
    tpu.enqueue_indirect_dma source(%dma_start3A_13 : memref<10000x128xf32, #tpu.memory_space<hbm>>) target(%arg13 : memref<80x128xf32, #tpu.memory_space<vmem>>) offsets(%dma_start3A_10 : memref<80xi32, #tpu.memory_space<vmem>>) semaphore(%arg18 : memref<!tpu.dma_semaphore, #tpu.memory_space<semaphore_mem>>)
    %iota3A = tpu.iota {dimensions = array<i32: 0>} : vector<16xi32>
    %scan3A = arith.constant 0 : i32
    %scan3A_14 = arith.constant 0 : i32
    %scan3A_15 = arith.constant 125 : i32
    %scan3A_16 = arith.addi %scan3A_14, %scan3A_15 : i32
    %scan3A_17 = arith.constant 1 : i32
    scf.for %scan3A_32 = %scan3A_14 to %scan3A_16 step %scan3A_17  : i32 {
      %jit3A = arith.constant 2 : i32
      %eq3A = arith.constant 0 : i32
      %eq3A_33 = arith.cmpi eq, %jit3A, %eq3A : i32
      %jit3A_34 = arith.constant 1 : i32
      %select_n3A = arith.select %eq3A_33, %jit3A_34, %jit3A : i32
      %rem3A = arith.remsi %scan3A_32, %select_n3A : i32
      %ne3A = arith.constant 0 : i32
      %ne3A_35 = arith.cmpi ne, %rem3A, %ne3A : i32
      %lt3A = arith.constant 0 : i32
      %lt3A_36 = arith.cmpi slt, %rem3A, %lt3A : i32
      %lt3A_37 = arith.constant 0 : i32
      %lt3A_38 = arith.cmpi slt, %select_n3A, %lt3A_37 : i32
      %ne3A_39 = arith.xori %lt3A_36, %lt3A_38 : i1
      %and3A = arith.andi %ne3A_39, %ne3A_35 : i1
      %add3A_40 = arith.addi %rem3A, %select_n3A : i32
      %select_n3A_41 = arith.select %and3A, %add3A_40, %rem3A : i32
      %eq3A_42 = arith.constant 0 : i32
      %eq3A_43 = arith.cmpi eq, %select_n3A_41, %eq3A_42 : i32
      %convert_element_type3A = arith.extui %eq3A_43 : i1 to i32
      %cond3A = arith.constant 0 : i32
      %cond3A_44 = arith.cmpi ne, %convert_element_type3A, %cond3A : i32
      scf.if %cond3A_44 {
        %dma_wait3A_66 = arith.constant 0 : i32
        %dma_wait3A_67 = arith.constant 0 : i32
        %dma_wait3A_68 = tpu.memref_slice %arg9[%dma_wait3A_66, %dma_wait3A_67] : memref<125x80xi32, #tpu.memory_space<vmem>> -> memref<1x80xi32, #tpu.memory_space<vmem>>
        %dma_wait3A_69 = tpu.memref_squeeze %dma_wait3A_68 : memref<1x80xi32, #tpu.memory_space<vmem>> -> memref<80xi32, #tpu.memory_space<vmem>>
        %dma_wait3A_70 = arith.constant 0 : i32
        %dma_wait3A_71 = arith.constant 0 : i32
        %dma_wait3A_72 = tpu.memref_slice %arg2[%dma_wait3A_70, %dma_wait3A_71] : memref<10000x128xf32, #tpu.memory_space<hbm>> -> memref<10000x128xf32, #tpu.memory_space<hbm>>
        tpu.wait_indirect_dma semaphore(%arg17 : memref<!tpu.dma_semaphore, #tpu.memory_space<semaphore_mem>>) src(%dma_wait3A_72 : memref<10000x128xf32, #tpu.memory_space<hbm>>) dst(%arg11 : memref<80x128xf32, #tpu.memory_space<vmem>>)
        %dma_wait3A_73 = arith.constant 0 : i32
        %dma_wait3A_74 = arith.constant 0 : i32
        %dma_wait3A_75 = tpu.memref_slice %arg10[%dma_wait3A_73, %dma_wait3A_74] : memref<125x80xi32, #tpu.memory_space<vmem>> -> memref<1x80xi32, #tpu.memory_space<vmem>>
        %dma_wait3A_76 = tpu.memref_squeeze %dma_wait3A_75 : memref<1x80xi32, #tpu.memory_space<vmem>> -> memref<80xi32, #tpu.memory_space<vmem>>
        %dma_wait3A_77 = arith.constant 0 : i32
        %dma_wait3A_78 = arith.constant 0 : i32
        %dma_wait3A_79 = tpu.memref_slice %arg3[%dma_wait3A_77, %dma_wait3A_78] : memref<10000x128xf32, #tpu.memory_space<hbm>> -> memref<10000x128xf32, #tpu.memory_space<hbm>>
        tpu.wait_indirect_dma semaphore(%arg18 : memref<!tpu.dma_semaphore, #tpu.memory_space<semaphore_mem>>) src(%dma_wait3A_79 : memref<10000x128xf32, #tpu.memory_space<hbm>>) dst(%arg13 : memref<80x128xf32, #tpu.memory_space<vmem>>)
        %add3A_80 = arith.constant 1 : i32
        %add3A_81 = arith.addi %scan3A_32, %add3A_80 : i32
        %min3A = arith.constant 124 : i32
        %min3A_82 = arith.minsi %add3A_81, %min3A : i32
        %dma_start3A_83 = arith.constant 0 : i32
        %dma_start3A_84 = tpu.memref_slice %arg9[%min3A_82, %dma_start3A_83] : memref<125x80xi32, #tpu.memory_space<vmem>> -> memref<1x80xi32, #tpu.memory_space<vmem>>
        %dma_start3A_85 = tpu.memref_squeeze %dma_start3A_84 : memref<1x80xi32, #tpu.memory_space<vmem>> -> memref<80xi32, #tpu.memory_space<vmem>>
        %dma_start3A_86 = arith.constant 0 : i32
        %dma_start3A_87 = arith.constant 0 : i32
        %dma_start3A_88 = tpu.memref_slice %arg2[%dma_start3A_86, %dma_start3A_87] : memref<10000x128xf32, #tpu.memory_space<hbm>> -> memref<10000x128xf32, #tpu.memory_space<hbm>>
        tpu.enqueue_indirect_dma source(%dma_start3A_88 : memref<10000x128xf32, #tpu.memory_space<hbm>>) target(%arg12 : memref<80x128xf32, #tpu.memory_space<vmem>>) offsets(%dma_start3A_85 : memref<80xi32, #tpu.memory_space<vmem>>) semaphore(%arg17 : memref<!tpu.dma_semaphore, #tpu.memory_space<semaphore_mem>>)
        %dma_start3A_89 = arith.constant 0 : i32
        %dma_start3A_90 = tpu.memref_slice %arg10[%min3A_82, %dma_start3A_89] : memref<125x80xi32, #tpu.memory_space<vmem>> -> memref<1x80xi32, #tpu.memory_space<vmem>>
        %dma_start3A_91 = tpu.memref_squeeze %dma_start3A_90 : memref<1x80xi32, #tpu.memory_space<vmem>> -> memref<80xi32, #tpu.memory_space<vmem>>
        %dma_start3A_92 = arith.constant 0 : i32
        %dma_start3A_93 = arith.constant 0 : i32
        %dma_start3A_94 = tpu.memref_slice %arg3[%dma_start3A_92, %dma_start3A_93] : memref<10000x128xf32, #tpu.memory_space<hbm>> -> memref<10000x128xf32, #tpu.memory_space<hbm>>
        tpu.enqueue_indirect_dma source(%dma_start3A_94 : memref<10000x128xf32, #tpu.memory_space<hbm>>) target(%arg14 : memref<80x128xf32, #tpu.memory_space<vmem>>) offsets(%dma_start3A_91 : memref<80xi32, #tpu.memory_space<vmem>>) semaphore(%arg18 : memref<!tpu.dma_semaphore, #tpu.memory_space<semaphore_mem>>)
        %parallel_loop3A = arith.constant 0 : i32
        %parallel_loop3A_95 = arith.constant 80 : i32
        %parallel_loop3A_96 = arith.constant 1 : i32
        scf.for %parallel_loop3A_129 = %parallel_loop3A to %parallel_loop3A_95 step %parallel_loop3A_96  : i32 {
          %parallel_loop3A_130 = arith.index_cast %parallel_loop3A_129 : i32 to index
          %parallel_loop3A_131 = arith.constant 0 : index
          %parallel_loop3A_132 = tpu.vector_load %arg11[%parallel_loop3A_130, %parallel_loop3A_131] {strides = array<i32>} : memref<80x128xf32, #tpu.memory_space<vmem>>, vector<16xf32>,
          %parallel_loop3A_133 = arith.index_cast %parallel_loop3A_129 : i32 to index
          %parallel_loop3A_134 = arith.constant 0 : index
          %parallel_loop3A_135 = tpu.vector_load %arg13[%parallel_loop3A_133, %parallel_loop3A_134] {strides = array<i32>} : memref<80x128xf32, #tpu.memory_space<vmem>>, vector<16xf32>,
          %parallel_loop3A_136 = arith.addf %parallel_loop3A_132, %parallel_loop3A_135 : vector<16xf32>
          %parallel_loop3A_137 = arith.index_cast %parallel_loop3A_129 : i32 to index
          %parallel_loop3A_138 = arith.constant 0 : index
          %parallel_loop3A_139 = tpu.vector_load %arg11[%parallel_loop3A_137, %parallel_loop3A_138] {strides = array<i32>} : memref<80x128xf32, #tpu.memory_space<vmem>>, vector<16xf32>,
          tpu.vector_store %arg11[%parallel_loop3A_137, %parallel_loop3A_138], %parallel_loop3A_136 {strides = array<i32>} : memref<80x128xf32, #tpu.memory_space<vmem>>, vector<16xf32>,
          %parallel_loop3A_140 = arith.index_cast %parallel_loop3A_129 : i32 to index
          %parallel_loop3A_141 = arith.constant 16 : index
          %parallel_loop3A_142 = tpu.vector_load %arg11[%parallel_loop3A_140, %parallel_loop3A_141] {strides = array<i32>} : memref<80x128xf32, #tpu.memory_space<vmem>>, vector<16xf32>,
          %parallel_loop3A_143 = arith.index_cast %parallel_loop3A_129 : i32 to index
          %parallel_loop3A_144 = arith.constant 16 : index
          %parallel_loop3A_145 = tpu.vector_load %arg13[%parallel_loop3A_143, %parallel_loop3A_144] {strides = array<i32>} : memref<80x128xf32, #tpu.memory_space<vmem>>, vector<16xf32>,
          %parallel_loop3A_146 = arith.addf %parallel_loop3A_142, %parallel_loop3A_145 : vector<16xf32>
          %parallel_loop3A_147 = arith.index_cast %parallel_loop3A_129 : i32 to index
          %parallel_loop3A_148 = arith.constant 16 : index
          %parallel_loop3A_149 = tpu.vector_load %arg11[%parallel_loop3A_147, %parallel_loop3A_148] {strides = array<i32>} : memref<80x128xf32, #tpu.memory_space<vmem>>, vector<16xf32>,
          tpu.vector_store %arg11[%parallel_loop3A_147, %parallel_loop3A_148], %parallel_loop3A_146 {strides = array<i32>} : memref<80x128xf32, #tpu.memory_space<vmem>>, vector<16xf32>,
          %parallel_loop3A_150 = arith.index_cast %parallel_loop3A_129 : i32 to index
          %parallel_loop3A_151 = arith.constant 32 : index
          %parallel_loop3A_152 = tpu.vector_load %arg11[%parallel_loop3A_150, %parallel_loop3A_151] {strides = array<i32>} : memref<80x128xf32, #tpu.memory_space<vmem>>, vector<16xf32>,
          %parallel_loop3A_153 = arith.index_cast %parallel_loop3A_129 : i32 to index
          %parallel_loop3A_154 = arith.constant 32 : index
          %parallel_loop3A_155 = tpu.vector_load %arg13[%parallel_loop3A_153, %parallel_loop3A_154] {strides = array<i32>} : memref<80x128xf32, #tpu.memory_space<vmem>>, vector<16xf32>,
          %parallel_loop3A_156 = arith.addf %parallel_loop3A_152, %parallel_loop3A_155 : vector<16xf32>
          %parallel_loop3A_157 = arith.index_cast %parallel_loop3A_129 : i32 to index
          %parallel_loop3A_158 = arith.constant 32 : index
          %parallel_loop3A_159 = tpu.vector_load %arg11[%parallel_loop3A_157, %parallel_loop3A_158] {strides = array<i32>} : memref<80x128xf32, #tpu.memory_space<vmem>>, vector<16xf32>,
          tpu.vector_store %arg11[%parallel_loop3A_157, %parallel_loop3A_158], %parallel_loop3A_156 {strides = array<i32>} : memref<80x128xf32, #tpu.memory_space<vmem>>, vector<16xf32>,
          %parallel_loop3A_160 = arith.index_cast %parallel_loop3A_129 : i32 to index
          %parallel_loop3A_161 = arith.constant 48 : index
          %parallel_loop3A_162 = tpu.vector_load %arg11[%parallel_loop3A_160, %parallel_loop3A_161] {strides = array<i32>} : memref<80x128xf32, #tpu.memory_space<vmem>>, vector<16xf32>,
          %parallel_loop3A_163 = arith.index_cast %parallel_loop3A_129 : i32 to index
          %parallel_loop3A_164 = arith.constant 48 : index
          %parallel_loop3A_165 = tpu.vector_load %arg13[%parallel_loop3A_163, %parallel_loop3A_164] {strides = array<i32>} : memref<80x128xf32, #tpu.memory_space<vmem>>, vector<16xf32>,
          %parallel_loop3A_166 = arith.addf %parallel_loop3A_162, %parallel_loop3A_165 : vector<16xf32>
          %parallel_loop3A_167 = arith.index_cast %parallel_loop3A_129 : i32 to index
          %parallel_loop3A_168 = arith.constant 48 : index
          %parallel_loop3A_169 = tpu.vector_load %arg11[%parallel_loop3A_167, %parallel_loop3A_168] {strides = array<i32>} : memref<80x128xf32, #tpu.memory_space<vmem>>, vector<16xf32>,
          tpu.vector_store %arg11[%parallel_loop3A_167, %parallel_loop3A_168], %parallel_loop3A_166 {strides = array<i32>} : memref<80x128xf32, #tpu.memory_space<vmem>>, vector<16xf32>,
          %parallel_loop3A_170 = arith.index_cast %parallel_loop3A_129 : i32 to index
          %parallel_loop3A_171 = arith.constant 64 : index
          %parallel_loop3A_172 = tpu.vector_load %arg11[%parallel_loop3A_170, %parallel_loop3A_171] {strides = array<i32>} : memref<80x128xf32, #tpu.memory_space<vmem>>, vector<16xf32>,
          %parallel_loop3A_173 = arith.index_cast %parallel_loop3A_129 : i32 to index
          %parallel_loop3A_174 = arith.constant 64 : index
          %parallel_loop3A_175 = tpu.vector_load %arg13[%parallel_loop3A_173, %parallel_loop3A_174] {strides = array<i32>} : memref<80x128xf32, #tpu.memory_space<vmem>>, vector<16xf32>,
          %parallel_loop3A_176 = arith.addf %parallel_loop3A_172, %parallel_loop3A_175 : vector<16xf32>
          %parallel_loop3A_177 = arith.index_cast %parallel_loop3A_129 : i32 to index
          %parallel_loop3A_178 = arith.constant 64 : index
          %parallel_loop3A_179 = tpu.vector_load %arg11[%parallel_loop3A_177, %parallel_loop3A_178] {strides = array<i32>} : memref<80x128xf32, #tpu.memory_space<vmem>>, vector<16xf32>,
          tpu.vector_store %arg11[%parallel_loop3A_177, %parallel_loop3A_178], %parallel_loop3A_176 {strides = array<i32>} : memref<80x128xf32, #tpu.memory_space<vmem>>, vector<16xf32>,
          %parallel_loop3A_180 = arith.index_cast %parallel_loop3A_129 : i32 to index
          %parallel_loop3A_181 = arith.constant 80 : index
          %parallel_loop3A_182 = tpu.vector_load %arg11[%parallel_loop3A_180, %parallel_loop3A_181] {strides = array<i32>} : memref<80x128xf32, #tpu.memory_space<vmem>>, vector<16xf32>,
          %parallel_loop3A_183 = arith.index_cast %parallel_loop3A_129 : i32 to index
          %parallel_loop3A_184 = arith.constant 80 : index
          %parallel_loop3A_185 = tpu.vector_load %arg13[%parallel_loop3A_183, %parallel_loop3A_184] {strides = array<i32>} : memref<80x128xf32, #tpu.memory_space<vmem>>, vector<16xf32>,
          %parallel_loop3A_186 = arith.addf %parallel_loop3A_182, %parallel_loop3A_185 : vector<16xf32>
          %parallel_loop3A_187 = arith.index_cast %parallel_loop3A_129 : i32 to index
          %parallel_loop3A_188 = arith.constant 80 : index
          %parallel_loop3A_189 = tpu.vector_load %arg11[%parallel_loop3A_187, %parallel_loop3A_188] {strides = array<i32>} : memref<80x128xf32, #tpu.memory_space<vmem>>, vector<16xf32>,
          tpu.vector_store %arg11[%parallel_loop3A_187, %parallel_loop3A_188], %parallel_loop3A_186 {strides = array<i32>} : memref<80x128xf32, #tpu.memory_space<vmem>>, vector<16xf32>,
          %parallel_loop3A_190 = arith.index_cast %parallel_loop3A_129 : i32 to index
          %parallel_loop3A_191 = arith.constant 96 : index
          %parallel_loop3A_192 = tpu.vector_load %arg11[%parallel_loop3A_190, %parallel_loop3A_191] {strides = array<i32>} : memref<80x128xf32, #tpu.memory_space<vmem>>, vector<16xf32>,
          %parallel_loop3A_193 = arith.index_cast %parallel_loop3A_129 : i32 to index
          %parallel_loop3A_194 = arith.constant 96 : index
          %parallel_loop3A_195 = tpu.vector_load %arg13[%parallel_loop3A_193, %parallel_loop3A_194] {strides = array<i32>} : memref<80x128xf32, #tpu.memory_space<vmem>>, vector<16xf32>,
          %parallel_loop3A_196 = arith.addf %parallel_loop3A_192, %parallel_loop3A_195 : vector<16xf32>
          %parallel_loop3A_197 = arith.index_cast %parallel_loop3A_129 : i32 to index
          %parallel_loop3A_198 = arith.constant 96 : index
          %parallel_loop3A_199 = tpu.vector_load %arg11[%parallel_loop3A_197, %parallel_loop3A_198] {strides = array<i32>} : memref<80x128xf32, #tpu.memory_space<vmem>>, vector<16xf32>,
          tpu.vector_store %arg11[%parallel_loop3A_197, %parallel_loop3A_198], %parallel_loop3A_196 {strides = array<i32>} : memref<80x128xf32, #tpu.memory_space<vmem>>, vector<16xf32>,
          %parallel_loop3A_200 = arith.index_cast %parallel_loop3A_129 : i32 to index
          %parallel_loop3A_201 = arith.constant 112 : index
          %parallel_loop3A_202 = tpu.vector_load %arg11[%parallel_loop3A_200, %parallel_loop3A_201] {strides = array<i32>} : memref<80x128xf32, #tpu.memory_space<vmem>>, vector<16xf32>,
          %parallel_loop3A_203 = arith.index_cast %parallel_loop3A_129 : i32 to index
          %parallel_loop3A_204 = arith.constant 112 : index
          %parallel_loop3A_205 = tpu.vector_load %arg13[%parallel_loop3A_203, %parallel_loop3A_204] {strides = array<i32>} : memref<80x128xf32, #tpu.memory_space<vmem>>, vector<16xf32>,
          %parallel_loop3A_206 = arith.addf %parallel_loop3A_202, %parallel_loop3A_205 : vector<16xf32>
          %parallel_loop3A_207 = arith.index_cast %parallel_loop3A_129 : i32 to index
          %parallel_loop3A_208 = arith.constant 112 : index
          %parallel_loop3A_209 = tpu.vector_load %arg11[%parallel_loop3A_207, %parallel_loop3A_208] {strides = array<i32>} : memref<80x128xf32, #tpu.memory_space<vmem>>, vector<16xf32>,
          tpu.vector_store %arg11[%parallel_loop3A_207, %parallel_loop3A_208], %parallel_loop3A_206 {strides = array<i32>} : memref<80x128xf32, #tpu.memory_space<vmem>>, vector<16xf32>,
        } {sc.loop_unroll_factor = 4 : i64, sc.parallel_access}
        %scan3A_97 = arith.constant 0 : i32
        %scan3A_98 = arith.constant 0 : i32
        %scan3A_99 = arith.constant 5 : i32
        %scan3A_100 = arith.addi %scan3A_98, %scan3A_99 : i32
        %scan3A_101 = arith.constant 1 : i32
        scf.for %scan3A_129 = %scan3A_98 to %scan3A_100 step %scan3A_101  : i32 {
          %mul3A_130 = arith.constant 16 : i32
          %mul3A_131 = arith.muli %scan3A_129, %mul3A_130 : i32
          %get3A = arith.index_cast %scan3A_32 : i32 to index
          %get3A_132 = arith.index_cast %mul3A_131 : i32 to index
          %get3A_133 = tpu.vector_load %arg9[%get3A, %get3A_132] {strides = array<i32>} : memref<125x80xi32, #tpu.memory_space<vmem>>, vector<16xi32>,
          %mul3A_134 = arith.constant 4 : i32
          %mul3A_135 = vector.broadcast %mul3A_134 : i32 to vector<16xi32>
          %mul3A_136 = arith.muli %get3A_133, %mul3A_135 : vector<16xi32>
          %mul3A_137 = arith.constant 16 : i32
          %mul3A_138 = arith.muli %scan3A_129, %mul3A_137 : i32
          %get3A_139 = arith.index_cast %scan3A_32 : i32 to index
          %get3A_140 = arith.index_cast %mul3A_138 : i32 to index
          %get3A_141 = tpu.vector_load %arg10[%get3A_139, %get3A_140] {strides = array<i32>} : memref<125x80xi32, #tpu.memory_space<vmem>>, vector<16xi32>,
          %mul3A_142 = arith.constant 4 : i32
          %mul3A_143 = vector.broadcast %mul3A_142 : i32 to vector<16xi32>
          %mul3A_144 = arith.muli %get3A_141, %mul3A_143 : vector<16xi32>
          %jit3A_145 = arith.constant 5 : i32
          %eq3A_146 = arith.constant 0 : i32
          %eq3A_147 = arith.cmpi eq, %jit3A_145, %eq3A_146 : i32
          %jit3A_148 = arith.constant 1 : i32
          %select_n3A_149 = arith.select %eq3A_147, %jit3A_148, %jit3A_145 : i32
          %rem3A_150 = arith.remsi %scan3A_32, %select_n3A_149 : i32
          %ne3A_151 = arith.constant 0 : i32
          %ne3A_152 = arith.cmpi ne, %rem3A_150, %ne3A_151 : i32
          %lt3A_153 = arith.constant 0 : i32
          %lt3A_154 = arith.cmpi slt, %rem3A_150, %lt3A_153 : i32
          %lt3A_155 = arith.constant 0 : i32
          %lt3A_156 = arith.cmpi slt, %select_n3A_149, %lt3A_155 : i32
          %ne3A_157 = arith.xori %lt3A_154, %lt3A_156 : i1
          %and3A_158 = arith.andi %ne3A_157, %ne3A_152 : i1
          %add3A_159 = arith.addi %rem3A_150, %select_n3A_149 : i32
          %select_n3A_160 = arith.select %and3A_158, %add3A_159, %rem3A_150 : i32
          %mul3A_161 = arith.constant 80 : i32
          %mul3A_162 = arith.muli %select_n3A_160, %mul3A_161 : i32
          %mul3A_163 = arith.constant 16 : i32
          %mul3A_164 = arith.muli %scan3A_129, %mul3A_163 : i32
          %add3A_165 = arith.addi %mul3A_162, %mul3A_164 : i32
          %add3A_166 = vector.broadcast %add3A_165 : i32 to vector<16xi32>
          %add3A_167 = arith.addi %add3A_166, %iota3A : vector<16xi32>
          %gather3A = tpu.vector_load_idx %arg15[%mul3A_144] : memref<40000xf32, #tpu.memory_space<vmem>>[vector<16xi32>], vector<16xf32>,
          %gather3A_168 = tpu.vector_load_idx %arg15[%mul3A_136] : memref<40000xf32, #tpu.memory_space<vmem>>[vector<16xi32>], vector<16xf32>,
          %sub3A = arith.subf %gather3A, %gather3A_168 : vector<16xf32>
          %add3A_169 = arith.constant 1 : i32
          %add3A_170 = vector.broadcast %add3A_169 : i32 to vector<16xi32>
          %add3A_171 = arith.addi %mul3A_144, %add3A_170 : vector<16xi32>
          %gather3A_172 = tpu.vector_load_idx %arg15[%add3A_171] : memref<40000xf32, #tpu.memory_space<vmem>>[vector<16xi32>], vector<16xf32>,
          %add3A_173 = arith.constant 1 : i32
          %add3A_174 = vector.broadcast %add3A_173 : i32 to vector<16xi32>
          %add3A_175 = arith.addi %mul3A_136, %add3A_174 : vector<16xi32>
          %gather3A_176 = tpu.vector_load_idx %arg15[%add3A_175] : memref<40000xf32, #tpu.memory_space<vmem>>[vector<16xi32>], vector<16xf32>,
          %sub3A_177 = arith.subf %gather3A_172, %gather3A_176 : vector<16xf32>
          %add3A_178 = arith.constant 2 : i32
          %add3A_179 = vector.broadcast %add3A_178 : i32 to vector<16xi32>
          %add3A_180 = arith.addi %mul3A_144, %add3A_179 : vector<16xi32>
          %gather3A_181 = tpu.vector_load_idx %arg15[%add3A_180] : memref<40000xf32, #tpu.memory_space<vmem>>[vector<16xi32>], vector<16xf32>,
          %add3A_182 = arith.constant 2 : i32
          %add3A_183 = vector.broadcast %add3A_182 : i32 to vector<16xi32>
          %add3A_184 = arith.addi %mul3A_136, %add3A_183 : vector<16xi32>
          %gather3A_185 = tpu.vector_load_idx %arg15[%add3A_184] : memref<40000xf32, #tpu.memory_space<vmem>>[vector<16xi32>], vector<16xf32>,
          %sub3A_186 = arith.subf %gather3A_181, %gather3A_185 : vector<16xf32>
          %mul3A_187 = arith.mulf %sub3A, %sub3A : vector<16xf32>
          %mul3A_188 = arith.mulf %sub3A_177, %sub3A_177 : vector<16xf32>
          %add3A_189 = arith.addf %mul3A_187, %mul3A_188 : vector<16xf32>
          %mul3A_190 = arith.mulf %sub3A_186, %sub3A_186 : vector<16xf32>
          %add3A_191 = arith.addf %add3A_189, %mul3A_190 : vector<16xf32>
          tpu.vector_store_idx %arg16[%add3A_167], %add3A_191 : memref<400xf32, #tpu.memory_space<vmem>>[vector<16xi32>], vector<16xf32>,
        }
        %scan3A_102 = arith.constant 5 : i32
        %mul3A_103 = arith.constant 10000 : i32
        %mul3A_104 = arith.muli %add3A, %mul3A_103 : i32
        %mul3A_105 = arith.constant 80 : i32
        %mul3A_106 = arith.muli %scan3A_32, %mul3A_105 : i32
        %add3A_107 = arith.addi %mul3A_104, %mul3A_106 : i32
        "tpu.region"() ({
          %run_scoped3A = tpu.sem_alloc : memref<!tpu.dma_semaphore, #tpu.memory_space<semaphore_mem>>
          %dma_start3A_129 = arith.constant 0 : i32
          %dma_start3A_130 = tpu.memref_slice %arg7[%add3A_107, %dma_start3A_129] : memref<320000x128xf32, #tpu.memory_space<hbm>> -> memref<80x128xf32, #tpu.memory_space<hbm>>
          %dma_start3A_131 = arith.constant 0 : i32
          %dma_start3A_132 = tpu.memref_slice %arg7[%add3A_107, %dma_start3A_131] : memref<320000x128xf32, #tpu.memory_space<hbm>> -> memref<80x128xf32, #tpu.memory_space<hbm>>
          tpu.enqueue_dma source(%arg11 : memref<80x128xf32, #tpu.memory_space<vmem>>) target(%dma_start3A_132 : memref<80x128xf32, #tpu.memory_space<hbm>>) target_semaphore(%run_scoped3A : memref<!tpu.dma_semaphore, #tpu.memory_space<semaphore_mem>>)
          %dma_wait3A_133 = arith.constant 0 : i32
          %dma_wait3A_134 = tpu.memref_slice %arg7[%add3A_107, %dma_wait3A_133] : memref<320000x128xf32, #tpu.memory_space<hbm>> -> memref<80x128xf32, #tpu.memory_space<hbm>>
          %dma_wait3A_135 = arith.constant 0 : i32
          %dma_wait3A_136 = tpu.memref_slice %arg7[%add3A_107, %dma_wait3A_135] : memref<320000x128xf32, #tpu.memory_space<hbm>> -> memref<80x128xf32, #tpu.memory_space<hbm>>
          tpu.wait_dma2 semaphore(%run_scoped3A : memref<!tpu.dma_semaphore, #tpu.memory_space<semaphore_mem>>) src(%arg11 : memref<80x128xf32, #tpu.memory_space<vmem>>) dst(%dma_wait3A_136 : memref<80x128xf32, #tpu.memory_space<hbm>>)
          tpu.yield
        }) : () -> ()
        %jit3A_108 = arith.constant 5 : i32
        %eq3A_109 = arith.constant 0 : i32
        %eq3A_110 = arith.cmpi eq, %jit3A_108, %eq3A_109 : i32
        %jit3A_111 = arith.constant 1 : i32
        %select_n3A_112 = arith.select %eq3A_110, %jit3A_111, %jit3A_108 : i32
        %rem3A_113 = arith.remsi %scan3A_32, %select_n3A_112 : i32
        %ne3A_114 = arith.constant 0 : i32
        %ne3A_115 = arith.cmpi ne, %rem3A_113, %ne3A_114 : i32
        %lt3A_116 = arith.constant 0 : i32
        %lt3A_117 = arith.cmpi slt, %rem3A_113, %lt3A_116 : i32
        %lt3A_118 = arith.constant 0 : i32
        %lt3A_119 = arith.cmpi slt, %select_n3A_112, %lt3A_118 : i32
        %ne3A_120 = arith.xori %lt3A_117, %lt3A_119 : i1
        %and3A_121 = arith.andi %ne3A_120, %ne3A_115 : i1
        %add3A_122 = arith.addi %rem3A_113, %select_n3A_112 : i32
        %select_n3A_123 = arith.select %and3A_121, %add3A_122, %rem3A_113 : i32
        %eq3A_124 = arith.constant 4 : i32
        %eq3A_125 = arith.cmpi eq, %select_n3A_123, %eq3A_124 : i32
        %convert_element_type3A_126 = arith.extui %eq3A_125 : i1 to i32
        %cond3A_127 = arith.constant 0 : i32
        %cond3A_128 = arith.cmpi ne, %convert_element_type3A_126, %cond3A_127 : i32
        scf.if %cond3A_128 {
          %sub3A = arith.constant 4 : i32
          %sub3A_129 = arith.subi %scan3A_32, %sub3A : i32
          %mul3A_130 = arith.constant 10000 : i32
          %mul3A_131 = arith.muli %add3A, %mul3A_130 : i32
          %mul3A_132 = arith.constant 80 : i32
          %mul3A_133 = arith.muli %sub3A_129, %mul3A_132 : i32
          %add3A_134 = arith.addi %mul3A_131, %mul3A_133 : i32
          "tpu.region"() ({
            %run_scoped3A = tpu.sem_alloc : memref<!tpu.dma_semaphore, #tpu.memory_space<semaphore_mem>>
            %dma_start3A_135 = tpu.memref_slice %arg8[%add3A_134] : memref<320000xf32, #tpu.memory_space<hbm>> -> memref<400xf32, #tpu.memory_space<hbm>>
            %dma_start3A_136 = tpu.memref_slice %arg8[%add3A_134] : memref<320000xf32, #tpu.memory_space<hbm>> -> memref<400xf32, #tpu.memory_space<hbm>>
            tpu.enqueue_dma source(%arg16 : memref<400xf32, #tpu.memory_space<vmem>>) target(%dma_start3A_136 : memref<400xf32, #tpu.memory_space<hbm>>) target_semaphore(%run_scoped3A : memref<!tpu.dma_semaphore, #tpu.memory_space<semaphore_mem>>)
            %dma_wait3A_137 = tpu.memref_slice %arg8[%add3A_134] : memref<320000xf32, #tpu.memory_space<hbm>> -> memref<400xf32, #tpu.memory_space<hbm>>
            %dma_wait3A_138 = tpu.memref_slice %arg8[%add3A_134] : memref<320000xf32, #tpu.memory_space<hbm>> -> memref<400xf32, #tpu.memory_space<hbm>>
            tpu.wait_dma2 semaphore(%run_scoped3A : memref<!tpu.dma_semaphore, #tpu.memory_space<semaphore_mem>>) src(%arg16 : memref<400xf32, #tpu.memory_space<vmem>>) dst(%dma_wait3A_138 : memref<400xf32, #tpu.memory_space<hbm>>)
            tpu.yield
          }) : () -> ()
        } else {
        }
      } else {
      }
      %jit3A_45 = arith.constant 2 : i32
      %eq3A_46 = arith.constant 0 : i32
      %eq3A_47 = arith.cmpi eq, %jit3A_45, %eq3A_46 : i32
      %jit3A_48 = arith.constant 1 : i32
      %select_n3A_49 = arith.select %eq3A_47, %jit3A_48, %jit3A_45 : i32
      %rem3A_50 = arith.remsi %scan3A_32, %select_n3A_49 : i32
      %ne3A_51 = arith.constant 0 : i32
      %ne3A_52 = arith.cmpi ne, %rem3A_50, %ne3A_51 : i32
      %lt3A_53 = arith.constant 0 : i32
      %lt3A_54 = arith.cmpi slt, %rem3A_50, %lt3A_53 : i32
      %lt3A_55 = arith.constant 0 : i32
      %lt3A_56 = arith.cmpi slt, %select_n3A_49, %lt3A_55 : i32
      %ne3A_57 = arith.xori %lt3A_54, %lt3A_56 : i1
      %and3A_58 = arith.andi %ne3A_57, %ne3A_52 : i1
      %add3A_59 = arith.addi %rem3A_50, %select_n3A_49 : i32
      %select_n3A_60 = arith.select %and3A_58, %add3A_59, %rem3A_50 : i32
      %eq3A_61 = arith.constant 1 : i32
      %eq3A_62 = arith.cmpi eq, %select_n3A_60, %eq3A_61 : i32
      %convert_element_type3A_63 = arith.extui %eq3A_62 : i1 to i32
      %cond3A_64 = arith.constant 0 : i32
      %cond3A_65 = arith.cmpi ne, %convert_element_type3A_63, %cond3A_64 : i32
      scf.if %cond3A_65 {
        %dma_wait3A_66 = arith.constant 0 : i32
        %dma_wait3A_67 = arith.constant 0 : i32
        %dma_wait3A_68 = tpu.memref_slice %arg9[%dma_wait3A_66, %dma_wait3A_67] : memref<125x80xi32, #tpu.memory_space<vmem>> -> memref<1x80xi32, #tpu.memory_space<vmem>>
        %dma_wait3A_69 = tpu.memref_squeeze %dma_wait3A_68 : memref<1x80xi32, #tpu.memory_space<vmem>> -> memref<80xi32, #tpu.memory_space<vmem>>
        %dma_wait3A_70 = arith.constant 0 : i32
        %dma_wait3A_71 = arith.constant 0 : i32
        %dma_wait3A_72 = tpu.memref_slice %arg2[%dma_wait3A_70, %dma_wait3A_71] : memref<10000x128xf32, #tpu.memory_space<hbm>> -> memref<10000x128xf32, #tpu.memory_space<hbm>>
        tpu.wait_indirect_dma semaphore(%arg17 : memref<!tpu.dma_semaphore, #tpu.memory_space<semaphore_mem>>) src(%dma_wait3A_72 : memref<10000x128xf32, #tpu.memory_space<hbm>>) dst(%arg12 : memref<80x128xf32, #tpu.memory_space<vmem>>)
        %dma_wait3A_73 = arith.constant 0 : i32
        %dma_wait3A_74 = arith.constant 0 : i32
        %dma_wait3A_75 = tpu.memref_slice %arg10[%dma_wait3A_73, %dma_wait3A_74] : memref<125x80xi32, #tpu.memory_space<vmem>> -> memref<1x80xi32, #tpu.memory_space<vmem>>
        %dma_wait3A_76 = tpu.memref_squeeze %dma_wait3A_75 : memref<1x80xi32, #tpu.memory_space<vmem>> -> memref<80xi32, #tpu.memory_space<vmem>>
        %dma_wait3A_77 = arith.constant 0 : i32
        %dma_wait3A_78 = arith.constant 0 : i32
        %dma_wait3A_79 = tpu.memref_slice %arg3[%dma_wait3A_77, %dma_wait3A_78] : memref<10000x128xf32, #tpu.memory_space<hbm>> -> memref<10000x128xf32, #tpu.memory_space<hbm>>
        tpu.wait_indirect_dma semaphore(%arg18 : memref<!tpu.dma_semaphore, #tpu.memory_space<semaphore_mem>>) src(%dma_wait3A_79 : memref<10000x128xf32, #tpu.memory_space<hbm>>) dst(%arg14 : memref<80x128xf32, #tpu.memory_space<vmem>>)
        %add3A_80 = arith.constant 1 : i32
        %add3A_81 = arith.addi %scan3A_32, %add3A_80 : i32
        %min3A = arith.constant 124 : i32
        %min3A_82 = arith.minsi %add3A_81, %min3A : i32
        %dma_start3A_83 = arith.constant 0 : i32
        %dma_start3A_84 = tpu.memref_slice %arg9[%min3A_82, %dma_start3A_83] : memref<125x80xi32, #tpu.memory_space<vmem>> -> memref<1x80xi32, #tpu.memory_space<vmem>>
        %dma_start3A_85 = tpu.memref_squeeze %dma_start3A_84 : memref<1x80xi32, #tpu.memory_space<vmem>> -> memref<80xi32, #tpu.memory_space<vmem>>
        %dma_start3A_86 = arith.constant 0 : i32
        %dma_start3A_87 = arith.constant 0 : i32
        %dma_start3A_88 = tpu.memref_slice %arg2[%dma_start3A_86, %dma_start3A_87] : memref<10000x128xf32, #tpu.memory_space<hbm>> -> memref<10000x128xf32, #tpu.memory_space<hbm>>
        tpu.enqueue_indirect_dma source(%dma_start3A_88 : memref<10000x128xf32, #tpu.memory_space<hbm>>) target(%arg11 : memref<80x128xf32, #tpu.memory_space<vmem>>) offsets(%dma_start3A_85 : memref<80xi32, #tpu.memory_space<vmem>>) semaphore(%arg17 : memref<!tpu.dma_semaphore, #tpu.memory_space<semaphore_mem>>)
        %dma_start3A_89 = arith.constant 0 : i32
        %dma_start3A_90 = tpu.memref_slice %arg10[%min3A_82, %dma_start3A_89] : memref<125x80xi32, #tpu.memory_space<vmem>> -> memref<1x80xi32, #tpu.memory_space<vmem>>
        %dma_start3A_91 = tpu.memref_squeeze %dma_start3A_90 : memref<1x80xi32, #tpu.memory_space<vmem>> -> memref<80xi32, #tpu.memory_space<vmem>>
        %dma_start3A_92 = arith.constant 0 : i32
        %dma_start3A_93 = arith.constant 0 : i32
        %dma_start3A_94 = tpu.memref_slice %arg3[%dma_start3A_92, %dma_start3A_93] : memref<10000x128xf32, #tpu.memory_space<hbm>> -> memref<10000x128xf32, #tpu.memory_space<hbm>>
        tpu.enqueue_indirect_dma source(%dma_start3A_94 : memref<10000x128xf32, #tpu.memory_space<hbm>>) target(%arg13 : memref<80x128xf32, #tpu.memory_space<vmem>>) offsets(%dma_start3A_91 : memref<80xi32, #tpu.memory_space<vmem>>) semaphore(%arg18 : memref<!tpu.dma_semaphore, #tpu.memory_space<semaphore_mem>>)
        %parallel_loop3A = arith.constant 0 : i32
        %parallel_loop3A_95 = arith.constant 80 : i32
        %parallel_loop3A_96 = arith.constant 1 : i32
        scf.for %parallel_loop3A_129 = %parallel_loop3A to %parallel_loop3A_95 step %parallel_loop3A_96  : i32 {
          %parallel_loop3A_130 = arith.index_cast %parallel_loop3A_129 : i32 to index
          %parallel_loop3A_131 = arith.constant 0 : index
          %parallel_loop3A_132 = tpu.vector_load %arg12[%parallel_loop3A_130, %parallel_loop3A_131] {strides = array<i32>} : memref<80x128xf32, #tpu.memory_space<vmem>>, vector<16xf32>,
          %parallel_loop3A_133 = arith.index_cast %parallel_loop3A_129 : i32 to index
          %parallel_loop3A_134 = arith.constant 0 : index
          %parallel_loop3A_135 = tpu.vector_load %arg14[%parallel_loop3A_133, %parallel_loop3A_134] {strides = array<i32>} : memref<80x128xf32, #tpu.memory_space<vmem>>, vector<16xf32>,
          %parallel_loop3A_136 = arith.addf %parallel_loop3A_132, %parallel_loop3A_135 : vector<16xf32>
          %parallel_loop3A_137 = arith.index_cast %parallel_loop3A_129 : i32 to index
          %parallel_loop3A_138 = arith.constant 0 : index
          %parallel_loop3A_139 = tpu.vector_load %arg12[%parallel_loop3A_137, %parallel_loop3A_138] {strides = array<i32>} : memref<80x128xf32, #tpu.memory_space<vmem>>, vector<16xf32>,
          tpu.vector_store %arg12[%parallel_loop3A_137, %parallel_loop3A_138], %parallel_loop3A_136 {strides = array<i32>} : memref<80x128xf32, #tpu.memory_space<vmem>>, vector<16xf32>,
          %parallel_loop3A_140 = arith.index_cast %parallel_loop3A_129 : i32 to index
          %parallel_loop3A_141 = arith.constant 16 : index
          %parallel_loop3A_142 = tpu.vector_load %arg12[%parallel_loop3A_140, %parallel_loop3A_141] {strides = array<i32>} : memref<80x128xf32, #tpu.memory_space<vmem>>, vector<16xf32>,
          %parallel_loop3A_143 = arith.index_cast %parallel_loop3A_129 : i32 to index
          %parallel_loop3A_144 = arith.constant 16 : index
          %parallel_loop3A_145 = tpu.vector_load %arg14[%parallel_loop3A_143, %parallel_loop3A_144] {strides = array<i32>} : memref<80x128xf32, #tpu.memory_space<vmem>>, vector<16xf32>,
          %parallel_loop3A_146 = arith.addf %parallel_loop3A_142, %parallel_loop3A_145 : vector<16xf32>
          %parallel_loop3A_147 = arith.index_cast %parallel_loop3A_129 : i32 to index
          %parallel_loop3A_148 = arith.constant 16 : index
          %parallel_loop3A_149 = tpu.vector_load %arg12[%parallel_loop3A_147, %parallel_loop3A_148] {strides = array<i32>} : memref<80x128xf32, #tpu.memory_space<vmem>>, vector<16xf32>,
          tpu.vector_store %arg12[%parallel_loop3A_147, %parallel_loop3A_148], %parallel_loop3A_146 {strides = array<i32>} : memref<80x128xf32, #tpu.memory_space<vmem>>, vector<16xf32>,
          %parallel_loop3A_150 = arith.index_cast %parallel_loop3A_129 : i32 to index
          %parallel_loop3A_151 = arith.constant 32 : index
          %parallel_loop3A_152 = tpu.vector_load %arg12[%parallel_loop3A_150, %parallel_loop3A_151] {strides = array<i32>} : memref<80x128xf32, #tpu.memory_space<vmem>>, vector<16xf32>,
          %parallel_loop3A_153 = arith.index_cast %parallel_loop3A_129 : i32 to index
          %parallel_loop3A_154 = arith.constant 32 : index
          %parallel_loop3A_155 = tpu.vector_load %arg14[%parallel_loop3A_153, %parallel_loop3A_154] {strides = array<i32>} : memref<80x128xf32, #tpu.memory_space<vmem>>, vector<16xf32>,
          %parallel_loop3A_156 = arith.addf %parallel_loop3A_152, %parallel_loop3A_155 : vector<16xf32>
          %parallel_loop3A_157 = arith.index_cast %parallel_loop3A_129 : i32 to index
          %parallel_loop3A_158 = arith.constant 32 : index
          %parallel_loop3A_159 = tpu.vector_load %arg12[%parallel_loop3A_157, %parallel_loop3A_158] {strides = array<i32>} : memref<80x128xf32, #tpu.memory_space<vmem>>, vector<16xf32>,
          tpu.vector_store %arg12[%parallel_loop3A_157, %parallel_loop3A_158], %parallel_loop3A_156 {strides = array<i32>} : memref<80x128xf32, #tpu.memory_space<vmem>>, vector<16xf32>,
          %parallel_loop3A_160 = arith.index_cast %parallel_loop3A_129 : i32 to index
          %parallel_loop3A_161 = arith.constant 48 : index
          %parallel_loop3A_162 = tpu.vector_load %arg12[%parallel_loop3A_160, %parallel_loop3A_161] {strides = array<i32>} : memref<80x128xf32, #tpu.memory_space<vmem>>, vector<16xf32>,
          %parallel_loop3A_163 = arith.index_cast %parallel_loop3A_129 : i32 to index
          %parallel_loop3A_164 = arith.constant 48 : index
          %parallel_loop3A_165 = tpu.vector_load %arg14[%parallel_loop3A_163, %parallel_loop3A_164] {strides = array<i32>} : memref<80x128xf32, #tpu.memory_space<vmem>>, vector<16xf32>,
          %parallel_loop3A_166 = arith.addf %parallel_loop3A_162, %parallel_loop3A_165 : vector<16xf32>
          %parallel_loop3A_167 = arith.index_cast %parallel_loop3A_129 : i32 to index
          %parallel_loop3A_168 = arith.constant 48 : index
          %parallel_loop3A_169 = tpu.vector_load %arg12[%parallel_loop3A_167, %parallel_loop3A_168] {strides = array<i32>} : memref<80x128xf32, #tpu.memory_space<vmem>>, vector<16xf32>,
          tpu.vector_store %arg12[%parallel_loop3A_167, %parallel_loop3A_168], %parallel_loop3A_166 {strides = array<i32>} : memref<80x128xf32, #tpu.memory_space<vmem>>, vector<16xf32>,
          %parallel_loop3A_170 = arith.index_cast %parallel_loop3A_129 : i32 to index
          %parallel_loop3A_171 = arith.constant 64 : index
          %parallel_loop3A_172 = tpu.vector_load %arg12[%parallel_loop3A_170, %parallel_loop3A_171] {strides = array<i32>} : memref<80x128xf32, #tpu.memory_space<vmem>>, vector<16xf32>,
          %parallel_loop3A_173 = arith.index_cast %parallel_loop3A_129 : i32 to index
          %parallel_loop3A_174 = arith.constant 64 : index
          %parallel_loop3A_175 = tpu.vector_load %arg14[%parallel_loop3A_173, %parallel_loop3A_174] {strides = array<i32>} : memref<80x128xf32, #tpu.memory_space<vmem>>, vector<16xf32>,
          %parallel_loop3A_176 = arith.addf %parallel_loop3A_172, %parallel_loop3A_175 : vector<16xf32>
          %parallel_loop3A_177 = arith.index_cast %parallel_loop3A_129 : i32 to index
          %parallel_loop3A_178 = arith.constant 64 : index
          %parallel_loop3A_179 = tpu.vector_load %arg12[%parallel_loop3A_177, %parallel_loop3A_178] {strides = array<i32>} : memref<80x128xf32, #tpu.memory_space<vmem>>, vector<16xf32>,
          tpu.vector_store %arg12[%parallel_loop3A_177, %parallel_loop3A_178], %parallel_loop3A_176 {strides = array<i32>} : memref<80x128xf32, #tpu.memory_space<vmem>>, vector<16xf32>,
          %parallel_loop3A_180 = arith.index_cast %parallel_loop3A_129 : i32 to index
          %parallel_loop3A_181 = arith.constant 80 : index
          %parallel_loop3A_182 = tpu.vector_load %arg12[%parallel_loop3A_180, %parallel_loop3A_181] {strides = array<i32>} : memref<80x128xf32, #tpu.memory_space<vmem>>, vector<16xf32>,
          %parallel_loop3A_183 = arith.index_cast %parallel_loop3A_129 : i32 to index
          %parallel_loop3A_184 = arith.constant 80 : index
          %parallel_loop3A_185 = tpu.vector_load %arg14[%parallel_loop3A_183, %parallel_loop3A_184] {strides = array<i32>} : memref<80x128xf32, #tpu.memory_space<vmem>>, vector<16xf32>,
          %parallel_loop3A_186 = arith.addf %parallel_loop3A_182, %parallel_loop3A_185 : vector<16xf32>
          %parallel_loop3A_187 = arith.index_cast %parallel_loop3A_129 : i32 to index
          %parallel_loop3A_188 = arith.constant 80 : index
          %parallel_loop3A_189 = tpu.vector_load %arg12[%parallel_loop3A_187, %parallel_loop3A_188] {strides = array<i32>} : memref<80x128xf32, #tpu.memory_space<vmem>>, vector<16xf32>,
          tpu.vector_store %arg12[%parallel_loop3A_187, %parallel_loop3A_188], %parallel_loop3A_186 {strides = array<i32>} : memref<80x128xf32, #tpu.memory_space<vmem>>, vector<16xf32>,
          %parallel_loop3A_190 = arith.index_cast %parallel_loop3A_129 : i32 to index
          %parallel_loop3A_191 = arith.constant 96 : index
          %parallel_loop3A_192 = tpu.vector_load %arg12[%parallel_loop3A_190, %parallel_loop3A_191] {strides = array<i32>} : memref<80x128xf32, #tpu.memory_space<vmem>>, vector<16xf32>,
          %parallel_loop3A_193 = arith.index_cast %parallel_loop3A_129 : i32 to index
          %parallel_loop3A_194 = arith.constant 96 : index
          %parallel_loop3A_195 = tpu.vector_load %arg14[%parallel_loop3A_193, %parallel_loop3A_194] {strides = array<i32>} : memref<80x128xf32, #tpu.memory_space<vmem>>, vector<16xf32>,
          %parallel_loop3A_196 = arith.addf %parallel_loop3A_192, %parallel_loop3A_195 : vector<16xf32>
          %parallel_loop3A_197 = arith.index_cast %parallel_loop3A_129 : i32 to index
          %parallel_loop3A_198 = arith.constant 96 : index
          %parallel_loop3A_199 = tpu.vector_load %arg12[%parallel_loop3A_197, %parallel_loop3A_198] {strides = array<i32>} : memref<80x128xf32, #tpu.memory_space<vmem>>, vector<16xf32>,
          tpu.vector_store %arg12[%parallel_loop3A_197, %parallel_loop3A_198], %parallel_loop3A_196 {strides = array<i32>} : memref<80x128xf32, #tpu.memory_space<vmem>>, vector<16xf32>,
          %parallel_loop3A_200 = arith.index_cast %parallel_loop3A_129 : i32 to index
          %parallel_loop3A_201 = arith.constant 112 : index
          %parallel_loop3A_202 = tpu.vector_load %arg12[%parallel_loop3A_200, %parallel_loop3A_201] {strides = array<i32>} : memref<80x128xf32, #tpu.memory_space<vmem>>, vector<16xf32>,
          %parallel_loop3A_203 = arith.index_cast %parallel_loop3A_129 : i32 to index
          %parallel_loop3A_204 = arith.constant 112 : index
          %parallel_loop3A_205 = tpu.vector_load %arg14[%parallel_loop3A_203, %parallel_loop3A_204] {strides = array<i32>} : memref<80x128xf32, #tpu.memory_space<vmem>>, vector<16xf32>,
          %parallel_loop3A_206 = arith.addf %parallel_loop3A_202, %parallel_loop3A_205 : vector<16xf32>
          %parallel_loop3A_207 = arith.index_cast %parallel_loop3A_129 : i32 to index
          %parallel_loop3A_208 = arith.constant 112 : index
          %parallel_loop3A_209 = tpu.vector_load %arg12[%parallel_loop3A_207, %parallel_loop3A_208] {strides = array<i32>} : memref<80x128xf32, #tpu.memory_space<vmem>>, vector<16xf32>,
          tpu.vector_store %arg12[%parallel_loop3A_207, %parallel_loop3A_208], %parallel_loop3A_206 {strides = array<i32>} : memref<80x128xf32, #tpu.memory_space<vmem>>, vector<16xf32>,
        } {sc.loop_unroll_factor = 4 : i64, sc.parallel_access}
        %scan3A_97 = arith.constant 0 : i32
        %scan3A_98 = arith.constant 0 : i32
        %scan3A_99 = arith.constant 5 : i32
        %scan3A_100 = arith.addi %scan3A_98, %scan3A_99 : i32
        %scan3A_101 = arith.constant 1 : i32
        scf.for %scan3A_129 = %scan3A_98 to %scan3A_100 step %scan3A_101  : i32 {
          %mul3A_130 = arith.constant 16 : i32
          %mul3A_131 = arith.muli %scan3A_129, %mul3A_130 : i32
          %get3A = arith.index_cast %scan3A_32 : i32 to index
          %get3A_132 = arith.index_cast %mul3A_131 : i32 to index
          %get3A_133 = tpu.vector_load %arg9[%get3A, %get3A_132] {strides = array<i32>} : memref<125x80xi32, #tpu.memory_space<vmem>>, vector<16xi32>,
          %mul3A_134 = arith.constant 4 : i32
          %mul3A_135 = vector.broadcast %mul3A_134 : i32 to vector<16xi32>
          %mul3A_136 = arith.muli %get3A_133, %mul3A_135 : vector<16xi32>
          %mul3A_137 = arith.constant 16 : i32
          %mul3A_138 = arith.muli %scan3A_129, %mul3A_137 : i32
          %get3A_139 = arith.index_cast %scan3A_32 : i32 to index
          %get3A_140 = arith.index_cast %mul3A_138 : i32 to index
          %get3A_141 = tpu.vector_load %arg10[%get3A_139, %get3A_140] {strides = array<i32>} : memref<125x80xi32, #tpu.memory_space<vmem>>, vector<16xi32>,
          %mul3A_142 = arith.constant 4 : i32
          %mul3A_143 = vector.broadcast %mul3A_142 : i32 to vector<16xi32>
          %mul3A_144 = arith.muli %get3A_141, %mul3A_143 : vector<16xi32>
          %jit3A_145 = arith.constant 5 : i32
          %eq3A_146 = arith.constant 0 : i32
          %eq3A_147 = arith.cmpi eq, %jit3A_145, %eq3A_146 : i32
          %jit3A_148 = arith.constant 1 : i32
          %select_n3A_149 = arith.select %eq3A_147, %jit3A_148, %jit3A_145 : i32
          %rem3A_150 = arith.remsi %scan3A_32, %select_n3A_149 : i32
          %ne3A_151 = arith.constant 0 : i32
          %ne3A_152 = arith.cmpi ne, %rem3A_150, %ne3A_151 : i32
          %lt3A_153 = arith.constant 0 : i32
          %lt3A_154 = arith.cmpi slt, %rem3A_150, %lt3A_153 : i32
          %lt3A_155 = arith.constant 0 : i32
          %lt3A_156 = arith.cmpi slt, %select_n3A_149, %lt3A_155 : i32
          %ne3A_157 = arith.xori %lt3A_154, %lt3A_156 : i1
          %and3A_158 = arith.andi %ne3A_157, %ne3A_152 : i1
          %add3A_159 = arith.addi %rem3A_150, %select_n3A_149 : i32
          %select_n3A_160 = arith.select %and3A_158, %add3A_159, %rem3A_150 : i32
          %mul3A_161 = arith.constant 80 : i32
          %mul3A_162 = arith.muli %select_n3A_160, %mul3A_161 : i32
          %mul3A_163 = arith.constant 16 : i32
          %mul3A_164 = arith.muli %scan3A_129, %mul3A_163 : i32
          %add3A_165 = arith.addi %mul3A_162, %mul3A_164 : i32
          %add3A_166 = vector.broadcast %add3A_165 : i32 to vector<16xi32>
          %add3A_167 = arith.addi %add3A_166, %iota3A : vector<16xi32>
          %gather3A = tpu.vector_load_idx %arg15[%mul3A_144] : memref<40000xf32, #tpu.memory_space<vmem>>[vector<16xi32>], vector<16xf32>,
          %gather3A_168 = tpu.vector_load_idx %arg15[%mul3A_136] : memref<40000xf32, #tpu.memory_space<vmem>>[vector<16xi32>], vector<16xf32>,
          %sub3A = arith.subf %gather3A, %gather3A_168 : vector<16xf32>
          %add3A_169 = arith.constant 1 : i32
          %add3A_170 = vector.broadcast %add3A_169 : i32 to vector<16xi32>
          %add3A_171 = arith.addi %mul3A_144, %add3A_170 : vector<16xi32>
          %gather3A_172 = tpu.vector_load_idx %arg15[%add3A_171] : memref<40000xf32, #tpu.memory_space<vmem>>[vector<16xi32>], vector<16xf32>,
          %add3A_173 = arith.constant 1 : i32
          %add3A_174 = vector.broadcast %add3A_173 : i32 to vector<16xi32>
          %add3A_175 = arith.addi %mul3A_136, %add3A_174 : vector<16xi32>
          %gather3A_176 = tpu.vector_load_idx %arg15[%add3A_175] : memref<40000xf32, #tpu.memory_space<vmem>>[vector<16xi32>], vector<16xf32>,
          %sub3A_177 = arith.subf %gather3A_172, %gather3A_176 : vector<16xf32>
          %add3A_178 = arith.constant 2 : i32
          %add3A_179 = vector.broadcast %add3A_178 : i32 to vector<16xi32>
          %add3A_180 = arith.addi %mul3A_144, %add3A_179 : vector<16xi32>
          %gather3A_181 = tpu.vector_load_idx %arg15[%add3A_180] : memref<40000xf32, #tpu.memory_space<vmem>>[vector<16xi32>], vector<16xf32>,
          %add3A_182 = arith.constant 2 : i32
          %add3A_183 = vector.broadcast %add3A_182 : i32 to vector<16xi32>
          %add3A_184 = arith.addi %mul3A_136, %add3A_183 : vector<16xi32>
          %gather3A_185 = tpu.vector_load_idx %arg15[%add3A_184] : memref<40000xf32, #tpu.memory_space<vmem>>[vector<16xi32>], vector<16xf32>,
          %sub3A_186 = arith.subf %gather3A_181, %gather3A_185 : vector<16xf32>
          %mul3A_187 = arith.mulf %sub3A, %sub3A : vector<16xf32>
          %mul3A_188 = arith.mulf %sub3A_177, %sub3A_177 : vector<16xf32>
          %add3A_189 = arith.addf %mul3A_187, %mul3A_188 : vector<16xf32>
          %mul3A_190 = arith.mulf %sub3A_186, %sub3A_186 : vector<16xf32>
          %add3A_191 = arith.addf %add3A_189, %mul3A_190 : vector<16xf32>
          tpu.vector_store_idx %arg16[%add3A_167], %add3A_191 : memref<400xf32, #tpu.memory_space<vmem>>[vector<16xi32>], vector<16xf32>,
        }
        %scan3A_102 = arith.constant 5 : i32
        %mul3A_103 = arith.constant 10000 : i32
        %mul3A_104 = arith.muli %add3A, %mul3A_103 : i32
        %mul3A_105 = arith.constant 80 : i32
        %mul3A_106 = arith.muli %scan3A_32, %mul3A_105 : i32
        %add3A_107 = arith.addi %mul3A_104, %mul3A_106 : i32
        "tpu.region"() ({
          %run_scoped3A = tpu.sem_alloc : memref<!tpu.dma_semaphore, #tpu.memory_space<semaphore_mem>>
          %dma_start3A_129 = arith.constant 0 : i32
          %dma_start3A_130 = tpu.memref_slice %arg7[%add3A_107, %dma_start3A_129] : memref<320000x128xf32, #tpu.memory_space<hbm>> -> memref<80x128xf32, #tpu.memory_space<hbm>>
          %dma_start3A_131 = arith.constant 0 : i32
          %dma_start3A_132 = tpu.memref_slice %arg7[%add3A_107, %dma_start3A_131] : memref<320000x128xf32, #tpu.memory_space<hbm>> -> memref<80x128xf32, #tpu.memory_space<hbm>>
          tpu.enqueue_dma source(%arg12 : memref<80x128xf32, #tpu.memory_space<vmem>>) target(%dma_start3A_132 : memref<80x128xf32, #tpu.memory_space<hbm>>) target_semaphore(%run_scoped3A : memref<!tpu.dma_semaphore, #tpu.memory_space<semaphore_mem>>)
          %dma_wait3A_133 = arith.constant 0 : i32
          %dma_wait3A_134 = tpu.memref_slice %arg7[%add3A_107, %dma_wait3A_133] : memref<320000x128xf32, #tpu.memory_space<hbm>> -> memref<80x128xf32, #tpu.memory_space<hbm>>
          %dma_wait3A_135 = arith.constant 0 : i32
          %dma_wait3A_136 = tpu.memref_slice %arg7[%add3A_107, %dma_wait3A_135] : memref<320000x128xf32, #tpu.memory_space<hbm>> -> memref<80x128xf32, #tpu.memory_space<hbm>>
          tpu.wait_dma2 semaphore(%run_scoped3A : memref<!tpu.dma_semaphore, #tpu.memory_space<semaphore_mem>>) src(%arg12 : memref<80x128xf32, #tpu.memory_space<vmem>>) dst(%dma_wait3A_136 : memref<80x128xf32, #tpu.memory_space<hbm>>)
          tpu.yield
        }) : () -> ()
        %jit3A_108 = arith.constant 5 : i32
        %eq3A_109 = arith.constant 0 : i32
        %eq3A_110 = arith.cmpi eq, %jit3A_108, %eq3A_109 : i32
        %jit3A_111 = arith.constant 1 : i32
        %select_n3A_112 = arith.select %eq3A_110, %jit3A_111, %jit3A_108 : i32
        %rem3A_113 = arith.remsi %scan3A_32, %select_n3A_112 : i32
        %ne3A_114 = arith.constant 0 : i32
        %ne3A_115 = arith.cmpi ne, %rem3A_113, %ne3A_114 : i32
        %lt3A_116 = arith.constant 0 : i32
        %lt3A_117 = arith.cmpi slt, %rem3A_113, %lt3A_116 : i32
        %lt3A_118 = arith.constant 0 : i32
        %lt3A_119 = arith.cmpi slt, %select_n3A_112, %lt3A_118 : i32
        %ne3A_120 = arith.xori %lt3A_117, %lt3A_119 : i1
        %and3A_121 = arith.andi %ne3A_120, %ne3A_115 : i1
        %add3A_122 = arith.addi %rem3A_113, %select_n3A_112 : i32
        %select_n3A_123 = arith.select %and3A_121, %add3A_122, %rem3A_113 : i32
        %eq3A_124 = arith.constant 4 : i32
        %eq3A_125 = arith.cmpi eq, %select_n3A_123, %eq3A_124 : i32
        %convert_element_type3A_126 = arith.extui %eq3A_125 : i1 to i32
        %cond3A_127 = arith.constant 0 : i32
        %cond3A_128 = arith.cmpi ne, %convert_element_type3A_126, %cond3A_127 : i32
        scf.if %cond3A_128 {
          %sub3A = arith.constant 4 : i32
          %sub3A_129 = arith.subi %scan3A_32, %sub3A : i32
          %mul3A_130 = arith.constant 10000 : i32
          %mul3A_131 = arith.muli %add3A, %mul3A_130 : i32
          %mul3A_132 = arith.constant 80 : i32
          %mul3A_133 = arith.muli %sub3A_129, %mul3A_132 : i32
          %add3A_134 = arith.addi %mul3A_131, %mul3A_133 : i32
          "tpu.region"() ({
            %run_scoped3A = tpu.sem_alloc : memref<!tpu.dma_semaphore, #tpu.memory_space<semaphore_mem>>
            %dma_start3A_135 = tpu.memref_slice %arg8[%add3A_134] : memref<320000xf32, #tpu.memory_space<hbm>> -> memref<400xf32, #tpu.memory_space<hbm>>
            %dma_start3A_136 = tpu.memref_slice %arg8[%add3A_134] : memref<320000xf32, #tpu.memory_space<hbm>> -> memref<400xf32, #tpu.memory_space<hbm>>
            tpu.enqueue_dma source(%arg16 : memref<400xf32, #tpu.memory_space<vmem>>) target(%dma_start3A_136 : memref<400xf32, #tpu.memory_space<hbm>>) target_semaphore(%run_scoped3A : memref<!tpu.dma_semaphore, #tpu.memory_space<semaphore_mem>>)
            %dma_wait3A_137 = tpu.memref_slice %arg8[%add3A_134] : memref<320000xf32, #tpu.memory_space<hbm>> -> memref<400xf32, #tpu.memory_space<hbm>>
            %dma_wait3A_138 = tpu.memref_slice %arg8[%add3A_134] : memref<320000xf32, #tpu.memory_space<hbm>> -> memref<400xf32, #tpu.memory_space<hbm>>
            tpu.wait_dma2 semaphore(%run_scoped3A : memref<!tpu.dma_semaphore, #tpu.memory_space<semaphore_mem>>) src(%arg16 : memref<400xf32, #tpu.memory_space<vmem>>) dst(%dma_wait3A_138 : memref<400xf32, #tpu.memory_space<hbm>>)
            tpu.yield
          }) : () -> ()
        } else {
        }
      } else {
      }
    }
    %scan3A_18 = arith.constant 125 : i32
    %dma_wait3A = arith.constant 0 : i32
    %dma_wait3A_19 = arith.constant 0 : i32
    %dma_wait3A_20 = tpu.memref_slice %arg9[%dma_wait3A, %dma_wait3A_19] : memref<125x80xi32, #tpu.memory_space<vmem>> -> memref<1x80xi32, #tpu.memory_space<vmem>>
    %dma_wait3A_21 = tpu.memref_squeeze %dma_wait3A_20 : memref<1x80xi32, #tpu.memory_space<vmem>> -> memref<80xi32, #tpu.memory_space<vmem>>
    %dma_wait3A_22 = arith.constant 0 : i32
    %dma_wait3A_23 = arith.constant 0 : i32
    %dma_wait3A_24 = tpu.memref_slice %arg2[%dma_wait3A_22, %dma_wait3A_23] : memref<10000x128xf32, #tpu.memory_space<hbm>> -> memref<10000x128xf32, #tpu.memory_space<hbm>>
    tpu.wait_indirect_dma semaphore(%arg17 : memref<!tpu.dma_semaphore, #tpu.memory_space<semaphore_mem>>) src(%dma_wait3A_24 : memref<10000x128xf32, #tpu.memory_space<hbm>>) dst(%arg12 : memref<80x128xf32, #tpu.memory_space<vmem>>)
    %dma_wait3A_25 = arith.constant 0 : i32
    %dma_wait3A_26 = arith.constant 0 : i32
    %dma_wait3A_27 = tpu.memref_slice %arg10[%dma_wait3A_25, %dma_wait3A_26] : memref<125x80xi32, #tpu.memory_space<vmem>> -> memref<1x80xi32, #tpu.memory_space<vmem>>
    %dma_wait3A_28 = tpu.memref_squeeze %dma_wait3A_27 : memref<1x80xi32, #tpu.memory_space<vmem>> -> memref<80xi32, #tpu.memory_space<vmem>>
    %dma_wait3A_29 = arith.constant 0 : i32
    %dma_wait3A_30 = arith.constant 0 : i32
    %dma_wait3A_31 = tpu.memref_slice %arg3[%dma_wait3A_29, %dma_wait3A_30] : memref<10000x128xf32, #tpu.memory_space<hbm>> -> memref<10000x128xf32, #tpu.memory_space<hbm>>
    tpu.wait_indirect_dma semaphore(%arg18 : memref<!tpu.dma_semaphore, #tpu.memory_space<semaphore_mem>>) src(%dma_wait3A_31 : memref<10000x128xf32, #tpu.memory_space<hbm>>) dst(%arg14 : memref<80x128xf32, #tpu.memory_space<vmem>>)
    return
  }
}

#map = affine_map<(d0, d1) -> (0)>
#map1 = affine_map<(d0, d1) -> (0, 0, 0)>
#map2 = affine_map<(d0, d1) -> (0, 0)>
module attributes {stable_mosaic.version = 14 : i64} {
  func.func @_scatter_x_body(%arg0: i32, %arg1: i32, %arg2: memref<320000xf32, #tpu.memory_space<hbm>>, %arg3: memref<32x125x80xi32, #tpu.memory_space<hbm>>, %arg4: memref<32x125x80xi32, #tpu.memory_space<hbm>>, %arg5: memref<40000xf32, #tpu.memory_space<hbm>>, %arg6: memref<32x40960xf32, #tpu.memory_space<hbm>>, %arg7: memref<125x80xi32, #tpu.memory_space<vmem>>, %arg8: memref<125x80xi32, #tpu.memory_space<vmem>>, %arg9: memref<40000xf32, #tpu.memory_space<vmem>>, %arg10: memref<400xf32, #tpu.memory_space<vmem>>, %arg11: memref<400xf32, #tpu.memory_space<vmem>>, %arg12: memref<40960xf32, #tpu.memory_space<vmem>>, %arg13: memref<!tpu.dma_semaphore, #tpu.memory_space<semaphore_mem>>) attributes {dimension_semantics = [#tpu.dimension_semantics<core_parallel>, #tpu.dimension_semantics<subcore_parallel>], iteration_bounds = array<i64: 2, 16>, scalar_prefetch = 0 : i64, scratch_operands = 7 : i64, tpu.core_type = #tpu.core_type<sc_vector_subcore>, window_params = [{transform_indices = #map}, {transform_indices = #map1}, {transform_indices = #map1}, {transform_indices = #map}, {transform_indices = #map2}]} {
    %mul3A = arith.constant 2 : i32
    %mul3A_0 = arith.muli %arg1, %mul3A : i32
    %add3A = arith.addi %mul3A_0, %arg0 : i32
    %broadcast_in_dim3A = arith.constant 0.000000e+00 : f32
    %broadcast_in_dim3A_1 = vector.broadcast %broadcast_in_dim3A : f32 to vector<16xf32>
    %broadcast_in_dim3A_2 = arith.constant 1.000000e+00 : f32
    %broadcast_in_dim3A_3 = vector.broadcast %broadcast_in_dim3A_2 : f32 to vector<16xf32>
    %scan3A = arith.constant 0 : i32
    %scan3A_4 = arith.constant 0 : i32
    %scan3A_5 = arith.constant 2560 : i32
    %scan3A_6 = arith.addi %scan3A_4, %scan3A_5 : i32
    %scan3A_7 = arith.constant 1 : i32
    scf.for %scan3A_23 = %scan3A_4 to %scan3A_6 step %scan3A_7  : i32 {
      %mul3A_24 = arith.constant 16 : i32
      %mul3A_25 = arith.muli %scan3A_23, %mul3A_24 : i32
      %swap3A = arith.index_cast %mul3A_25 : i32 to index
      %swap3A_26 = tpu.vector_load %arg12[%swap3A] {strides = array<i32>} : memref<40960xf32, #tpu.memory_space<vmem>>, vector<16xf32>,
      tpu.vector_store %arg12[%swap3A], %broadcast_in_dim3A_1 {strides = array<i32>} : memref<40960xf32, #tpu.memory_space<vmem>>, vector<16xf32>,
    }
    %scan3A_8 = arith.constant 2560 : i32
    "tpu.region"() ({
      %run_scoped3A = tpu.sem_alloc : memref<!tpu.dma_semaphore, #tpu.memory_space<semaphore_mem>>
      %dma_start3A_23 = arith.constant 0 : i32
      %dma_start3A_24 = arith.constant 0 : i32
      %dma_start3A_25 = tpu.memref_slice %arg3[%add3A, %dma_start3A_23, %dma_start3A_24] : memref<32x125x80xi32, #tpu.memory_space<hbm>> -> memref<1x125x80xi32, #tpu.memory_space<hbm>>
      %dma_start3A_26 = tpu.memref_squeeze %dma_start3A_25 : memref<1x125x80xi32, #tpu.memory_space<hbm>> -> memref<125x80xi32, #tpu.memory_space<hbm>>
      %dma_start3A_27 = arith.constant 0 : i32
      %dma_start3A_28 = arith.constant 0 : i32
      %dma_start3A_29 = tpu.memref_slice %arg3[%add3A, %dma_start3A_27, %dma_start3A_28] : memref<32x125x80xi32, #tpu.memory_space<hbm>> -> memref<1x125x80xi32, #tpu.memory_space<hbm>>
      %dma_start3A_30 = tpu.memref_squeeze %dma_start3A_29 : memref<1x125x80xi32, #tpu.memory_space<hbm>> -> memref<125x80xi32, #tpu.memory_space<hbm>>
      tpu.enqueue_dma source(%dma_start3A_30 : memref<125x80xi32, #tpu.memory_space<hbm>>) target(%arg7 : memref<125x80xi32, #tpu.memory_space<vmem>>) target_semaphore(%run_scoped3A : memref<!tpu.dma_semaphore, #tpu.memory_space<semaphore_mem>>)
      %dma_wait3A_31 = arith.constant 0 : i32
      %dma_wait3A_32 = arith.constant 0 : i32
      %dma_wait3A_33 = tpu.memref_slice %arg3[%add3A, %dma_wait3A_31, %dma_wait3A_32] : memref<32x125x80xi32, #tpu.memory_space<hbm>> -> memref<1x125x80xi32, #tpu.memory_space<hbm>>
      %dma_wait3A_34 = tpu.memref_squeeze %dma_wait3A_33 : memref<1x125x80xi32, #tpu.memory_space<hbm>> -> memref<125x80xi32, #tpu.memory_space<hbm>>
      %dma_wait3A_35 = arith.constant 0 : i32
      %dma_wait3A_36 = arith.constant 0 : i32
      %dma_wait3A_37 = tpu.memref_slice %arg3[%add3A, %dma_wait3A_35, %dma_wait3A_36] : memref<32x125x80xi32, #tpu.memory_space<hbm>> -> memref<1x125x80xi32, #tpu.memory_space<hbm>>
      %dma_wait3A_38 = tpu.memref_squeeze %dma_wait3A_37 : memref<1x125x80xi32, #tpu.memory_space<hbm>> -> memref<125x80xi32, #tpu.memory_space<hbm>>
      tpu.wait_dma2 semaphore(%run_scoped3A : memref<!tpu.dma_semaphore, #tpu.memory_space<semaphore_mem>>) src(%dma_wait3A_38 : memref<125x80xi32, #tpu.memory_space<hbm>>) dst(%arg7 : memref<125x80xi32, #tpu.memory_space<vmem>>)
      tpu.yield
    }) : () -> ()
    "tpu.region"() ({
      %run_scoped3A = tpu.sem_alloc : memref<!tpu.dma_semaphore, #tpu.memory_space<semaphore_mem>>
      %dma_start3A_23 = arith.constant 0 : i32
      %dma_start3A_24 = arith.constant 0 : i32
      %dma_start3A_25 = tpu.memref_slice %arg4[%add3A, %dma_start3A_23, %dma_start3A_24] : memref<32x125x80xi32, #tpu.memory_space<hbm>> -> memref<1x125x80xi32, #tpu.memory_space<hbm>>
      %dma_start3A_26 = tpu.memref_squeeze %dma_start3A_25 : memref<1x125x80xi32, #tpu.memory_space<hbm>> -> memref<125x80xi32, #tpu.memory_space<hbm>>
      %dma_start3A_27 = arith.constant 0 : i32
      %dma_start3A_28 = arith.constant 0 : i32
      %dma_start3A_29 = tpu.memref_slice %arg4[%add3A, %dma_start3A_27, %dma_start3A_28] : memref<32x125x80xi32, #tpu.memory_space<hbm>> -> memref<1x125x80xi32, #tpu.memory_space<hbm>>
      %dma_start3A_30 = tpu.memref_squeeze %dma_start3A_29 : memref<1x125x80xi32, #tpu.memory_space<hbm>> -> memref<125x80xi32, #tpu.memory_space<hbm>>
      tpu.enqueue_dma source(%dma_start3A_30 : memref<125x80xi32, #tpu.memory_space<hbm>>) target(%arg8 : memref<125x80xi32, #tpu.memory_space<vmem>>) target_semaphore(%run_scoped3A : memref<!tpu.dma_semaphore, #tpu.memory_space<semaphore_mem>>)
      %dma_wait3A_31 = arith.constant 0 : i32
      %dma_wait3A_32 = arith.constant 0 : i32
      %dma_wait3A_33 = tpu.memref_slice %arg4[%add3A, %dma_wait3A_31, %dma_wait3A_32] : memref<32x125x80xi32, #tpu.memory_space<hbm>> -> memref<1x125x80xi32, #tpu.memory_space<hbm>>
      %dma_wait3A_34 = tpu.memref_squeeze %dma_wait3A_33 : memref<1x125x80xi32, #tpu.memory_space<hbm>> -> memref<125x80xi32, #tpu.memory_space<hbm>>
      %dma_wait3A_35 = arith.constant 0 : i32
      %dma_wait3A_36 = arith.constant 0 : i32
      %dma_wait3A_37 = tpu.memref_slice %arg4[%add3A, %dma_wait3A_35, %dma_wait3A_36] : memref<32x125x80xi32, #tpu.memory_space<hbm>> -> memref<1x125x80xi32, #tpu.memory_space<hbm>>
      %dma_wait3A_38 = tpu.memref_squeeze %dma_wait3A_37 : memref<1x125x80xi32, #tpu.memory_space<hbm>> -> memref<125x80xi32, #tpu.memory_space<hbm>>
      tpu.wait_dma2 semaphore(%run_scoped3A : memref<!tpu.dma_semaphore, #tpu.memory_space<semaphore_mem>>) src(%dma_wait3A_38 : memref<125x80xi32, #tpu.memory_space<hbm>>) dst(%arg8 : memref<125x80xi32, #tpu.memory_space<vmem>>)
      tpu.yield
    }) : () -> ()
    "tpu.region"() ({
      %run_scoped3A = tpu.sem_alloc : memref<!tpu.dma_semaphore, #tpu.memory_space<semaphore_mem>>
      tpu.enqueue_dma source(%arg5 : memref<40000xf32, #tpu.memory_space<hbm>>) target(%arg9 : memref<40000xf32, #tpu.memory_space<vmem>>) target_semaphore(%run_scoped3A : memref<!tpu.dma_semaphore, #tpu.memory_space<semaphore_mem>>)
      tpu.wait_dma2 semaphore(%run_scoped3A : memref<!tpu.dma_semaphore, #tpu.memory_space<semaphore_mem>>) src(%arg5 : memref<40000xf32, #tpu.memory_space<hbm>>) dst(%arg9 : memref<40000xf32, #tpu.memory_space<vmem>>)
      tpu.yield
    }) : () -> ()
    %iota3A = tpu.iota {dimensions = array<i32: 0>} : vector<16xi32>
    %mul3A_9 = arith.constant 10000 : i32
    %mul3A_10 = arith.muli %add3A, %mul3A_9 : i32
    %add3A_11 = arith.constant 0 : i32
    %add3A_12 = arith.addi %mul3A_10, %add3A_11 : i32
    %dma_start3A = tpu.memref_slice %arg2[%add3A_12] : memref<320000xf32, #tpu.memory_space<hbm>> -> memref<400xf32, #tpu.memory_space<hbm>>
    %dma_start3A_13 = tpu.memref_slice %arg2[%add3A_12] : memref<320000xf32, #tpu.memory_space<hbm>> -> memref<400xf32, #tpu.memory_space<hbm>>
    tpu.enqueue_dma source(%dma_start3A_13 : memref<400xf32, #tpu.memory_space<hbm>>) target(%arg10 : memref<400xf32, #tpu.memory_space<vmem>>) target_semaphore(%arg13 : memref<!tpu.dma_semaphore, #tpu.memory_space<semaphore_mem>>)
    %scan3A_14 = arith.constant 0 : i32
    %scan3A_15 = arith.constant 0 : i32
    %scan3A_16 = arith.constant 25 : i32
    %scan3A_17 = arith.addi %scan3A_15, %scan3A_16 : i32
    %scan3A_18 = arith.constant 1 : i32
    scf.for %scan3A_23 = %scan3A_15 to %scan3A_17 step %scan3A_18  : i32 {
      %jit3A = arith.constant 2 : i32
      %eq3A = arith.constant 0 : i32
      %eq3A_24 = arith.cmpi eq, %jit3A, %eq3A : i32
      %jit3A_25 = arith.constant 1 : i32
      %select_n3A = arith.select %eq3A_24, %jit3A_25, %jit3A : i32
      %rem3A = arith.remsi %scan3A_23, %select_n3A : i32
      %ne3A = arith.constant 0 : i32
      %ne3A_26 = arith.cmpi ne, %rem3A, %ne3A : i32
      %lt3A = arith.constant 0 : i32
      %lt3A_27 = arith.cmpi slt, %rem3A, %lt3A : i32
      %lt3A_28 = arith.constant 0 : i32
      %lt3A_29 = arith.cmpi slt, %select_n3A, %lt3A_28 : i32
      %ne3A_30 = arith.xori %lt3A_27, %lt3A_29 : i1
      %and3A = arith.andi %ne3A_30, %ne3A_26 : i1
      %add3A_31 = arith.addi %rem3A, %select_n3A : i32
      %select_n3A_32 = arith.select %and3A, %add3A_31, %rem3A : i32
      %eq3A_33 = arith.constant 0 : i32
      %eq3A_34 = arith.cmpi eq, %select_n3A_32, %eq3A_33 : i32
      %convert_element_type3A = arith.extui %eq3A_34 : i1 to i32
      %cond3A = arith.constant 0 : i32
      %cond3A_35 = arith.cmpi ne, %convert_element_type3A, %cond3A : i32
      scf.if %cond3A_35 {
        %dma_wait3A_57 = arith.constant 0 : i32
        %dma_wait3A_58 = tpu.memref_slice %arg2[%dma_wait3A_57] : memref<320000xf32, #tpu.memory_space<hbm>> -> memref<400xf32, #tpu.memory_space<hbm>>
        %dma_wait3A_59 = arith.constant 0 : i32
        %dma_wait3A_60 = tpu.memref_slice %arg2[%dma_wait3A_59] : memref<320000xf32, #tpu.memory_space<hbm>> -> memref<400xf32, #tpu.memory_space<hbm>>
        tpu.wait_dma2 semaphore(%arg13 : memref<!tpu.dma_semaphore, #tpu.memory_space<semaphore_mem>>) src(%dma_wait3A_60 : memref<400xf32, #tpu.memory_space<hbm>>) dst(%arg10 : memref<400xf32, #tpu.memory_space<vmem>>)
        %add3A_61 = arith.constant 1 : i32
        %add3A_62 = arith.addi %scan3A_23, %add3A_61 : i32
        %min3A = arith.constant 24 : i32
        %min3A_63 = arith.minsi %add3A_62, %min3A : i32
        %mul3A_64 = arith.constant 10000 : i32
        %mul3A_65 = arith.muli %add3A, %mul3A_64 : i32
        %mul3A_66 = arith.constant 5 : i32
        %mul3A_67 = arith.muli %min3A_63, %mul3A_66 : i32
        %mul3A_68 = arith.constant 80 : i32
        %mul3A_69 = arith.muli %mul3A_67, %mul3A_68 : i32
        %add3A_70 = arith.addi %mul3A_65, %mul3A_69 : i32
        %dma_start3A_71 = tpu.memref_slice %arg2[%add3A_70] : memref<320000xf32, #tpu.memory_space<hbm>> -> memref<400xf32, #tpu.memory_space<hbm>>
        %dma_start3A_72 = tpu.memref_slice %arg2[%add3A_70] : memref<320000xf32, #tpu.memory_space<hbm>> -> memref<400xf32, #tpu.memory_space<hbm>>
        tpu.enqueue_dma source(%dma_start3A_72 : memref<400xf32, #tpu.memory_space<hbm>>) target(%arg11 : memref<400xf32, #tpu.memory_space<vmem>>) target_semaphore(%arg13 : memref<!tpu.dma_semaphore, #tpu.memory_space<semaphore_mem>>)
        %scan3A_73 = arith.constant 0 : i32
        %scan3A_74 = arith.constant 0 : i32
        %scan3A_75 = arith.constant 25 : i32
        %scan3A_76 = arith.addi %scan3A_74, %scan3A_75 : i32
        %scan3A_77 = arith.constant 1 : i32
        scf.for %scan3A_79 = %scan3A_74 to %scan3A_76 step %scan3A_77  : i32 {
          %mul3A_80 = arith.constant 5 : i32
          %mul3A_81 = arith.muli %scan3A_23, %mul3A_80 : i32
          %jit3A_82 = arith.constant 5 : i32
          %div3A = arith.divsi %scan3A_79, %jit3A_82 : i32
          %sign3A = arith.constant 0 : i32
          %sign3A_83 = arith.cmpi sgt, %scan3A_79, %sign3A : i32
          %sign3A_84 = arith.extui %sign3A_83 : i1 to i32
          %sign3A_85 = arith.constant 0 : i32
          %sign3A_86 = arith.cmpi slt, %scan3A_79, %sign3A_85 : i32
          %sign3A_87 = arith.extui %sign3A_86 : i1 to i32
          %sign3A_88 = arith.subi %sign3A_84, %sign3A_87 : i32
          %sign3A_89 = arith.constant 0 : i32
          %sign3A_90 = arith.cmpi sgt, %jit3A_82, %sign3A_89 : i32
          %sign3A_91 = arith.extui %sign3A_90 : i1 to i32
          %sign3A_92 = arith.constant 0 : i32
          %sign3A_93 = arith.cmpi slt, %jit3A_82, %sign3A_92 : i32
          %sign3A_94 = arith.extui %sign3A_93 : i1 to i32
          %sign3A_95 = arith.subi %sign3A_91, %sign3A_94 : i32
          %ne3A_96 = arith.cmpi ne, %sign3A_88, %sign3A_95 : i32
          %rem3A_97 = arith.remsi %scan3A_79, %jit3A_82 : i32
          %ne3A_98 = arith.constant 0 : i32
          %ne3A_99 = arith.cmpi ne, %rem3A_97, %ne3A_98 : i32
          %and3A_100 = arith.andi %ne3A_96, %ne3A_99 : i1
          %sub3A = arith.constant 1 : i32
          %sub3A_101 = arith.subi %div3A, %sub3A : i32
          %select_n3A_102 = arith.select %and3A_100, %sub3A_101, %div3A : i32
          %add3A_103 = arith.addi %mul3A_81, %select_n3A_102 : i32
          %jit3A_104 = arith.constant 5 : i32
          %eq3A_105 = arith.constant 0 : i32
          %eq3A_106 = arith.cmpi eq, %jit3A_104, %eq3A_105 : i32
          %jit3A_107 = arith.constant 1 : i32
          %select_n3A_108 = arith.select %eq3A_106, %jit3A_107, %jit3A_104 : i32
          %rem3A_109 = arith.remsi %scan3A_79, %select_n3A_108 : i32
          %ne3A_110 = arith.constant 0 : i32
          %ne3A_111 = arith.cmpi ne, %rem3A_109, %ne3A_110 : i32
          %lt3A_112 = arith.constant 0 : i32
          %lt3A_113 = arith.cmpi slt, %rem3A_109, %lt3A_112 : i32
          %lt3A_114 = arith.constant 0 : i32
          %lt3A_115 = arith.cmpi slt, %select_n3A_108, %lt3A_114 : i32
          %ne3A_116 = arith.xori %lt3A_113, %lt3A_115 : i1
          %and3A_117 = arith.andi %ne3A_116, %ne3A_111 : i1
          %add3A_118 = arith.addi %rem3A_109, %select_n3A_108 : i32
          %select_n3A_119 = arith.select %and3A_117, %add3A_118, %rem3A_109 : i32
          %mul3A_120 = arith.constant 16 : i32
          %mul3A_121 = arith.muli %select_n3A_119, %mul3A_120 : i32
          %get3A = arith.index_cast %add3A_103 : i32 to index
          %get3A_122 = arith.index_cast %mul3A_121 : i32 to index
          %get3A_123 = tpu.vector_load %arg7[%get3A, %get3A_122] {strides = array<i32>} : memref<125x80xi32, #tpu.memory_space<vmem>>, vector<16xi32>,
          %mul3A_124 = arith.constant 4 : i32
          %mul3A_125 = vector.broadcast %mul3A_124 : i32 to vector<16xi32>
          %mul3A_126 = arith.muli %get3A_123, %mul3A_125 : vector<16xi32>
          %mul3A_127 = arith.constant 16 : i32
          %mul3A_128 = arith.muli %select_n3A_119, %mul3A_127 : i32
          %get3A_129 = arith.index_cast %add3A_103 : i32 to index
          %get3A_130 = arith.index_cast %mul3A_128 : i32 to index
          %get3A_131 = tpu.vector_load %arg8[%get3A_129, %get3A_130] {strides = array<i32>} : memref<125x80xi32, #tpu.memory_space<vmem>>, vector<16xi32>,
          %mul3A_132 = arith.constant 4 : i32
          %mul3A_133 = vector.broadcast %mul3A_132 : i32 to vector<16xi32>
          %mul3A_134 = arith.muli %get3A_131, %mul3A_133 : vector<16xi32>
          %mul3A_135 = arith.constant 16 : i32
          %mul3A_136 = arith.muli %scan3A_79, %mul3A_135 : i32
          %get3A_137 = arith.index_cast %mul3A_136 : i32 to index
          %get3A_138 = tpu.vector_load %arg10[%get3A_137] {strides = array<i32>} : memref<400xf32, #tpu.memory_space<vmem>>, vector<16xf32>,
          %add3A_139 = arith.constant 0 : i32
          %add3A_140 = vector.broadcast %add3A_139 : i32 to vector<16xi32>
          %add3A_141 = arith.addi %mul3A_126, %add3A_140 : vector<16xi32>
          %gather3A = tpu.vector_load_idx %arg9[%add3A_141] : memref<40000xf32, #tpu.memory_space<vmem>>[vector<16xi32>], vector<16xf32>,
          %add3A_142 = arith.constant 0 : i32
          %add3A_143 = vector.broadcast %add3A_142 : i32 to vector<16xi32>
          %add3A_144 = arith.addi %mul3A_134, %add3A_143 : vector<16xi32>
          %gather3A_145 = tpu.vector_load_idx %arg9[%add3A_144] : memref<40000xf32, #tpu.memory_space<vmem>>[vector<16xi32>], vector<16xf32>,
          %add3A_146 = arith.constant 0 : i32
          %add3A_147 = vector.broadcast %add3A_146 : i32 to vector<16xi32>
          %add3A_148 = arith.addi %get3A_123, %add3A_147 : vector<16xi32>
          %sub3A_149 = arith.subf %gather3A_145, %gather3A : vector<16xf32>
          %mul3A_150 = arith.mulf %sub3A_149, %get3A_138 : vector<16xf32>
          tpu.vector_store_idx %arg12[%add3A_148], %mul3A_150 {add = true} : memref<40960xf32, #tpu.memory_space<vmem>>[vector<16xi32>], vector<16xf32>,
          %add3A_151 = arith.constant 1 : i32
          %add3A_152 = vector.broadcast %add3A_151 : i32 to vector<16xi32>
          %add3A_153 = arith.addi %mul3A_126, %add3A_152 : vector<16xi32>
          %gather3A_154 = tpu.vector_load_idx %arg9[%add3A_153] : memref<40000xf32, #tpu.memory_space<vmem>>[vector<16xi32>], vector<16xf32>,
          %add3A_155 = arith.constant 1 : i32
          %add3A_156 = vector.broadcast %add3A_155 : i32 to vector<16xi32>
          %add3A_157 = arith.addi %mul3A_134, %add3A_156 : vector<16xi32>
          %gather3A_158 = tpu.vector_load_idx %arg9[%add3A_157] : memref<40000xf32, #tpu.memory_space<vmem>>[vector<16xi32>], vector<16xf32>,
          %add3A_159 = arith.constant 10240 : i32
          %add3A_160 = vector.broadcast %add3A_159 : i32 to vector<16xi32>
          %add3A_161 = arith.addi %get3A_123, %add3A_160 : vector<16xi32>
          %sub3A_162 = arith.subf %gather3A_158, %gather3A_154 : vector<16xf32>
          %mul3A_163 = arith.mulf %sub3A_162, %get3A_138 : vector<16xf32>
          tpu.vector_store_idx %arg12[%add3A_161], %mul3A_163 {add = true} : memref<40960xf32, #tpu.memory_space<vmem>>[vector<16xi32>], vector<16xf32>,
          %add3A_164 = arith.constant 2 : i32
          %add3A_165 = vector.broadcast %add3A_164 : i32 to vector<16xi32>
          %add3A_166 = arith.addi %mul3A_126, %add3A_165 : vector<16xi32>
          %gather3A_167 = tpu.vector_load_idx %arg9[%add3A_166] : memref<40000xf32, #tpu.memory_space<vmem>>[vector<16xi32>], vector<16xf32>,
          %add3A_168 = arith.constant 2 : i32
          %add3A_169 = vector.broadcast %add3A_168 : i32 to vector<16xi32>
          %add3A_170 = arith.addi %mul3A_134, %add3A_169 : vector<16xi32>
          %gather3A_171 = tpu.vector_load_idx %arg9[%add3A_170] : memref<40000xf32, #tpu.memory_space<vmem>>[vector<16xi32>], vector<16xf32>,
          %add3A_172 = arith.constant 20480 : i32
          %add3A_173 = vector.broadcast %add3A_172 : i32 to vector<16xi32>
          %add3A_174 = arith.addi %get3A_123, %add3A_173 : vector<16xi32>
          %sub3A_175 = arith.subf %gather3A_171, %gather3A_167 : vector<16xf32>
          %mul3A_176 = arith.mulf %sub3A_175, %get3A_138 : vector<16xf32>
          tpu.vector_store_idx %arg12[%add3A_174], %mul3A_176 {add = true} : memref<40960xf32, #tpu.memory_space<vmem>>[vector<16xi32>], vector<16xf32>,
          %add3A_177 = arith.constant 30720 : i32
          %add3A_178 = vector.broadcast %add3A_177 : i32 to vector<16xi32>
          %add3A_179 = arith.addi %get3A_123, %add3A_178 : vector<16xi32>
          tpu.vector_store_idx %arg12[%add3A_179], %broadcast_in_dim3A_3 {add = true} : memref<40960xf32, #tpu.memory_space<vmem>>[vector<16xi32>], vector<16xf32>,
        }
        %scan3A_78 = arith.constant 25 : i32
      } else {
      }
      %jit3A_36 = arith.constant 2 : i32
      %eq3A_37 = arith.constant 0 : i32
      %eq3A_38 = arith.cmpi eq, %jit3A_36, %eq3A_37 : i32
      %jit3A_39 = arith.constant 1 : i32
      %select_n3A_40 = arith.select %eq3A_38, %jit3A_39, %jit3A_36 : i32
      %rem3A_41 = arith.remsi %scan3A_23, %select_n3A_40 : i32
      %ne3A_42 = arith.constant 0 : i32
      %ne3A_43 = arith.cmpi ne, %rem3A_41, %ne3A_42 : i32
      %lt3A_44 = arith.constant 0 : i32
      %lt3A_45 = arith.cmpi slt, %rem3A_41, %lt3A_44 : i32
      %lt3A_46 = arith.constant 0 : i32
      %lt3A_47 = arith.cmpi slt, %select_n3A_40, %lt3A_46 : i32
      %ne3A_48 = arith.xori %lt3A_45, %lt3A_47 : i1
      %and3A_49 = arith.andi %ne3A_48, %ne3A_43 : i1
      %add3A_50 = arith.addi %rem3A_41, %select_n3A_40 : i32
      %select_n3A_51 = arith.select %and3A_49, %add3A_50, %rem3A_41 : i32
      %eq3A_52 = arith.constant 1 : i32
      %eq3A_53 = arith.cmpi eq, %select_n3A_51, %eq3A_52 : i32
      %convert_element_type3A_54 = arith.extui %eq3A_53 : i1 to i32
      %cond3A_55 = arith.constant 0 : i32
      %cond3A_56 = arith.cmpi ne, %convert_element_type3A_54, %cond3A_55 : i32
      scf.if %cond3A_56 {
        %dma_wait3A_57 = arith.constant 0 : i32
        %dma_wait3A_58 = tpu.memref_slice %arg2[%dma_wait3A_57] : memref<320000xf32, #tpu.memory_space<hbm>> -> memref<400xf32, #tpu.memory_space<hbm>>
        %dma_wait3A_59 = arith.constant 0 : i32
        %dma_wait3A_60 = tpu.memref_slice %arg2[%dma_wait3A_59] : memref<320000xf32, #tpu.memory_space<hbm>> -> memref<400xf32, #tpu.memory_space<hbm>>
        tpu.wait_dma2 semaphore(%arg13 : memref<!tpu.dma_semaphore, #tpu.memory_space<semaphore_mem>>) src(%dma_wait3A_60 : memref<400xf32, #tpu.memory_space<hbm>>) dst(%arg11 : memref<400xf32, #tpu.memory_space<vmem>>)
        %add3A_61 = arith.constant 1 : i32
        %add3A_62 = arith.addi %scan3A_23, %add3A_61 : i32
        %min3A = arith.constant 24 : i32
        %min3A_63 = arith.minsi %add3A_62, %min3A : i32
        %mul3A_64 = arith.constant 10000 : i32
        %mul3A_65 = arith.muli %add3A, %mul3A_64 : i32
        %mul3A_66 = arith.constant 5 : i32
        %mul3A_67 = arith.muli %min3A_63, %mul3A_66 : i32
        %mul3A_68 = arith.constant 80 : i32
        %mul3A_69 = arith.muli %mul3A_67, %mul3A_68 : i32
        %add3A_70 = arith.addi %mul3A_65, %mul3A_69 : i32
        %dma_start3A_71 = tpu.memref_slice %arg2[%add3A_70] : memref<320000xf32, #tpu.memory_space<hbm>> -> memref<400xf32, #tpu.memory_space<hbm>>
        %dma_start3A_72 = tpu.memref_slice %arg2[%add3A_70] : memref<320000xf32, #tpu.memory_space<hbm>> -> memref<400xf32, #tpu.memory_space<hbm>>
        tpu.enqueue_dma source(%dma_start3A_72 : memref<400xf32, #tpu.memory_space<hbm>>) target(%arg10 : memref<400xf32, #tpu.memory_space<vmem>>) target_semaphore(%arg13 : memref<!tpu.dma_semaphore, #tpu.memory_space<semaphore_mem>>)
        %scan3A_73 = arith.constant 0 : i32
        %scan3A_74 = arith.constant 0 : i32
        %scan3A_75 = arith.constant 25 : i32
        %scan3A_76 = arith.addi %scan3A_74, %scan3A_75 : i32
        %scan3A_77 = arith.constant 1 : i32
        scf.for %scan3A_79 = %scan3A_74 to %scan3A_76 step %scan3A_77  : i32 {
          %mul3A_80 = arith.constant 5 : i32
          %mul3A_81 = arith.muli %scan3A_23, %mul3A_80 : i32
          %jit3A_82 = arith.constant 5 : i32
          %div3A = arith.divsi %scan3A_79, %jit3A_82 : i32
          %sign3A = arith.constant 0 : i32
          %sign3A_83 = arith.cmpi sgt, %scan3A_79, %sign3A : i32
          %sign3A_84 = arith.extui %sign3A_83 : i1 to i32
          %sign3A_85 = arith.constant 0 : i32
          %sign3A_86 = arith.cmpi slt, %scan3A_79, %sign3A_85 : i32
          %sign3A_87 = arith.extui %sign3A_86 : i1 to i32
          %sign3A_88 = arith.subi %sign3A_84, %sign3A_87 : i32
          %sign3A_89 = arith.constant 0 : i32
          %sign3A_90 = arith.cmpi sgt, %jit3A_82, %sign3A_89 : i32
          %sign3A_91 = arith.extui %sign3A_90 : i1 to i32
          %sign3A_92 = arith.constant 0 : i32
          %sign3A_93 = arith.cmpi slt, %jit3A_82, %sign3A_92 : i32
          %sign3A_94 = arith.extui %sign3A_93 : i1 to i32
          %sign3A_95 = arith.subi %sign3A_91, %sign3A_94 : i32
          %ne3A_96 = arith.cmpi ne, %sign3A_88, %sign3A_95 : i32
          %rem3A_97 = arith.remsi %scan3A_79, %jit3A_82 : i32
          %ne3A_98 = arith.constant 0 : i32
          %ne3A_99 = arith.cmpi ne, %rem3A_97, %ne3A_98 : i32
          %and3A_100 = arith.andi %ne3A_96, %ne3A_99 : i1
          %sub3A = arith.constant 1 : i32
          %sub3A_101 = arith.subi %div3A, %sub3A : i32
          %select_n3A_102 = arith.select %and3A_100, %sub3A_101, %div3A : i32
          %add3A_103 = arith.addi %mul3A_81, %select_n3A_102 : i32
          %jit3A_104 = arith.constant 5 : i32
          %eq3A_105 = arith.constant 0 : i32
          %eq3A_106 = arith.cmpi eq, %jit3A_104, %eq3A_105 : i32
          %jit3A_107 = arith.constant 1 : i32
          %select_n3A_108 = arith.select %eq3A_106, %jit3A_107, %jit3A_104 : i32
          %rem3A_109 = arith.remsi %scan3A_79, %select_n3A_108 : i32
          %ne3A_110 = arith.constant 0 : i32
          %ne3A_111 = arith.cmpi ne, %rem3A_109, %ne3A_110 : i32
          %lt3A_112 = arith.constant 0 : i32
          %lt3A_113 = arith.cmpi slt, %rem3A_109, %lt3A_112 : i32
          %lt3A_114 = arith.constant 0 : i32
          %lt3A_115 = arith.cmpi slt, %select_n3A_108, %lt3A_114 : i32
          %ne3A_116 = arith.xori %lt3A_113, %lt3A_115 : i1
          %and3A_117 = arith.andi %ne3A_116, %ne3A_111 : i1
          %add3A_118 = arith.addi %rem3A_109, %select_n3A_108 : i32
          %select_n3A_119 = arith.select %and3A_117, %add3A_118, %rem3A_109 : i32
          %mul3A_120 = arith.constant 16 : i32
          %mul3A_121 = arith.muli %select_n3A_119, %mul3A_120 : i32
          %get3A = arith.index_cast %add3A_103 : i32 to index
          %get3A_122 = arith.index_cast %mul3A_121 : i32 to index
          %get3A_123 = tpu.vector_load %arg7[%get3A, %get3A_122] {strides = array<i32>} : memref<125x80xi32, #tpu.memory_space<vmem>>, vector<16xi32>,
          %mul3A_124 = arith.constant 4 : i32
          %mul3A_125 = vector.broadcast %mul3A_124 : i32 to vector<16xi32>
          %mul3A_126 = arith.muli %get3A_123, %mul3A_125 : vector<16xi32>
          %mul3A_127 = arith.constant 16 : i32
          %mul3A_128 = arith.muli %select_n3A_119, %mul3A_127 : i32
          %get3A_129 = arith.index_cast %add3A_103 : i32 to index
          %get3A_130 = arith.index_cast %mul3A_128 : i32 to index
          %get3A_131 = tpu.vector_load %arg8[%get3A_129, %get3A_130] {strides = array<i32>} : memref<125x80xi32, #tpu.memory_space<vmem>>, vector<16xi32>,
          %mul3A_132 = arith.constant 4 : i32
          %mul3A_133 = vector.broadcast %mul3A_132 : i32 to vector<16xi32>
          %mul3A_134 = arith.muli %get3A_131, %mul3A_133 : vector<16xi32>
          %mul3A_135 = arith.constant 16 : i32
          %mul3A_136 = arith.muli %scan3A_79, %mul3A_135 : i32
          %get3A_137 = arith.index_cast %mul3A_136 : i32 to index
          %get3A_138 = tpu.vector_load %arg11[%get3A_137] {strides = array<i32>} : memref<400xf32, #tpu.memory_space<vmem>>, vector<16xf32>,
          %add3A_139 = arith.constant 0 : i32
          %add3A_140 = vector.broadcast %add3A_139 : i32 to vector<16xi32>
          %add3A_141 = arith.addi %mul3A_126, %add3A_140 : vector<16xi32>
          %gather3A = tpu.vector_load_idx %arg9[%add3A_141] : memref<40000xf32, #tpu.memory_space<vmem>>[vector<16xi32>], vector<16xf32>,
          %add3A_142 = arith.constant 0 : i32
          %add3A_143 = vector.broadcast %add3A_142 : i32 to vector<16xi32>
          %add3A_144 = arith.addi %mul3A_134, %add3A_143 : vector<16xi32>
          %gather3A_145 = tpu.vector_load_idx %arg9[%add3A_144] : memref<40000xf32, #tpu.memory_space<vmem>>[vector<16xi32>], vector<16xf32>,
          %add3A_146 = arith.constant 0 : i32
          %add3A_147 = vector.broadcast %add3A_146 : i32 to vector<16xi32>
          %add3A_148 = arith.addi %get3A_123, %add3A_147 : vector<16xi32>
          %sub3A_149 = arith.subf %gather3A_145, %gather3A : vector<16xf32>
          %mul3A_150 = arith.mulf %sub3A_149, %get3A_138 : vector<16xf32>
          tpu.vector_store_idx %arg12[%add3A_148], %mul3A_150 {add = true} : memref<40960xf32, #tpu.memory_space<vmem>>[vector<16xi32>], vector<16xf32>,
          %add3A_151 = arith.constant 1 : i32
          %add3A_152 = vector.broadcast %add3A_151 : i32 to vector<16xi32>
          %add3A_153 = arith.addi %mul3A_126, %add3A_152 : vector<16xi32>
          %gather3A_154 = tpu.vector_load_idx %arg9[%add3A_153] : memref<40000xf32, #tpu.memory_space<vmem>>[vector<16xi32>], vector<16xf32>,
          %add3A_155 = arith.constant 1 : i32
          %add3A_156 = vector.broadcast %add3A_155 : i32 to vector<16xi32>
          %add3A_157 = arith.addi %mul3A_134, %add3A_156 : vector<16xi32>
          %gather3A_158 = tpu.vector_load_idx %arg9[%add3A_157] : memref<40000xf32, #tpu.memory_space<vmem>>[vector<16xi32>], vector<16xf32>,
          %add3A_159 = arith.constant 10240 : i32
          %add3A_160 = vector.broadcast %add3A_159 : i32 to vector<16xi32>
          %add3A_161 = arith.addi %get3A_123, %add3A_160 : vector<16xi32>
          %sub3A_162 = arith.subf %gather3A_158, %gather3A_154 : vector<16xf32>
          %mul3A_163 = arith.mulf %sub3A_162, %get3A_138 : vector<16xf32>
          tpu.vector_store_idx %arg12[%add3A_161], %mul3A_163 {add = true} : memref<40960xf32, #tpu.memory_space<vmem>>[vector<16xi32>], vector<16xf32>,
          %add3A_164 = arith.constant 2 : i32
          %add3A_165 = vector.broadcast %add3A_164 : i32 to vector<16xi32>
          %add3A_166 = arith.addi %mul3A_126, %add3A_165 : vector<16xi32>
          %gather3A_167 = tpu.vector_load_idx %arg9[%add3A_166] : memref<40000xf32, #tpu.memory_space<vmem>>[vector<16xi32>], vector<16xf32>,
          %add3A_168 = arith.constant 2 : i32
          %add3A_169 = vector.broadcast %add3A_168 : i32 to vector<16xi32>
          %add3A_170 = arith.addi %mul3A_134, %add3A_169 : vector<16xi32>
          %gather3A_171 = tpu.vector_load_idx %arg9[%add3A_170] : memref<40000xf32, #tpu.memory_space<vmem>>[vector<16xi32>], vector<16xf32>,
          %add3A_172 = arith.constant 20480 : i32
          %add3A_173 = vector.broadcast %add3A_172 : i32 to vector<16xi32>
          %add3A_174 = arith.addi %get3A_123, %add3A_173 : vector<16xi32>
          %sub3A_175 = arith.subf %gather3A_171, %gather3A_167 : vector<16xf32>
          %mul3A_176 = arith.mulf %sub3A_175, %get3A_138 : vector<16xf32>
          tpu.vector_store_idx %arg12[%add3A_174], %mul3A_176 {add = true} : memref<40960xf32, #tpu.memory_space<vmem>>[vector<16xi32>], vector<16xf32>,
          %add3A_177 = arith.constant 30720 : i32
          %add3A_178 = vector.broadcast %add3A_177 : i32 to vector<16xi32>
          %add3A_179 = arith.addi %get3A_123, %add3A_178 : vector<16xi32>
          tpu.vector_store_idx %arg12[%add3A_179], %broadcast_in_dim3A_3 {add = true} : memref<40960xf32, #tpu.memory_space<vmem>>[vector<16xi32>], vector<16xf32>,
        }
        %scan3A_78 = arith.constant 25 : i32
      } else {
      }
    }
    %scan3A_19 = arith.constant 25 : i32
    %dma_wait3A = arith.constant 0 : i32
    %dma_wait3A_20 = tpu.memref_slice %arg2[%dma_wait3A] : memref<320000xf32, #tpu.memory_space<hbm>> -> memref<400xf32, #tpu.memory_space<hbm>>
    %dma_wait3A_21 = arith.constant 0 : i32
    %dma_wait3A_22 = tpu.memref_slice %arg2[%dma_wait3A_21] : memref<320000xf32, #tpu.memory_space<hbm>> -> memref<400xf32, #tpu.memory_space<hbm>>
    tpu.wait_dma2 semaphore(%arg13 : memref<!tpu.dma_semaphore, #tpu.memory_space<semaphore_mem>>) src(%dma_wait3A_22 : memref<400xf32, #tpu.memory_space<hbm>>) dst(%arg11 : memref<400xf32, #tpu.memory_space<vmem>>)
    "tpu.region"() ({
      %run_scoped3A = tpu.sem_alloc : memref<!tpu.dma_semaphore, #tpu.memory_space<semaphore_mem>>
      %dma_start3A_23 = arith.constant 0 : i32
      %dma_start3A_24 = tpu.memref_slice %arg6[%add3A, %dma_start3A_23] : memref<32x40960xf32, #tpu.memory_space<hbm>> -> memref<1x40960xf32, #tpu.memory_space<hbm>>
      %dma_start3A_25 = tpu.memref_squeeze %dma_start3A_24 : memref<1x40960xf32, #tpu.memory_space<hbm>> -> memref<40960xf32, #tpu.memory_space<hbm>>
      %dma_start3A_26 = arith.constant 0 : i32
      %dma_start3A_27 = tpu.memref_slice %arg6[%add3A, %dma_start3A_26] : memref<32x40960xf32, #tpu.memory_space<hbm>> -> memref<1x40960xf32, #tpu.memory_space<hbm>>
      %dma_start3A_28 = tpu.memref_squeeze %dma_start3A_27 : memref<1x40960xf32, #tpu.memory_space<hbm>> -> memref<40960xf32, #tpu.memory_space<hbm>>
      tpu.enqueue_dma source(%arg12 : memref<40960xf32, #tpu.memory_space<vmem>>) target(%dma_start3A_28 : memref<40960xf32, #tpu.memory_space<hbm>>) target_semaphore(%run_scoped3A : memref<!tpu.dma_semaphore, #tpu.memory_space<semaphore_mem>>)
      %dma_wait3A_29 = arith.constant 0 : i32
      %dma_wait3A_30 = tpu.memref_slice %arg6[%add3A, %dma_wait3A_29] : memref<32x40960xf32, #tpu.memory_space<hbm>> -> memref<1x40960xf32, #tpu.memory_space<hbm>>
      %dma_wait3A_31 = tpu.memref_squeeze %dma_wait3A_30 : memref<1x40960xf32, #tpu.memory_space<hbm>> -> memref<40960xf32, #tpu.memory_space<hbm>>
      %dma_wait3A_32 = arith.constant 0 : i32
      %dma_wait3A_33 = tpu.memref_slice %arg6[%add3A, %dma_wait3A_32] : memref<32x40960xf32, #tpu.memory_space<hbm>> -> memref<1x40960xf32, #tpu.memory_space<hbm>>
      %dma_wait3A_34 = tpu.memref_squeeze %dma_wait3A_33 : memref<1x40960xf32, #tpu.memory_space<hbm>> -> memref<40960xf32, #tpu.memory_space<hbm>>
      tpu.wait_dma2 semaphore(%run_scoped3A : memref<!tpu.dma_semaphore, #tpu.memory_space<semaphore_mem>>) src(%arg12 : memref<40960xf32, #tpu.memory_space<vmem>>) dst(%dma_wait3A_34 : memref<40960xf32, #tpu.memory_space<hbm>>)
      tpu.yield
    }) : () -> ()
    return
  }
}

module attributes {stable_mosaic.version = 14 : i64} {
  func.func @_prep_body(%arg0: i32, %arg1: memref<1000x128xf32, #tpu.memory_space<vmem>>, %arg2: memref<128x128xf32, #tpu.memory_space<vmem>>, %arg3: memref<128x128xf32, #tpu.memory_space<vmem>>, %arg4: memref<128x128xf32, #tpu.memory_space<vmem>>, %arg5: memref<1000x128xf32, #tpu.memory_space<vmem>>, %arg6: memref<1000x128xf32, #tpu.memory_space<vmem>>, %arg7: memref<1000x128xf32, #tpu.memory_space<vmem>>) attributes {dimension_semantics = [#tpu.dimension_semantics<arbitrary>], iteration_bounds = array<i64: 10>, scalar_prefetch = 0 : i64, scratch_operands = 0 : i64, tpu.core_type = #tpu.core_type<tc>, window_params = [{transform_indices = @transform_0, window_bounds = array<i64: 1000, 128>}, {pipeline_mode = #tpu.pipeline_mode<synchronous>, transform_indices = @transform_1, window_bounds = array<i64: 128, 128>}, {pipeline_mode = #tpu.pipeline_mode<synchronous>, transform_indices = @transform_2, window_bounds = array<i64: 128, 128>}, {pipeline_mode = #tpu.pipeline_mode<synchronous>, transform_indices = @transform_3, window_bounds = array<i64: 128, 128>}, {transform_indices = @transform_4, window_bounds = array<i64: 1000, 128>}, {transform_indices = @transform_5, window_bounds = array<i64: 1000, 128>}, {transform_indices = @transform_6, window_bounds = array<i64: 1000, 128>}]} {
    %get3A = arith.constant 0 : index
    %get3A_0 = arith.constant 0 : index
    %get3A_1 = vector.load %arg1[%get3A, %get3A_0] : memref<1000x128xf32, #tpu.memory_space<vmem>>, vector<1000x128xf32>
    %get3A_2 = arith.constant 0 : index
    %get3A_3 = arith.constant 0 : index
    %get3A_4 = vector.load %arg2[%get3A_2, %get3A_3] : memref<128x128xf32, #tpu.memory_space<vmem>>, vector<128x128xf32>
    %dot_general3A = arith.constant dense<0.000000e+00> : vector<1000x128xf32>
    %dot_general3A_5 = tpu.matmul %get3A_1, %get3A_4, %dot_general3A {dimension_numbers = #tpu.dot_dimension_numbers<[1], [0], [0], [1], [0, 0, 1, 1], [], []>, transpose_lhs_hint = false} : vector<1000x128xf32>, vector<128x128xf32>, vector<1000x128xf32> -> vector<1000x128xf32>
    %swap3A = arith.constant 0 : index
    %swap3A_6 = arith.constant 0 : index
    %swap3A_7 = vector.load %arg5[%swap3A, %swap3A_6] : memref<1000x128xf32, #tpu.memory_space<vmem>>, vector<1000x128xf32>
    tpu.vector_store %arg5[%swap3A, %swap3A_6], %dot_general3A_5 {strides = array<i32>} : memref<1000x128xf32, #tpu.memory_space<vmem>>, vector<1000x128xf32>,
    %get3A_8 = arith.constant 0 : index
    %get3A_9 = arith.constant 0 : index
    %get3A_10 = vector.load %arg3[%get3A_8, %get3A_9] : memref<128x128xf32, #tpu.memory_space<vmem>>, vector<128x128xf32>
    %dot_general3A_11 = arith.constant dense<0.000000e+00> : vector<1000x128xf32>
    %dot_general3A_12 = tpu.matmul %get3A_1, %get3A_10, %dot_general3A_11 {dimension_numbers = #tpu.dot_dimension_numbers<[1], [0], [0], [1], [0, 0, 1, 1], [], []>, transpose_lhs_hint = false} : vector<1000x128xf32>, vector<128x128xf32>, vector<1000x128xf32> -> vector<1000x128xf32>
    %swap3A_13 = arith.constant 0 : index
    %swap3A_14 = arith.constant 0 : index
    %swap3A_15 = vector.load %arg6[%swap3A_13, %swap3A_14] : memref<1000x128xf32, #tpu.memory_space<vmem>>, vector<1000x128xf32>
    tpu.vector_store %arg6[%swap3A_13, %swap3A_14], %dot_general3A_12 {strides = array<i32>} : memref<1000x128xf32, #tpu.memory_space<vmem>>, vector<1000x128xf32>,
    %get3A_16 = arith.constant 0 : index
    %get3A_17 = arith.constant 0 : index
    %get3A_18 = vector.load %arg4[%get3A_16, %get3A_17] : memref<128x128xf32, #tpu.memory_space<vmem>>, vector<128x128xf32>
    %dot_general3A_19 = arith.constant dense<0.000000e+00> : vector<1000x128xf32>
    %dot_general3A_20 = tpu.matmul %get3A_1, %get3A_18, %dot_general3A_19 {dimension_numbers = #tpu.dot_dimension_numbers<[1], [0], [0], [1], [0, 0, 1, 1], [], []>, transpose_lhs_hint = false} : vector<1000x128xf32>, vector<128x128xf32>, vector<1000x128xf32> -> vector<1000x128xf32>
    %swap3A_21 = arith.constant 0 : index
    %swap3A_22 = arith.constant 0 : index
    %swap3A_23 = vector.load %arg7[%swap3A_21, %swap3A_22] : memref<1000x128xf32, #tpu.memory_space<vmem>>, vector<1000x128xf32>
    tpu.vector_store %arg7[%swap3A_21, %swap3A_22], %dot_general3A_20 {strides = array<i32>} : memref<1000x128xf32, #tpu.memory_space<vmem>>, vector<1000x128xf32>,
    return
  }
  func.func @transform_0(%arg0: i32) -> (i32, i32) {
    %c0_i32 = arith.constant 0 : i32
    %c0_i32_0 = arith.constant 0 : i32
    return %arg0, %c0_i32 : i32, i32
  }
  func.func @transform_1(%arg0: i32) -> (i32, i32) {
    %c0_i32 = arith.constant 0 : i32
    %c0_i32_0 = arith.constant 0 : i32
    %c0_i32_1 = arith.constant 0 : i32
    return %c0_i32, %c0_i32_0 : i32, i32
  }
  func.func @transform_2(%arg0: i32) -> (i32, i32) {
    %c0_i32 = arith.constant 0 : i32
    %c0_i32_0 = arith.constant 0 : i32
    %c0_i32_1 = arith.constant 0 : i32
    return %c0_i32, %c0_i32_0 : i32, i32
  }
  func.func @transform_3(%arg0: i32) -> (i32, i32) {
    %c0_i32 = arith.constant 0 : i32
    %c0_i32_0 = arith.constant 0 : i32
    %c0_i32_1 = arith.constant 0 : i32
    return %c0_i32, %c0_i32_0 : i32, i32
  }
  func.func @transform_4(%arg0: i32) -> (i32, i32) {
    %c0_i32 = arith.constant 0 : i32
    %c0_i32_0 = arith.constant 0 : i32
    return %arg0, %c0_i32 : i32, i32
  }
  func.func @transform_5(%arg0: i32) -> (i32, i32) {
    %c0_i32 = arith.constant 0 : i32
    %c0_i32_0 = arith.constant 0 : i32
    return %arg0, %c0_i32 : i32, i32
  }
  func.func @transform_6(%arg0: i32) -> (i32, i32) {
    %c0_i32 = arith.constant 0 : i32
    %c0_i32_0 = arith.constant 0 : i32
    return %arg0, %c0_i32 : i32, i32
  }
}

module attributes {stable_mosaic.version = 14 : i64} {
  func.func @_edge_body(%arg0: i32, %arg1: memref<2560x128xf32, #tpu.memory_space<vmem>>, %arg2: memref<1x2560xf32, #tpu.memory_space<vmem>>, %arg3: memref<128x1xf32, #tpu.memory_space<vmem>>, %arg4: memref<1x128xf32, #tpu.memory_space<vmem>>, %arg5: memref<128x128xf32, #tpu.memory_space<vmem>>, %arg6: memref<1x128xf32, #tpu.memory_space<vmem>>, %arg7: memref<128x128xf32, #tpu.memory_space<vmem>>, %arg8: memref<1x128xf32, #tpu.memory_space<vmem>>, %arg9: memref<128x1xf32, #tpu.memory_space<vmem>>, %arg10: memref<1x1xf32, #tpu.memory_space<vmem>>, %arg11: memref<2560x128xf32, #tpu.memory_space<vmem>>, %arg12: memref<1x2560xf32, #tpu.memory_space<vmem>>) attributes {dimension_semantics = [#tpu.dimension_semantics<arbitrary>], iteration_bounds = array<i64: 125>, scalar_prefetch = 0 : i64, scratch_operands = 0 : i64, tpu.core_type = #tpu.core_type<tc>, window_params = [{transform_indices = @transform_0, window_bounds = array<i64: 2560, 128>}, {transform_indices = @transform_1, window_bounds = array<i64: 1, 2560>}, {pipeline_mode = #tpu.pipeline_mode<synchronous>, transform_indices = @transform_2, window_bounds = array<i64: 128, 1>}, {pipeline_mode = #tpu.pipeline_mode<synchronous>, transform_indices = @transform_3, window_bounds = array<i64: 1, 128>}, {pipeline_mode = #tpu.pipeline_mode<synchronous>, transform_indices = @transform_4, window_bounds = array<i64: 128, 128>}, {pipeline_mode = #tpu.pipeline_mode<synchronous>, transform_indices = @transform_5, window_bounds = array<i64: 1, 128>}, {pipeline_mode = #tpu.pipeline_mode<synchronous>, transform_indices = @transform_6, window_bounds = array<i64: 128, 128>}, {pipeline_mode = #tpu.pipeline_mode<synchronous>, transform_indices = @transform_7, window_bounds = array<i64: 1, 128>}, {pipeline_mode = #tpu.pipeline_mode<synchronous>, transform_indices = @transform_8, window_bounds = array<i64: 128, 1>}, {pipeline_mode = #tpu.pipeline_mode<synchronous>, transform_indices = @transform_9, window_bounds = array<i64: 1, 1>}, {transform_indices = @transform_10, window_bounds = array<i64: 2560, 128>}, {transform_indices = @transform_11, window_bounds = array<i64: 1, 2560>}]} {
    %get3A = arith.constant 0 : index
    %get3A_0 = arith.constant 0 : index
    %get3A_1 = vector.load %arg1[%get3A, %get3A_0] : memref<2560x128xf32, #tpu.memory_space<vmem>>, vector<2560x128xf32>
    %get3A_2 = arith.constant 0 : index
    %get3A_3 = arith.constant 0 : index
    %get3A_4 = vector.load %arg2[%get3A_2, %get3A_3] : memref<1x2560xf32, #tpu.memory_space<vmem>>, vector<1x2560xf32>
    %sqrt3A = math.sqrt %get3A_4 : vector<1x2560xf32>
    %get3A_5 = arith.constant 0 : index
    %get3A_6 = arith.constant 0 : index
    %get3A_7 = vector.load %arg3[%get3A_5, %get3A_6] : memref<128x1xf32, #tpu.memory_space<vmem>>, vector<128x1xf32>
    %dot_general3A = arith.constant dense<0.000000e+00> : vector<128x2560xf32>
    %dot_general3A_8 = tpu.matmul %get3A_7, %sqrt3A, %dot_general3A {dimension_numbers = #tpu.dot_dimension_numbers<[1], [0], [0], [1], [0, 0, 1, 1], [], []>, transpose_lhs_hint = false} : vector<128x1xf32>, vector<1x2560xf32>, vector<128x2560xf32> -> vector<128x2560xf32>
    %transpose3A = tpu.transpose %dot_general3A_8, [1, 0] : vector<128x2560xf32> -> vector<2560x128xf32>
    %add3A = arith.addf %get3A_1, %transpose3A : vector<2560x128xf32>
    %get3A_9 = arith.constant 0 : index
    %get3A_10 = arith.constant 0 : index
    %get3A_11 = vector.load %arg4[%get3A_9, %get3A_10] : memref<1x128xf32, #tpu.memory_space<vmem>>, vector<1x128xf32>
    %add3A_12 = vector.broadcast %get3A_11 : vector<1x128xf32> to vector<2560x128xf32>
    %add3A_13 = arith.addf %add3A, %add3A_12 : vector<2560x128xf32>
    %neg3A = arith.constant 0.000000e+00 : f32
    %neg3A_14 = vector.broadcast %neg3A : f32 to vector<2560x128xf32>
    %neg3A_15 = arith.subf %neg3A_14, %add3A_13 : vector<2560x128xf32>
    %exp3A = math.exp %neg3A_15 : vector<2560x128xf32>
    %add3A_16 = arith.constant 1.000000e+00 : f32
    %add3A_17 = vector.broadcast %add3A_16 : f32 to vector<2560x128xf32>
    %add3A_18 = arith.addf %add3A_17, %exp3A : vector<2560x128xf32>
    %div3A = arith.divf %add3A_13, %add3A_18 : vector<2560x128xf32>
    %get3A_19 = arith.constant 0 : index
    %get3A_20 = arith.constant 0 : index
    %get3A_21 = vector.load %arg5[%get3A_19, %get3A_20] : memref<128x128xf32, #tpu.memory_space<vmem>>, vector<128x128xf32>
    %dot_general3A_22 = arith.constant dense<0.000000e+00> : vector<2560x128xf32>
    %dot_general3A_23 = tpu.matmul %div3A, %get3A_21, %dot_general3A_22 {dimension_numbers = #tpu.dot_dimension_numbers<[1], [0], [0], [1], [0, 0, 1, 1], [], []>, transpose_lhs_hint = false} : vector<2560x128xf32>, vector<128x128xf32>, vector<2560x128xf32> -> vector<2560x128xf32>
    %get3A_24 = arith.constant 0 : index
    %get3A_25 = arith.constant 0 : index
    %get3A_26 = vector.load %arg6[%get3A_24, %get3A_25] : memref<1x128xf32, #tpu.memory_space<vmem>>, vector<1x128xf32>
    %add3A_27 = vector.broadcast %get3A_26 : vector<1x128xf32> to vector<2560x128xf32>
    %add3A_28 = arith.addf %dot_general3A_23, %add3A_27 : vector<2560x128xf32>
    %neg3A_29 = arith.constant 0.000000e+00 : f32
    %neg3A_30 = vector.broadcast %neg3A_29 : f32 to vector<2560x128xf32>
    %neg3A_31 = arith.subf %neg3A_30, %add3A_28 : vector<2560x128xf32>
    %exp3A_32 = math.exp %neg3A_31 : vector<2560x128xf32>
    %add3A_33 = arith.constant 1.000000e+00 : f32
    %add3A_34 = vector.broadcast %add3A_33 : f32 to vector<2560x128xf32>
    %add3A_35 = arith.addf %add3A_34, %exp3A_32 : vector<2560x128xf32>
    %div3A_36 = arith.divf %add3A_28, %add3A_35 : vector<2560x128xf32>
    %get3A_37 = arith.constant 0 : index
    %get3A_38 = arith.constant 0 : index
    %get3A_39 = vector.load %arg7[%get3A_37, %get3A_38] : memref<128x128xf32, #tpu.memory_space<vmem>>, vector<128x128xf32>
    %dot_general3A_40 = arith.constant dense<0.000000e+00> : vector<2560x128xf32>
    %dot_general3A_41 = tpu.matmul %div3A_36, %get3A_39, %dot_general3A_40 {dimension_numbers = #tpu.dot_dimension_numbers<[1], [0], [0], [1], [0, 0, 1, 1], [], []>, transpose_lhs_hint = false} : vector<2560x128xf32>, vector<128x128xf32>, vector<2560x128xf32> -> vector<2560x128xf32>
    %get3A_42 = arith.constant 0 : index
    %get3A_43 = arith.constant 0 : index
    %get3A_44 = vector.load %arg8[%get3A_42, %get3A_43] : memref<1x128xf32, #tpu.memory_space<vmem>>, vector<1x128xf32>
    %add3A_45 = vector.broadcast %get3A_44 : vector<1x128xf32> to vector<2560x128xf32>
    %add3A_46 = arith.addf %dot_general3A_41, %add3A_45 : vector<2560x128xf32>
    %neg3A_47 = arith.constant 0.000000e+00 : f32
    %neg3A_48 = vector.broadcast %neg3A_47 : f32 to vector<2560x128xf32>
    %neg3A_49 = arith.subf %neg3A_48, %add3A_46 : vector<2560x128xf32>
    %exp3A_50 = math.exp %neg3A_49 : vector<2560x128xf32>
    %add3A_51 = arith.constant 1.000000e+00 : f32
    %add3A_52 = vector.broadcast %add3A_51 : f32 to vector<2560x128xf32>
    %add3A_53 = arith.addf %add3A_52, %exp3A_50 : vector<2560x128xf32>
    %div3A_54 = arith.divf %add3A_46, %add3A_53 : vector<2560x128xf32>
    %get3A_55 = arith.constant 0 : index
    %get3A_56 = arith.constant 0 : index
    %get3A_57 = vector.load %arg9[%get3A_55, %get3A_56] : memref<128x1xf32, #tpu.memory_space<vmem>>, vector<128x1xf32>
    %dot_general3A_58 = arith.constant dense<0.000000e+00> : vector<2560x1xf32>
    %dot_general3A_59 = tpu.matmul %div3A_54, %get3A_57, %dot_general3A_58 {dimension_numbers = #tpu.dot_dimension_numbers<[1], [0], [0], [1], [0, 0, 1, 1], [], []>, transpose_lhs_hint = false} : vector<2560x128xf32>, vector<128x1xf32>, vector<2560x1xf32> -> vector<2560x1xf32>
    %get3A_60 = arith.constant 0 : index
    %get3A_61 = arith.constant 0 : index
    %get3A_62 = vector.load %arg10[%get3A_60, %get3A_61] : memref<1x1xf32, #tpu.memory_space<vmem>>, vector<1x1xf32>
    %add3A_63 = vector.broadcast %get3A_62 : vector<1x1xf32> to vector<2560x1xf32>
    %add3A_64 = arith.addf %dot_general3A_59, %add3A_63 : vector<2560x1xf32>
    %swap3A = arith.constant 0 : index
    %swap3A_65 = arith.constant 0 : index
    %swap3A_66 = vector.load %arg11[%swap3A, %swap3A_65] : memref<2560x128xf32, #tpu.memory_space<vmem>>, vector<2560x128xf32>
    tpu.vector_store %arg11[%swap3A, %swap3A_65], %div3A_36 {strides = array<i32>} : memref<2560x128xf32, #tpu.memory_space<vmem>>, vector<2560x128xf32>,
    %transpose3A_67 = tpu.transpose %add3A_64, [1, 0] : vector<2560x1xf32> -> vector<1x2560xf32>
    %swap3A_68 = arith.constant 0 : index
    %swap3A_69 = arith.constant 0 : index
    %swap3A_70 = vector.load %arg12[%swap3A_68, %swap3A_69] : memref<1x2560xf32, #tpu.memory_space<vmem>>, vector<1x2560xf32>
    tpu.vector_store %arg12[%swap3A_68, %swap3A_69], %transpose3A_67 {strides = array<i32>} : memref<1x2560xf32, #tpu.memory_space<vmem>>, vector<1x2560xf32>,
    return
  }
  func.func @transform_0(%arg0: i32) -> (i32, i32) {
    %c0_i32 = arith.constant 0 : i32
    %c0_i32_0 = arith.constant 0 : i32
    return %arg0, %c0_i32 : i32, i32
  }
  func.func @transform_1(%arg0: i32) -> (i32, i32) {
    %c0_i32 = arith.constant 0 : i32
    %c0_i32_0 = arith.constant 0 : i32
    return %c0_i32, %arg0 : i32, i32
  }
  func.func @transform_2(%arg0: i32) -> (i32, i32) {
    %c0_i32 = arith.constant 0 : i32
    %c0_i32_0 = arith.constant 0 : i32
    %c0_i32_1 = arith.constant 0 : i32
    return %c0_i32, %c0_i32_0 : i32, i32
  }
  func.func @transform_3(%arg0: i32) -> (i32, i32) {
    %c0_i32 = arith.constant 0 : i32
    %c0_i32_0 = arith.constant 0 : i32
    %c0_i32_1 = arith.constant 0 : i32
    return %c0_i32, %c0_i32_0 : i32, i32
  }
  func.func @transform_4(%arg0: i32) -> (i32, i32) {
    %c0_i32 = arith.constant 0 : i32
    %c0_i32_0 = arith.constant 0 : i32
    %c0_i32_1 = arith.constant 0 : i32
    return %c0_i32, %c0_i32_0 : i32, i32
  }
  func.func @transform_5(%arg0: i32) -> (i32, i32) {
    %c0_i32 = arith.constant 0 : i32
    %c0_i32_0 = arith.constant 0 : i32
    %c0_i32_1 = arith.constant 0 : i32
    return %c0_i32, %c0_i32_0 : i32, i32
  }
  func.func @transform_6(%arg0: i32) -> (i32, i32) {
    %c0_i32 = arith.constant 0 : i32
    %c0_i32_0 = arith.constant 0 : i32
    %c0_i32_1 = arith.constant 0 : i32
    return %c0_i32, %c0_i32_0 : i32, i32
  }
  func.func @transform_7(%arg0: i32) -> (i32, i32) {
    %c0_i32 = arith.constant 0 : i32
    %c0_i32_0 = arith.constant 0 : i32
    %c0_i32_1 = arith.constant 0 : i32
    return %c0_i32, %c0_i32_0 : i32, i32
  }
  func.func @transform_8(%arg0: i32) -> (i32, i32) {
    %c0_i32 = arith.constant 0 : i32
    %c0_i32_0 = arith.constant 0 : i32
    %c0_i32_1 = arith.constant 0 : i32
    return %c0_i32, %c0_i32_0 : i32, i32
  }
  func.func @transform_9(%arg0: i32) -> (i32, i32) {
    %c0_i32 = arith.constant 0 : i32
    %c0_i32_0 = arith.constant 0 : i32
    %c0_i32_1 = arith.constant 0 : i32
    return %c0_i32, %c0_i32_0 : i32, i32
  }
  func.func @transform_10(%arg0: i32) -> (i32, i32) {
    %c0_i32 = arith.constant 0 : i32
    %c0_i32_0 = arith.constant 0 : i32
    return %arg0, %c0_i32 : i32, i32
  }
  func.func @transform_11(%arg0: i32) -> (i32, i32) {
    %c0_i32 = arith.constant 0 : i32
    %c0_i32_0 = arith.constant 0 : i32
    return %c0_i32, %arg0 : i32, i32
  }
}

module attributes {stable_mosaic.version = 14 : i64} {
  func.func @_node_body(%arg0: i32, %arg1: memref<2x1024x128xf32, #tpu.memory_space<vmem>>, %arg2: memref<32x4x1024xf32, #tpu.memory_space<vmem>>, %arg3: memref<1024x3xf32, #tpu.memory_space<vmem>>, %arg4: memref<1024x128xf32, #tpu.memory_space<vmem>>, %arg5: memref<1024x128xf32, #tpu.memory_space<vmem>>, %arg6: memref<128x128xf32, #tpu.memory_space<vmem>>, %arg7: memref<1x128xf32, #tpu.memory_space<vmem>>, %arg8: memref<128x128xf32, #tpu.memory_space<vmem>>, %arg9: memref<1x128xf32, #tpu.memory_space<vmem>>, %arg10: memref<1024x3xf32, #tpu.memory_space<vmem>>, %arg11: memref<1024x128xf32, #tpu.memory_space<vmem>>) attributes {dimension_semantics = [#tpu.dimension_semantics<arbitrary>], iteration_bounds = array<i64: 10>, scalar_prefetch = 0 : i64, scratch_operands = 0 : i64, tpu.core_type = #tpu.core_type<tc>, window_params = [{transform_indices = @transform_0, window_bounds = array<i64: 2, 1024, 128>}, {transform_indices = @transform_1, window_bounds = array<i64: 32, 4, 1024>}, {transform_indices = @transform_2, window_bounds = array<i64: 1024, 3>}, {transform_indices = @transform_3, window_bounds = array<i64: 1024, 128>}, {transform_indices = @transform_4, window_bounds = array<i64: 1024, 128>}, {pipeline_mode = #tpu.pipeline_mode<synchronous>, transform_indices = @transform_5, window_bounds = array<i64: 128, 128>}, {pipeline_mode = #tpu.pipeline_mode<synchronous>, transform_indices = @transform_6, window_bounds = array<i64: 1, 128>}, {pipeline_mode = #tpu.pipeline_mode<synchronous>, transform_indices = @transform_7, window_bounds = array<i64: 128, 128>}, {pipeline_mode = #tpu.pipeline_mode<synchronous>, transform_indices = @transform_8, window_bounds = array<i64: 1, 128>}, {transform_indices = @transform_9, window_bounds = array<i64: 1024, 3>}, {transform_indices = @transform_10, window_bounds = array<i64: 1024, 128>}]} {
    %get3A = arith.constant 0 : index
    %get3A_0 = arith.constant 0 : index
    %get3A_1 = arith.constant 0 : index
    %get3A_2 = vector.load %arg1[%get3A, %get3A_0, %get3A_1] : memref<2x1024x128xf32, #tpu.memory_space<vmem>>, vector<2x1024x128xf32>
    %slice3A = vector.extract_strided_slice %get3A_2 {offsets = [0, 0, 0], sizes = [1, 1024, 128], strides = [1, 1, 1]} : vector<2x1024x128xf32> to vector<1x1024x128xf32>
    %squeeze3A = vector.shape_cast %slice3A : vector<1x1024x128xf32> to vector<1024x128xf32>
    %slice3A_3 = vector.extract_strided_slice %get3A_2 {offsets = [1, 0, 0], sizes = [1, 1024, 128], strides = [1, 1, 1]} : vector<2x1024x128xf32> to vector<1x1024x128xf32>
    %squeeze3A_4 = vector.shape_cast %slice3A_3 : vector<1x1024x128xf32> to vector<1024x128xf32>
    %add3A = arith.addf %squeeze3A, %squeeze3A_4 : vector<1024x128xf32>
    %get3A_5 = arith.constant 0 : index
    %get3A_6 = arith.constant 0 : index
    %get3A_7 = arith.constant 0 : index
    %get3A_8 = vector.load %arg2[%get3A_5, %get3A_6, %get3A_7] : memref<32x4x1024xf32, #tpu.memory_space<vmem>>, vector<32x4x1024xf32>
    %reduce_sum3A = arith.constant dense<0.000000e+00> : vector<4x1024xf32>
    %reduce_sum3A_9 = vector.multi_reduction <add>, %get3A_8, %reduce_sum3A [0] : vector<32x4x1024xf32> to vector<4x1024xf32>
    %slice3A_10 = vector.extract_strided_slice %reduce_sum3A_9 {offsets = [0, 0], sizes = [3, 1024], strides = [1, 1]} : vector<4x1024xf32> to vector<3x1024xf32>
    %transpose3A = tpu.transpose %slice3A_10, [1, 0] : vector<3x1024xf32> -> vector<1024x3xf32>
    %slice3A_11 = vector.extract_strided_slice %reduce_sum3A_9 {offsets = [3, 0], sizes = [1, 1024], strides = [1, 1]} : vector<4x1024xf32> to vector<1x1024xf32>
    %transpose3A_12 = tpu.transpose %slice3A_11, [1, 0] : vector<1x1024xf32> -> vector<1024x1xf32>
    %max3A = arith.constant 1.000000e+00 : f32
    %max3A_13 = vector.broadcast %max3A : f32 to vector<1024x1xf32>
    %max3A_14 = arith.maximumf %transpose3A_12, %max3A_13 : vector<1024x1xf32>
    %div3A = vector.broadcast %max3A_14 : vector<1024x1xf32> to vector<1024x128xf32>
    %div3A_15 = arith.divf %add3A, %div3A : vector<1024x128xf32>
    %get3A_16 = arith.constant 0 : index
    %get3A_17 = arith.constant 0 : index
    %get3A_18 = vector.load %arg5[%get3A_16, %get3A_17] : memref<1024x128xf32, #tpu.memory_space<vmem>>, vector<1024x128xf32>
    %get3A_19 = arith.constant 0 : index
    %get3A_20 = arith.constant 0 : index
    %get3A_21 = vector.load %arg6[%get3A_19, %get3A_20] : memref<128x128xf32, #tpu.memory_space<vmem>>, vector<128x128xf32>
    %dot_general3A = arith.constant dense<0.000000e+00> : vector<1024x128xf32>
    %dot_general3A_22 = tpu.matmul %div3A_15, %get3A_21, %dot_general3A {dimension_numbers = #tpu.dot_dimension_numbers<[1], [0], [0], [1], [0, 0, 1, 1], [], []>, transpose_lhs_hint = false} : vector<1024x128xf32>, vector<128x128xf32>, vector<1024x128xf32> -> vector<1024x128xf32>
    %add3A_23 = arith.addf %get3A_18, %dot_general3A_22 : vector<1024x128xf32>
    %get3A_24 = arith.constant 0 : index
    %get3A_25 = arith.constant 0 : index
    %get3A_26 = vector.load %arg7[%get3A_24, %get3A_25] : memref<1x128xf32, #tpu.memory_space<vmem>>, vector<1x128xf32>
    %add3A_27 = vector.broadcast %get3A_26 : vector<1x128xf32> to vector<1024x128xf32>
    %add3A_28 = arith.addf %add3A_23, %add3A_27 : vector<1024x128xf32>
    %neg3A = arith.constant 0.000000e+00 : f32
    %neg3A_29 = vector.broadcast %neg3A : f32 to vector<1024x128xf32>
    %neg3A_30 = arith.subf %neg3A_29, %add3A_28 : vector<1024x128xf32>
    %exp3A = math.exp %neg3A_30 : vector<1024x128xf32>
    %add3A_31 = arith.constant 1.000000e+00 : f32
    %add3A_32 = vector.broadcast %add3A_31 : f32 to vector<1024x128xf32>
    %add3A_33 = arith.addf %add3A_32, %exp3A : vector<1024x128xf32>
    %div3A_34 = arith.divf %add3A_28, %add3A_33 : vector<1024x128xf32>
    %get3A_35 = arith.constant 0 : index
    %get3A_36 = arith.constant 0 : index
    %get3A_37 = vector.load %arg8[%get3A_35, %get3A_36] : memref<128x128xf32, #tpu.memory_space<vmem>>, vector<128x128xf32>
    %dot_general3A_38 = arith.constant dense<0.000000e+00> : vector<1024x128xf32>
    %dot_general3A_39 = tpu.matmul %div3A_34, %get3A_37, %dot_general3A_38 {dimension_numbers = #tpu.dot_dimension_numbers<[1], [0], [0], [1], [0, 0, 1, 1], [], []>, transpose_lhs_hint = false} : vector<1024x128xf32>, vector<128x128xf32>, vector<1024x128xf32> -> vector<1024x128xf32>
    %get3A_40 = arith.constant 0 : index
    %get3A_41 = arith.constant 0 : index
    %get3A_42 = vector.load %arg4[%get3A_40, %get3A_41] : memref<1024x128xf32, #tpu.memory_space<vmem>>, vector<1024x128xf32>
    %add3A_43 = arith.addf %get3A_42, %dot_general3A_39 : vector<1024x128xf32>
    %get3A_44 = arith.constant 0 : index
    %get3A_45 = arith.constant 0 : index
    %get3A_46 = vector.load %arg9[%get3A_44, %get3A_45] : memref<1x128xf32, #tpu.memory_space<vmem>>, vector<1x128xf32>
    %add3A_47 = vector.broadcast %get3A_46 : vector<1x128xf32> to vector<1024x128xf32>
    %add3A_48 = arith.addf %add3A_43, %add3A_47 : vector<1024x128xf32>
    %swap3A = arith.constant 0 : index
    %swap3A_49 = arith.constant 0 : index
    %swap3A_50 = vector.load %arg11[%swap3A, %swap3A_49] : memref<1024x128xf32, #tpu.memory_space<vmem>>, vector<1024x128xf32>
    tpu.vector_store %arg11[%swap3A, %swap3A_49], %add3A_48 {strides = array<i32>} : memref<1024x128xf32, #tpu.memory_space<vmem>>, vector<1024x128xf32>,
    %get3A_51 = arith.constant 0 : index
    %get3A_52 = arith.constant 0 : index
    %get3A_53 = vector.load %arg3[%get3A_51, %get3A_52] : memref<1024x3xf32, #tpu.memory_space<vmem>>, vector<1024x3xf32>
    %add3A_54 = arith.addf %get3A_53, %transpose3A : vector<1024x3xf32>
    %swap3A_55 = arith.constant 0 : index
    %swap3A_56 = arith.constant 0 : index
    %swap3A_57 = vector.load %arg10[%swap3A_55, %swap3A_56] : memref<1024x3xf32, #tpu.memory_space<vmem>>, vector<1024x3xf32>
    tpu.vector_store %arg10[%swap3A_55, %swap3A_56], %add3A_54 {strides = array<i32>} : memref<1024x3xf32, #tpu.memory_space<vmem>>, vector<1024x3xf32>,
    return
  }
  func.func @transform_0(%arg0: i32) -> (i32, i32, i32) {
    %c0_i32 = arith.constant 0 : i32
    %c0_i32_0 = arith.constant 0 : i32
    %c0_i32_1 = arith.constant 0 : i32
    return %c0_i32, %arg0, %c0_i32_0 : i32, i32, i32
  }
  func.func @transform_1(%arg0: i32) -> (i32, i32, i32) {
    %c0_i32 = arith.constant 0 : i32
    %c0_i32_0 = arith.constant 0 : i32
    %c0_i32_1 = arith.constant 0 : i32
    return %c0_i32, %c0_i32_0, %arg0 : i32, i32, i32
  }
  func.func @transform_2(%arg0: i32) -> (i32, i32) {
    %c0_i32 = arith.constant 0 : i32
    %c0_i32_0 = arith.constant 0 : i32
    return %arg0, %c0_i32 : i32, i32
  }
  func.func @transform_3(%arg0: i32) -> (i32, i32) {
    %c0_i32 = arith.constant 0 : i32
    %c0_i32_0 = arith.constant 0 : i32
    return %arg0, %c0_i32 : i32, i32
  }
  func.func @transform_4(%arg0: i32) -> (i32, i32) {
    %c0_i32 = arith.constant 0 : i32
    %c0_i32_0 = arith.constant 0 : i32
    return %arg0, %c0_i32 : i32, i32
  }
  func.func @transform_5(%arg0: i32) -> (i32, i32) {
    %c0_i32 = arith.constant 0 : i32
    %c0_i32_0 = arith.constant 0 : i32
    %c0_i32_1 = arith.constant 0 : i32
    return %c0_i32, %c0_i32_0 : i32, i32
  }
  func.func @transform_6(%arg0: i32) -> (i32, i32) {
    %c0_i32 = arith.constant 0 : i32
    %c0_i32_0 = arith.constant 0 : i32
    %c0_i32_1 = arith.constant 0 : i32
    return %c0_i32, %c0_i32_0 : i32, i32
  }
  func.func @transform_7(%arg0: i32) -> (i32, i32) {
    %c0_i32 = arith.constant 0 : i32
    %c0_i32_0 = arith.constant 0 : i32
    %c0_i32_1 = arith.constant 0 : i32
    return %c0_i32, %c0_i32_0 : i32, i32
  }
  func.func @transform_8(%arg0: i32) -> (i32, i32) {
    %c0_i32 = arith.constant 0 : i32
    %c0_i32_0 = arith.constant 0 : i32
    %c0_i32_1 = arith.constant 0 : i32
    return %c0_i32, %c0_i32_0 : i32, i32
  }
  func.func @transform_9(%arg0: i32) -> (i32, i32) {
    %c0_i32 = arith.constant 0 : i32
    %c0_i32_0 = arith.constant 0 : i32
    return %arg0, %c0_i32 : i32, i32
  }
  func.func @transform_10(%arg0: i32) -> (i32, i32) {
    %c0_i32 = arith.constant 0 : i32
    %c0_i32_0 = arith.constant 0 : i32
    return %arg0, %c0_i32 : i32, i32
  }
}

</mosaic_0001>

<sc_bundles>
// kernel: kernel.11.cloned.1.call-start
scs
__scs_entry_jumppad:
0x0: {  	(pc) =	sbr.rel $0x88, $3  }
0x1: {  	(tag) =	ssettag $0x0;
	lr =	simm.s32 $0x1  }
0x2: {  	[smem:$0x3F92] =	sst lr;
	_ =	strace $0xD0000000  }
0x3: {  	_ = 	snop  }
0x4: {  	_ = 	snop  }
0x5: {  	_ = 	snop  }
0x6: {  	_ = 	snop  }
0x7: {  	_ = 	snop  }
__scs_overlays_trampoline_lowered:
0x8: {  	[smem:$0x3FA1] =	sst s0  }
0x9: {  	[smem:$0x3FA2] =	sst s1  }
0xa: {  	[smem:$0x3FA3] =	sst s2  }
0xb: {  	[smem:$0x3FA4] =	sst s3  }
0xc: {  	[smem:$0x3FA5] =	sst s4  }
0xd: {  	[smem:$0x3FA6] =	sst s5  }
0xe: {  	[smem:$0x3FA7] =	sst s6  }
0xf: {  	[smem:$0x3FA8] =	sst s7  }
0x10: {  	[smem:$0x3FA9] =	sst s8  }
0x11: {  	[smem:$0x3FAA] =	sst s9;
	s0 =	simm.s32 @!p0 $0x0  }
0x12: {  	s1 =	sld [smem:$0x3F90];
	s0 =	simm.s32 @p0 $0x1  }
0x13: {  	[smem:$0x3FAB] =	sst s0;
	s0 =	simm.s32 @!p1 $0x0  }
0x14: {  	s2 =	sld [smem:$0x3F8F];
	s0 =	simm.s32 @p1 $0x1  }
0x15: {  	[smem:$0x3FAC] =	sst s0;
	s0 =	simm.s32 @!p2 $0x0  }
0x16: {  	s3 =	sld [smem:$0x3FDB];
	s0 =	simm.s32 @p2 $0x1  }
0x17: {  	s4 =	simm.s32 $0x1BF5;
	[smem:$0x3FAE] =	sst s0  }
0x18: {  	s0 =	sld [smem:$0x3F91];
	_ =	swait.ge [sflag:s4], $0x0  }
0x19: {  	s7 =	sld [smem:$0x3F92]  }
0x1a: {  	s8 =	sadd.s32 $0xFFFFE003, lr  }
0x1b: {  	s9 =	sadd.s32 $0xFFFFFEF7, lr;
	s5 =	simm.s32 $0xFFFFFFFF;
	p2 =	slt.u32 s8, $0xFFFFF086  }
0x1c: {  	p1 =	slt.u32 s9, $0xF7A;
	s5 =	simm.s32 @!p2 $0x0  }
0x1d: {  	s5 =	simm.s32 @p1 $0x1;
	p0 =	seq.s32 s7, s2  }
0x1e: {  	s7 =	smul.u32 @!p0 $0xF7A, s2;
	p2 =	seq.s32 @!p0 s5, $0x0  }
0x1f: {  	s9 =	smul.u32 $0xF7A, s1;
	s8 =	simm.s32 @!p0 $0x1BF5;
	p2 =	por !p2, p0  }
0x20: {  	[sflag:s8] =	ssyncset.s32 @!p0 $0xFFFFF086;
	s6 =	sadd.s32 @!p0 s3, s7;
	s7 =	simm.s32 @!p0 $0x108  }
0x21: {  	s3 =	sadd.s32 s3, s9;
	s6 =	sadd.s32 @!p0 $0x88, s6;
	s7 =	simm.s32 @p2 $0x1082  }
0x22: {  	[simem:s7], [sflag:s8] =	dma.local @!p0 [hbm:s6], $0xF7A  }
0x23: {  	s9 =	sor.u32 $0xD0000000, s2;
	s6 =	simm.s32 $0x108;
	_ =	swait.ge @!p0 [sflag:s8], $0x0  }
0x24: {  	s3 =	sadd.s32 $0x88, s3;
	s6 =	simm.s32 @!p1 $0x1082;
	[sflag:s4] =	ssyncset.s32 $0xFFFFF086  }
0x25: {  	[simem:s6], [sflag:s4] =	dma.local [hbm:s3], $0xF7A  }
0x26: {  	[smem:$0x3F92] =	sst s1;
	(tag) =	ssettag s2;
	_ =	strace s9  }
0x27: {  	s1 =	sld [smem:$0x3FA2]  }
0x28: {  	s2 =	sld [smem:$0x3FA3]  }
0x29: {  	s4 =	sld [smem:$0x3FA5]  }
0x2a: {  	p0 =	seq.s32 s5, $0x0;
	s5 =	sld [smem:$0x3FA6]  }
0x2b: {  	s6 =	sld [smem:$0x3FA7]  }
0x2c: {  	s7 =	sld [smem:$0x3FA8]  }
0x2d: {  	s3 =	simm.s32 $0x108;
	s8 =	sld [smem:$0x3FA9]  }
0x2e: {  	s3 =	simm.s32 @!p0 $0x1082;
	s9 =	sld [smem:$0x3FAA]  }
0x2f: {  	lr =	sadd.s32 s0, s3;
	s0 =	sld [smem:$0x3FA1]  }
0x30: {  	s3 =	sld [smem:$0x3FA4]  }
0x31: {  	[smem:$0x3FAD] =	sst s10  }
0x32: {  	s10 =	sld [smem:$0x3FAB];
	_ =	sdelay $0x3  }
0x33: {  	p0 =	seq.s32 s10, $0x1;
	s10 =	sld [smem:$0x3FAD];
	_ =	sdelay $0x3  }
0x34: {  	[smem:$0x3FAD] =	sst s10  }
0x35: {  	s10 =	sld [smem:$0x3FAC];
	_ =	sdelay $0x3  }
0x36: {  	p1 =	seq.s32 s10, $0x1;
	s10 =	sld [smem:$0x3FAD];
	_ =	sdelay $0x3  }
0x37: {  	[smem:$0x3FAD] =	sst s10  }
0x38: {  	s10 =	sld [smem:$0x3FAE]  }
0x39: {  	_ = 	snop;
	(pc) =	sbr.ind lr, $3  }
0x3a: {  	_ = 	snop  }
0x3b: {  	_ = 	snop  }
0x3c: {  	p2 =	seq.s32 s10, $0x1;
	s10 =	sld [smem:$0x3FAD]  }
0x3d: {  	_ =	shalt  }
0x3e: {  	_ =	shalt  }
0x3f: {  	_ =	shalt  }
0x40: {  	_ =	shalt  }
0x41: {  	_ =	shalt  }
0x42: {  	_ =	shalt  }
0x43: {  	_ =	shalt  }
0x44: {  	_ =	shalt  }
0x45: {  	_ =	shalt  }
0x46: {  	_ =	shalt  }
0x47: {  	_ =	shalt  }
0x48: {  	_ =	shalt  }
0x49: {  	_ =	shalt  }
0x4a: {  	_ =	shalt  }
0x4b: {  	_ =	shalt  }
0x4c: {  	_ =	shalt  }
0x4d: {  	_ =	shalt  }
0x4e: {  	_ =	shalt  }
0x4f: {  	_ =	shalt  }
0x50: {  	_ =	shalt  }
0x51: {  	_ =	shalt  }
0x52: {  	_ =	shalt  }
0x53: {  	_ =	shalt  }
0x54: {  	_ =	shalt  }
0x55: {  	_ =	shalt  }
0x56: {  	_ =	shalt  }
0x57: {  	_ =	shalt  }
0x58: {  	_ =	shalt  }
0x59: {  	_ =	shalt  }
0x5a: {  	_ =	shalt  }
0x5b: {  	_ =	shalt  }
0x5c: {  	_ =	shalt  }
0x5d: {  	_ =	shalt  }
0x5e: {  	_ =	shalt  }
0x5f: {  	_ =	shalt  }
0x60: {  	_ =	shalt  }
0x61: {  	_ =	shalt  }
0x62: {  	_ =	shalt  }
0x63: {  	_ =	shalt  }
0x64: {  	_ =	shalt  }
0x65: {  	_ =	shalt  }
0x66: {  	_ =	shalt  }
0x67: {  	_ =	shalt  }
0x68: {  	_ =	shalt  }
0x69: {  	_ =	shalt  }
0x6a: {  	_ =	shalt  }
0x6b: {  	_ =	shalt  }
0x6c: {  	_ =	shalt  }
0x6d: {  	_ =	shalt  }
0x6e: {  	_ =	shalt  }
0x6f: {  	_ =	shalt  }
0x70: {  	_ =	shalt  }
0x71: {  	_ =	shalt  }
0x72: {  	_ =	shalt  }
0x73: {  	_ =	shalt  }
0x74: {  	_ =	shalt  }
0x75: {  	_ =	shalt  }
0x76: {  	_ =	shalt  }
0x77: {  	_ =	shalt  }
0x78: {  	_ =	shalt  }
0x79: {  	_ =	shalt  }
0x7a: {  	_ =	shalt  }
0x7b: {  	_ =	shalt  }
0x7c: {  	_ =	shalt  }
0x7d: {  	_ =	shalt  }
0x7e: {  	_ =	shalt  }
0x7f: {  	_ =	shalt  }
0x80: {  	_ =	shalt  }
0x81: {  	_ =	shalt  }
0x82: {  	_ =	shalt  }
0x83: {  	_ =	shalt  }
0x84: {  	_ =	shalt  }
0x85: {  	_ =	shalt  }
0x86: {  	_ =	shalt  }
0x87: {  	_ =	shalt  }
.Lfunc_end0:
.L_simem_size_0:
called_computation.1_lowered:
.L_overlay_start_0:
0x88: {  	s2 =	sld [smem:$0x3FD9]  }
0x89: {  	s3 =	sld [smem:$0x3FFE];
	_ =	sdelay $0x1  }
0x8a: {  	s1 =	srdreg.scid  }
0x8b: {  	s0 =	sand.u32 $0x1, s1  }
0x8c: {  	s17 =	sshll.u32 s0, $0xA;
	s2 =	sadd.s32 s3, s2  }
0x8d: {  	s2 =	sadd.s32 s2, s17  }
0x8e: {  	[smem:$0x3FB9] =	sst s2  }
0x8f: {  	_ = 	snop  }
0x90: {  	(tm) =	ssettm $0x1  }
0x91: {  	s18 =	sld [smem:$0x3FFB];
	_ =	sdelay $0x3  }
0x92: {  	_ =	strace s18  }
0x93: {  	s2 =	sld [smem:$0x3FFC];
	_ =	sdelay $0x3  }
0x94: {  	_ =	strace s2  }
0x95: {  	s2 =	sld [smem:$0x3FFD];
	_ =	sdelay $0x3  }
0x96: {  	_ =	strace s2  }
0x97: {  	_ =	strace $0x8FFFFFFF  }
0x98: {  	s19 =	sld [smem:$0x3FDB];
	_ =	sdelay $0x1  }
0x99: {  	s20 =	simm.s32 $_scs_section_size  }
0x9a: {  	s4 =	simm.s32 $_size__tile_overlayer_lowered;
	s5 =	simm.s32 $_tile_overlayer_lowered  }
0x9b: {  	s6 =	simm.s32 $0x1BFF;
	s21 =	sshll.u32 s5, $0x1;
	s3 =	sadd.s32 s20, s19  }
0x9c: {  	s22 =	simm.s32 $0x0;
	s4 =	sshll.u32 s4, $0x1;
	s5 =	sadd.s32 s21, s3  }
0x9d: {  	[timem:s22], [sflag:s6] =	dma.local [hbm:s5], s4  }
0x9e: {  	_ =	swait.ge [sflag:s6], s4  }
0x9f: {  	s4 =	ssub.s32 $0x0, s4;
	[sflag:s6] =	ssyncset.done $0x0  }
0xa0: {  	[sflag:s6] =	ssyncadd.s32 s4;
	_ =	sdelay $0x1  }
0xa1: {  	s23 =	simm.s32 $0x1B8B  }
0xa2: {  	_ =	swait.ge [sflag:s23], $0x1  }
0xa3: {  	[sflag:s23] =	ssyncset.done $0x0  }
0xa4: {  	[sflag:s23] =	ssyncadd.s32 $0xFFFFFFFF  }
0xa5: {  	s4 =	sld [smem:$0x0]  }
0xa6: {  	s5 =	sand.u32 $0xFFFFFFFE, s1  }
0xa7: {  	p0 =	sne.s32 s1, s5  }
0xa8: {  	s5 =	sshll.u32 @p0 s5, $0xE  }
0xa9: {  	s5 =	sadd.s32 @p0 $0x11B8D, s5;
	s6 =	sshll.u32 @p0 s4, $0x11  }
0xaa: {  	s5 =	sor.u32 @p0 s6, s5  }
0xab: {  	[sflag:s5] =	ssyncadd.remote.s32 @p0 $0x1;
	_ =	sdelay $0x1  }
0xac: {  	s5 =	simm.s32 @p0 $0x1B8D  }
0xad: {  	_ =	swait.eq @p0 [sflag:s5], $0x1  }
0xae: {  	[sflag:s5] =	ssyncadd.s32 @p0 $0xFFFFFFFF  }
0xaf: {  	s6 =	sshll.u32 @!p0 s1, $0xE  }
0xb0: {  	s6 =	sor.u32 @!p0 $0x4000, s6;
	s5 =	simm.s32 @!p0 $0x1B8D  }
0xb1: {  	s4 =	sshll.u32 @!p0 s4, $0x11;
	s6 =	sadd.s32 @!p0 $0x11B8D, s6;
	_ =	swait.eq @!p0 [sflag:s5], $0x1  }
0xb2: {  	s4 =	sor.u32 @!p0 s4, s6;
	[sflag:s5] =	ssyncadd.s32 @!p0 $0xFFFFFFFF  }
0xb3: {  	s25 =	simm.s32 $0x1B8E;
	s24 =	sld [smem:$0x3FFE];
	[sflag:s4] =	ssyncadd.remote.s32 @!p0 $0x1  }
0xb4: {  	s26 =	simm.s32 $execute0_lowered;
	[smem:$0x3FD2] =	sst s25  }
0xb5: {  	s5 =	sshll.u32 s26, $0x1;
	_ =	strace $0x8000004C;
	[dreg:$0x1] =	wrdreg $0xFFFFFFFF  }
0xb6: {  	s28 =	simm.s32 $_size_execute0_lowered;
	s3 =	sadd.s32 s3, s5;
	[dreg:$0x0] =	wrdreg $0x0  }
0xb7: {  	s5 =	sshll.u32 s28, $0x1;
	[dreg:$0x2] =	wrdreg s3  }
0xb8: {  	[dreg:$0x3] =	wrdreg s5  }
0xb9: {  	[dreg:$0x4] =	wrdreg $0xC0  }
0xba: {  	_ =	task [dreg:s22], $0x5FFFF  }
0xbb: {  	[dreg:$0x1] =	wrdreg $0xFFFFFFFF  }
0xbc: {  	[dreg:$0x0] =	wrdreg $0x60  }
0xbd: {  	[dreg:$0x2] =	wrdreg s24  }
0xbe: {  	[dreg:$0x3] =	wrdreg $0x90000  }
0xbf: {  	[dreg:$0x4] =	wrdreg $0x9  }
0xc0: {  	_ =	task.clear_ibuf [dreg:s22], $0x5FFFF;
	_ =	strace $0x9000004C  }
0xc1: {  	s29 =	simm.s32 $0x9;
	_ =	strace $0x8000004E  }
0xc2: {  	_ =	swait.ge [sflag:s29], $0x1  }
0xc3: {  	[sflag:s29] =	ssyncadd.s32 $0xFFFFFFFF  }
0xc4: {  	_ =	strace $0x9000004E  }
0xc5: {  	_ =	sfence  }
0xc6: {  	s30 =	sld [smem:$0x0];
	_ =	sdelay $0x2  }
0xc7: {  	s31 =	sshll.u32 s1, $0xD;
	s1 =	sshrl.u32 s1, $0x2  }
0xc8: {  	s4 =	sand.u32 $0x4000, s31;
	s1 =	sadd.s32 s1, s30  }
0xc9: {  	s0 =	sor.u32 s4, s0;
	s1 =	sshll.u32 s1, $0x11  }
0xca: {  	s0 =	sor.u32 s1, s0  }
0xcb: {  	s0 =	sadd.s32 $0x8F2B, s0  }
0xcc: {  	[sflag:s0] =	ssyncadd.remote.s32 $0x1  }
0xcd: {  	_ =	sfence.sel $0xFFFF  }
0xce: {  	[dreg:$0x0] =	wrdreg $0xFFFFFFFF;
	(pc) =	sbr.abs _section_cstart, $3  }
0xcf: {  	[dreg:$0x1] =	wrdreg $0xFFFFFFFF  }
0xd0: {  	_ =	task.clear_ibuf [dreg:s22], $0x2FFFF;
	_ =	strace $0x9FFFFFFF  }
0xd1: {  	(tm) =	ssettm $0x7FFFFFFF  }
tec
execute0_lowered:
.L_overlay_start_1:
0x0: {  	(tag) =	ssettag $0x1  }
0x1: {  	s0 =	rddreg [dreg:$0x0]  }
0x2: {  	s2 =	rddreg [dreg:$0x1];
	s3 =	simm.s32 $0x0  }
0x3: {  	s1 =	srdreg.scid;
	s16 =	stileid.u32;
	s18 =	simm.s32 $0x4000  }
0x4: {  	s19 =	simm.s32 $0x3;
	s21 =	simm.s32 $0x50;
	s22 =	simm.s32 $0x1  }
0x5: {  	s23 =	simm.s32 $0x2;
	s25 =	simm.s32 $0x0;
	[smem:$0x7FF] =	sst s3  }
0x6: {  	s1 =	sand.u32 $0x1, s1;
	s4 =	sshll.u32 s16, $0x1;
	s5 =	smul.u32 $0x50000, s16  }
0x7: {  	s30 =	smul.u32 $0x2800, s16;
	_ =	strace $0x8000004D;
	s6 =	sor.u32 s1, s4  }
0x8: {  	s4 =	sadd.s32 $0x55FC00, s0;
	s8 =	smul.u32 $0x28000, s1;
	s1 =	ssub.s32 $0x2, s1  }
0x9: {  	s7 =	sshll.u32 s6, $0xB;
	s5 =	sshrl.u32 s5, $0x2;
	s15 =	smul.u32 $0x2710, s6  }
0xa: {  	s9 =	sshrl.u32 s1, $0x1;
	s6 =	smul.u32 $0x27100, s6;
	s7 =	sadd.s32 s7, s0  }
0xb: {  	s5 =	sadd.s32 s5, s2;
	s0 =	sadd.s32 s8, s0;
	s1 =	ssub.s32 s1, s9  }
0xc: {  	s26 =	sadd.s32 $0x2800, s5;
	s28 =	sadd.s32 $0x5000, s5;
	s29 =	sadd.s32 $0x7800, s5  }
0xd: {  	s9 =	sadd.s32 $0xA000, s5;
	s10 =	sadd.s32 $0xC800, s5;
	s11 =	sadd.s32 $0xF000, s5  }
0xe: {  	s12 =	sadd.s32 $0x11800, s5;
	s13 =	sadd.s32 $0x4400, s7;
	s14 =	sadd.s32 s4, s6  }
0xf: {  	s15 =	sadd.s32 $0x50, s15;
	s0 =	sadd.s32 $0x9BC00, s0;
	[dreg:$0x3] =	wrdreg s26  }
0x10: {  	s16 =	smax.u32 s1, $0x1;
	[dreg:$0x4] =	wrdreg s28;
	s31 =	sshll.u32 s15, $0x4  }
0x11: {  	v0 =	vimm.f32 $0.0e+00;
	[dreg:$0x5] =	wrdreg s29;
	s24 =	sadd.s32 s30, s0;
	s17 =	sadd.s32 s4, s31  }
.LBB2_1:
0x12: {  	s0 =	simm.s32 $0x0;
	s1 =	simm.s32 $0x200  }
.LBB2_2:
0x13: {  	p0 =	sne.s32 s1, $0x9E00;
	[tilespmem:s0+$0x4070] =	vst v0  }
0x14: {  	[tilespmem:s0+$0x4000] =	vst v0  }
0x15: {  	[tilespmem:s0+$0x4010] =	vst v0  }
.Ltmp0:
0x16: {  	[tilespmem:s0+$0x4020] =	vst v0;
	(pc) =	sbr.rel @p0 .LBB2_2-.Ltmp0, $4  }
0x17: {  	[tilespmem:s0+$0x4030] =	vst v0  }
0x18: {  	[tilespmem:s0+$0x4040] =	vst v0  }
0x19: {  	[tilespmem:s0+$0x4050] =	vst v0  }
0x1a: {  	[tilespmem:s0+$0x4060] =	vst v0;
	s0 =	sshra.s32 s1, $0x2;
	s1 =	sadd.s32 $0x200, s1  }
0x1b: {  	[tilespmem:s0+$0x4070] =	vst v0  }
0x1c: {  	[tilespmem:s0+$0x4000] =	vst v0  }
0x1d: {  	[tilespmem:s0+$0x4010] =	vst v0  }
0x1e: {  	[tilespmem:s0+$0x4020] =	vst v0  }
0x1f: {  	[tilespmem:s0+$0x4030] =	vst v0  }
0x20: {  	[tilespmem:s0+$0x4040] =	vst v0  }
0x21: {  	[tilespmem:s0+$0x4050] =	vst v0  }
0x22: {  	[tilespmem:s0+$0x4060] =	vst v0  }
0x23: {  	[spmem:s5] =	stream.linear.scatter [tilespmem:s18], [sflag:$0x3], $0x2800, $0x38;
	[tilespmem:$0x1D000] =	vst v63  }
0x24: {  	_ =	swait.ge [sflag:s19], $0x2800  }
0x25: {  	[sflag:s19] =	ssyncset.done $0x0  }
0x26: {  	s7 =	rddreg [dreg:$0x3];
	[sflag:s19] =	ssyncadd.s32 $0xFFFFD800  }
0x27: {  	[spmem:s7] =	stream.linear.scatter [tilespmem:s18], [sflag:$0x3], $0x2800, $0x38;
	[tilespmem:$0x1D000] =	vst v63  }
0x28: {  	_ =	swait.ge [sflag:s19], $0x2800  }
0x29: {  	[sflag:s19] =	ssyncset.done $0x0  }
0x2a: {  	s8 =	rddreg [dreg:$0x4];
	[sflag:s19] =	ssyncadd.s32 $0xFFFFD800  }
0x2b: {  	[spmem:s8] =	stream.linear.scatter [tilespmem:s18], [sflag:$0x3], $0x2800, $0x38;
	[tilespmem:$0x1D000] =	vst v63  }
0x2c: {  	_ =	swait.ge [sflag:s19], $0x2800  }
0x2d: {  	[sflag:s19] =	ssyncset.done $0x0  }
0x2e: {  	s20 =	rddreg [dreg:$0x5];
	[sflag:s19] =	ssyncadd.s32 $0xFFFFD800  }
0x2f: {  	[spmem:s20] =	stream.linear.scatter [tilespmem:s18], [sflag:$0x3], $0x2800, $0x38;
	[tilespmem:$0x1D000] =	vst v63  }
0x30: {  	_ =	swait.ge [sflag:s19], $0x2800  }
0x31: {  	[sflag:s19] =	ssyncset.done $0x0  }
0x32: {  	[sflag:s19] =	ssyncadd.s32 $0xFFFFD800  }
0x33: {  	[spmem:s9] =	stream.linear.scatter [tilespmem:s18], [sflag:$0x3], $0x2800, $0x38;
	[tilespmem:$0x1D000] =	vst v63  }
0x34: {  	_ =	swait.ge [sflag:s19], $0x2800  }
0x35: {  	[sflag:s19] =	ssyncset.done $0x0  }
0x36: {  	[sflag:s19] =	ssyncadd.s32 $0xFFFFD800  }
0x37: {  	[spmem:s10] =	stream.linear.scatter [tilespmem:s18], [sflag:$0x3], $0x2800, $0x38;
	[tilespmem:$0x1D000] =	vst v63  }
0x38: {  	_ =	swait.ge [sflag:s19], $0x2800  }
0x39: {  	[sflag:s19] =	ssyncset.done $0x0  }
0x3a: {  	[sflag:s19] =	ssyncadd.s32 $0xFFFFD800  }
0x3b: {  	[spmem:s11] =	stream.linear.scatter [tilespmem:s18], [sflag:$0x3], $0x2800, $0x38;
	[tilespmem:$0x1D000] =	vst v63  }
0x3c: {  	_ =	swait.ge [sflag:s19], $0x2800  }
0x3d: {  	[sflag:s19] =	ssyncset.done $0x0  }
0x3e: {  	[sflag:s19] =	ssyncadd.s32 $0xFFFFD800  }
0x3f: {  	[spmem:s12] =	stream.linear.scatter [tilespmem:s18], [sflag:$0x3], $0x2800, $0x38;
	[tilespmem:$0x1D000] =	vst v63  }
0x40: {  	_ =	swait.ge [sflag:s19], $0x2800  }
0x41: {  	[sflag:s19] =	ssyncset.done $0x0  }
0x42: {  	[sflag:s19] =	ssyncadd.s32 $0xFFFFD800  }
0x43: {  	[bflag:$0x0] =	sbarrier.arrive $0xFFFF  }
0x44: {  	[tilespmem:s3], [sflag:$0x3] =	stream.linear.gather [hbm4b:s13+s3], $0x3E80, $0x38;
	[tilespmem:$0x1D000] =	vst v63  }
0x45: {  	_ =	swait.ge [sflag:s19], $0x3E80  }
0x46: {  	[sflag:s19] =	ssyncset.done $0x0  }
0x47: {  	s0 =	simm.s32 $0x1;
	[sflag:s19] =	ssyncadd.s32 $0xFFFFC180  }
0x48: {  	[tilespmem:s18], [sflag:$0x1] =	stream.linear.gather [hbm4b:s14+s3], $0x2800, $0x38;
	[tilespmem:$0x1D000] =	vst v63  }
0x49: {  	_ =	swait.ge [sflag:s0], $0x2800  }
0x4a: {  	s1 =	simm.s32 $0x6800;
	s26 =	sand.u32 $0x1, s0;
	[sflag:s0] =	ssyncset.done $0x0  }
0x4b: {  	s31 =	simm.s32 $0x80;
	p0 =	seq.s32 s26, $0x0;
	[sflag:s0] =	ssyncadd.s32 $0xFFFFD800  }
0x4c: {  	[tilespmem:s1], [sflag:$0x1] =	stream.linear.gather [hbm4b:s17+s3], $0x2800, $0x38;
	[tilespmem:$0x1D000] =	vst v63  }
0x4d: {  	s26 =	simm.s32 $0x100;
	s6 =	simm.s32 @p0 $0x1;
	s28 =	simm.s32 @!p0 $0x0  }
0x4e: {  	[spmem:s2] =	stream.indirect.scatter.add.f32 [tilespmem:s18], [sflag:$0x2], $0x80, s3, s21, $0xb8;
	[tilespmem:$0x1D000] =	vst v63  }
0x4f: {  	s29 =	simm.s32 @!p0 $0x4000;
	s1 =	smin.u32 @p0 s0, $0x7B;
	_ =	swait.ge @p0 [sflag:s6], $0x2800  }
0x50: {  	s7 =	simm.s32 @!p0 $0x1;
	s1 =	smul.u32 @p0 $0x50, s1;
	[sflag:s6] =	ssyncset.done @p0 $0x0  }
0x51: {  	s20 =	simm.s32 @p0 $0x6800;
	[sflag:s6] =	ssyncadd.s32 @p0 $0xFFFFD800;
	s6 =	simm.s32 @p0 $0x2  }
0x52: {  	s0 =	smin.u32 @!p0 s0, $0x7B;
	s1 =	sadd.s32 @p0 s1, s15;
	_ =	swait.ge @p0 [sflag:s6], $0x2800  }
0x53: {  	s0 =	smul.u32 @!p0 $0x50, s0;
	s1 =	sshll.u32 @p0 s1, $0x4;
	[sflag:s6] =	ssyncset.done @p0 $0x0  }
0x54: {  	s1 =	sadd.s32 @p0 s4, s1;
	[sflag:s6] =	ssyncadd.s32 @p0 $0xFFFFD800;
	s6 =	simm.s32 @p0 $0x0  }
0x55: {  	[tilespmem:s20], [sflag:$0x1] =	stream.linear.gather @p0 [hbm4b:s1+s6], $0x2800, $0x38;
	[tilespmem:$0x1D000] =	vst v63  }
0x56: {  	s30 =	simm.s32 @!p0 $0x6800;
	p1 =	por p0, p0;
	_ =	swait.ge @!p0 [sflag:s7], $0x2800  }
0x57: {  	s30 =	simm.s32 @p0 $0x4000;
	s0 =	sadd.s32 @!p0 s0, s15;
	[sflag:s7] =	ssyncset.done @!p0 $0x0  }
0x58: {  	s0 =	sshll.u32 @!p0 s0, $0x4;
	s6 =	simm.s32 @!p0 $0x2;
	[sflag:s7] =	ssyncadd.s32 @!p0 $0xFFFFD800  }
0x59: {  	s20 =	sadd.s32 @!p0 s4, s0;
	s1 =	simm.s32 $0x2;
	_ =	swait.ge @!p1 [sflag:s6], $0x2800  }
0x5a: {  	s0 =	simm.s32 $0x3;
	s7 =	sand.u32 $0x1, s1;
	[sflag:s6] =	ssyncset.done @!p1 $0x0  }
.LBB2_4:
0x5b: {  	p0 =	seq.s32 s7, $0x0  }
0x5c: {  	[sflag:s6] =	ssyncadd.s32 @!p1 $0xFFFFD800;
	s6 =	smov.u32 s0;
	s0 =	sadd.s32 $0x1, s0  }
0x5d: {  	[tilespmem:s29], [sflag:$0x1] =	stream.linear.gather @!p1 [hbm4b:s20+s28], $0x2800, $0x38;
	[tilespmem:$0x1D000] =	vst v63  }
0x5e: {  	s7 =	simm.s32 @p0 $0x1  }
0x5f: {  	s20 =	smin.u32 @p0 s1, $0x7B;
	s1 =	smin.u32 @!p0 s1, $0x7B;
	s28 =	simm.s32 @!p0 $0x0  }
0x60: {  	s29 =	simm.s32 @!p0 $0x4000;
	s8 =	simm.s32 @!p0 $0x1;
	s20 =	smul.u32 @p0 $0x50, s20  }
0x61: {  	[spmem:s2] =	stream.indirect.scatter.add.f32 [tilespmem:s30], [sflag:$0x2], $0x80, s31, s21, $0xb8;
	[tilespmem:$0x1D000] =	vst v63  }
0x62: {  	s1 =	smul.u32 @!p0 $0x50, s1;
	s20 =	sadd.s32 @p0 s20, s15;
	_ =	swait.ge @p0 [sflag:s7], $0x2800  }
0x63: {  	s30 =	simm.s32 @!p0 $0x6800;
	s20 =	sshll.u32 @p0 s20, $0x4;
	[sflag:s7] =	ssyncset.done @p0 $0x0  }
0x64: {  	s20 =	sadd.s32 @p0 s4, s20;
	[sflag:s7] =	ssyncadd.s32 @p0 $0xFFFFD800;
	s7 =	simm.s32 @p0 $0x2  }
0x65: {  	s1 =	sadd.s32 @!p0 s1, s15;
	s30 =	simm.s32 @p0 $0x4000;
	_ =	swait.ge @p0 [sflag:s7], $0x2800  }
0x66: {  	p2 =	sne.s32 s0, $0x7D;
	s1 =	sshll.u32 @!p0 s1, $0x4;
	[sflag:s7] =	ssyncset.done @p0 $0x0  }
0x67: {  	s31 =	simm.s32 @p0 $0x6800;
	[sflag:s7] =	ssyncadd.s32 @p0 $0xFFFFD800;
	s7 =	simm.s32 @p0 $0x0  }
0x68: {  	[tilespmem:s31], [sflag:$0x1] =	stream.linear.gather @p0 [hbm4b:s20+s7], $0x2800, $0x38;
	[tilespmem:$0x1D000] =	vst v63  }
.Ltmp1:
0x69: {  	s20 =	sadd.s32 @!p0 s4, s1;
	_ =	swait.ge @!p0 [sflag:s8], $0x2800;
	(pc) =	sbr.rel @p2 .LBB2_4-.Ltmp1, $4  }
0x6a: {  	s1 =	smov.u32 s6;
	s31 =	smov.u32 s26;
	[sflag:s8] =	ssyncset.done @!p0 $0x0  }
0x6b: {  	p1 =	por p0, p0;
	s6 =	simm.s32 @!p0 $0x2;
	[sflag:s8] =	ssyncadd.s32 @!p0 $0xFFFFD800  }
0x6c: {  	_ =	swait.ge @!p1 [sflag:s6], $0x2800  }
0x6d: {  	s26 =	sadd.s32 $0x80, s26;
	s7 =	sand.u32 $0x1, s1;
	[sflag:s6] =	ssyncset.done @!p1 $0x0  }
0x6e: {  	p0 =	seq.s32 s7, $0x0;
	[sflag:s6] =	ssyncadd.s32 @!p1 $0xFFFFD800  }
0x6f: {  	[tilespmem:s29], [sflag:$0x1] =	stream.linear.gather @!p1 [hbm4b:s20+s28], $0x2800, $0x38;
	[tilespmem:$0x1D000] =	vst v63  }
0x70: {  	s0 =	simm.s32 @p0 $0x1  }
0x71: {  	[spmem:s2] =	stream.indirect.scatter.add.f32 [tilespmem:s30], [sflag:$0x2], $0x80, s31, s21, $0xb8;
	[tilespmem:$0x1D000] =	vst v63  }
0x72: {  	s6 =	smin.u32 @p0 s1, $0x7B;
	_ =	swait.ge @p0 [sflag:s0], $0x2800  }
0x73: {  	s6 =	smul.u32 @p0 $0x50, s6;
	[sflag:s0] =	ssyncset.done @p0 $0x0  }
0x74: {  	[sflag:s0] =	ssyncadd.s32 @p0 $0xFFFFD800;
	s0 =	simm.s32 @p0 $0x2  }
0x75: {  	s7 =	simm.s32 @!p0 $0x1;
	s6 =	sadd.s32 @p0 s6, s15;
	_ =	swait.ge @p0 [sflag:s0], $0x2800  }
0x76: {  	s8 =	simm.s32 @p0 $0x6800;
	s6 =	sshll.u32 @p0 s6, $0x4;
	[sflag:s0] =	ssyncset.done @p0 $0x0  }
0x77: {  	s6 =	sadd.s32 @p0 s4, s6;
	[sflag:s0] =	ssyncadd.s32 @p0 $0xFFFFD800;
	s0 =	simm.s32 @p0 $0x0  }
0x78: {  	[tilespmem:s8], [sflag:$0x1] =	stream.linear.gather @p0 [hbm4b:s6+s0], $0x2800, $0x38;
	[tilespmem:$0x1D000] =	vst v63  }
0x79: {  	s0 =	smin.u32 @!p0 s1, $0x7B;
	_ =	swait.ge @!p0 [sflag:s7], $0x2800  }
0x7a: {  	s0 =	smul.u32 @!p0 $0x50, s0;
	[sflag:s7] =	ssyncset.done @!p0 $0x0  }
0x7b: {  	p1 =	por p0, p0;
	s1 =	simm.s32 @!p0 $0x2;
	[sflag:s7] =	ssyncadd.s32 @!p0 $0xFFFFD800  }
0x7c: {  	s6 =	simm.s32 @!p0 $0x0;
	s0 =	sadd.s32 @!p0 s0, s15;
	_ =	swait.ge @!p1 [sflag:s1], $0x2800  }
0x7d: {  	s8 =	simm.s32 @!p0 $0x6800;
	s0 =	sshll.u32 @!p0 s0, $0x4;
	[sflag:s1] =	ssyncset.done @!p1 $0x0  }
0x7e: {  	s7 =	simm.s32 @!p0 $0x4000;
	s0 =	sadd.s32 @!p0 s4, s0;
	[sflag:s1] =	ssyncadd.s32 @!p1 $0xFFFFD800  }
0x7f: {  	[tilespmem:s7], [sflag:$0x1] =	stream.linear.gather @!p1 [hbm4b:s0+s6], $0x2800, $0x38;
	[tilespmem:$0x1D000] =	vst v63  }
0x80: {  	s8 =	simm.s32 @p0 $0x4000  }
0x81: {  	[spmem:s2] =	stream.indirect.scatter.add.f32 [tilespmem:s8], [sflag:$0x2], $0x80, s26, s21, $0xb8;
	[tilespmem:$0x1D000] =	vst v63  }
0x82: {  	_ =	swait.ge [sflag:s22], $0x2800  }
0x83: {  	[sflag:s22] =	ssyncset.done $0x0  }
0x84: {  	[sflag:s22] =	ssyncadd.s32 $0xFFFFD800  }
0x85: {  	s25 =	sadd.s32 $0x1, s25;
	_ =	swait.ge [sflag:s23], $0x2800  }
0x86: {  	s30 =	stileid.u32;
	s31 =	sshrl.u32 s5, $0x3;
	[sflag:s23] =	ssyncset.done $0x0  }
0x87: {  	p0 =	sne.s32 s25, s16;
	s0 =	sshll.u32 s30, $0x6;
	[sflag:s23] =	ssyncadd.s32 $0xFFFFD800  }
.Ltmp2:
0x88: {  	s0 =	sor.u32 $0x1C03, s0;
	[bflag:$0x0] =	sbarrier.arrive $0xFFFF;
	(pc) =	sbr.rel @p0 .LBB2_1-.Ltmp2, $4  }
0x89: {  	[hbm:s24], [sflag:s0] =	dma.local [spmem:s31], $0x2800  }
0x8a: {  	_ =	swait.ge [sflag:s19], $0x2800  }
0x8b: {  	[sflag:s19] =	ssyncset.done $0x0  }
0x8c: {  	[sflag:s19] =	ssyncadd.s32 $0xFFFFD800  }
0x8d: {  	_ =	sfence.sel $0x180000  }
0x8e: {  	[bflag:$0x0] =	sbarrier.arrive $0xFFFF  }
0x8f: {  	_ =	strace $0x9000004D  }
0x90: {  	s0 =	stileid.u32;
	[bflag:$0x2] =	sbarrier.arrive $0xFFFF  }
0x91: {  	p0 =	sne.s32 s0, $0x0;
	s0 =	rddreg [dreg:$0x2]  }
0x92: {  	s0 =	sadd.s32 @!p0 $0x100000, s0  }
0x93: {  	[sflag:s0] =	ssyncadd.tile.s32 @!p0 $0x1;
	_ =	shalt  }
.Lfunc_end2:
_tile_overlayer_lowered:
.L_overlay_start_2:
0x94: {  	(tag) =	ssettag $0x2  }
0x95: {  	s0 =	rddreg [dreg:$0x0];
	s2 =	stileid.u32  }
0x96: {  	s1 =	rddreg [dreg:$0x1];
	p0 =	sne.s32 s2, $0x0  }
0x97: {  	s3 =	rddreg [dreg:$0x2];
	[bflag:$0x3] =	sbarrier.arrive $0xFFFF;
	s2 =	simm.s32 @!p0 $0x1C03  }
0x98: {  	[timem:s3], [sflag:s2] =	dma.local @!p0 [hbm:s0], s1  }
0x99: {  	s0 =	simm.s32 @!p0 $0x3  }
0x9a: {  	_ =	swait.ge @!p0 [sflag:s0], s1  }
0x9b: {  	s1 =	ssub.s32 @!p0 $0x0, s1;
	[sflag:s0] =	ssyncset.done @!p0 $0x0  }
0x9c: {  	[sflag:s0] =	ssyncadd.s32 @!p0 s1  }
0x9d: {  	[bflag:$0x3] =	sbarrier.arrive $0xFFFF  }
0x9e: {  	_ =	shalt  }

// kernel: kernel.14.cloned.1.call-start
scs
__scs_entry_jumppad:
0x0: {  	(pc) =	sbr.rel $0x88, $3  }
0x1: {  	(tag) =	ssettag $0x0;
	lr =	simm.s32 $0x1  }
0x2: {  	[smem:$0x3F92] =	sst lr;
	_ =	strace $0xD0000000  }
0x3: {  	_ = 	snop  }
0x4: {  	_ = 	snop  }
0x5: {  	_ = 	snop  }
0x6: {  	_ = 	snop  }
0x7: {  	_ = 	snop  }
__scs_overlays_trampoline_lowered:
0x8: {  	[smem:$0x3FA1] =	sst s0  }
0x9: {  	[smem:$0x3FA2] =	sst s1  }
0xa: {  	[smem:$0x3FA3] =	sst s2  }
0xb: {  	[smem:$0x3FA4] =	sst s3  }
0xc: {  	[smem:$0x3FA5] =	sst s4  }
0xd: {  	[smem:$0x3FA6] =	sst s5  }
0xe: {  	[smem:$0x3FA7] =	sst s6  }
0xf: {  	[smem:$0x3FA8] =	sst s7  }
0x10: {  	[smem:$0x3FA9] =	sst s8  }
0x11: {  	[smem:$0x3FAA] =	sst s9;
	s0 =	simm.s32 @!p0 $0x0  }
0x12: {  	s1 =	sld [smem:$0x3F90];
	s0 =	simm.s32 @p0 $0x1  }
0x13: {  	[smem:$0x3FAB] =	sst s0;
	s0 =	simm.s32 @!p1 $0x0  }
0x14: {  	s2 =	sld [smem:$0x3F8F];
	s0 =	simm.s32 @p1 $0x1  }
0x15: {  	[smem:$0x3FAC] =	sst s0;
	s0 =	simm.s32 @!p2 $0x0  }
0x16: {  	s3 =	sld [smem:$0x3FDB];
	s0 =	simm.s32 @p2 $0x1  }
0x17: {  	s4 =	simm.s32 $0x1BF5;
	[smem:$0x3FAE] =	sst s0  }
0x18: {  	s0 =	sld [smem:$0x3F91];
	_ =	swait.ge [sflag:s4], $0x0  }
0x19: {  	s7 =	sld [smem:$0x3F92]  }
0x1a: {  	s8 =	sadd.s32 $0xFFFFE003, lr  }
0x1b: {  	s9 =	sadd.s32 $0xFFFFFEF7, lr;
	s5 =	simm.s32 $0xFFFFFFFF;
	p2 =	slt.u32 s8, $0xFFFFF086  }
0x1c: {  	p1 =	slt.u32 s9, $0xF7A;
	s5 =	simm.s32 @!p2 $0x0  }
0x1d: {  	s5 =	simm.s32 @p1 $0x1;
	p0 =	seq.s32 s7, s2  }
0x1e: {  	s7 =	smul.u32 @!p0 $0xF7A, s2;
	p2 =	seq.s32 @!p0 s5, $0x0  }
0x1f: {  	s9 =	smul.u32 $0xF7A, s1;
	s8 =	simm.s32 @!p0 $0x1BF5;
	p2 =	por !p2, p0  }
0x20: {  	[sflag:s8] =	ssyncset.s32 @!p0 $0xFFFFF086;
	s6 =	sadd.s32 @!p0 s3, s7;
	s7 =	simm.s32 @!p0 $0x108  }
0x21: {  	s3 =	sadd.s32 s3, s9;
	s6 =	sadd.s32 @!p0 $0x88, s6;
	s7 =	simm.s32 @p2 $0x1082  }
0x22: {  	[simem:s7], [sflag:s8] =	dma.local @!p0 [hbm:s6], $0xF7A  }
0x23: {  	s9 =	sor.u32 $0xD0000000, s2;
	s6 =	simm.s32 $0x108;
	_ =	swait.ge @!p0 [sflag:s8], $0x0  }
0x24: {  	s3 =	sadd.s32 $0x88, s3;
	s6 =	simm.s32 @!p1 $0x1082;
	[sflag:s4] =	ssyncset.s32 $0xFFFFF086  }
0x25: {  	[simem:s6], [sflag:s4] =	dma.local [hbm:s3], $0xF7A  }
0x26: {  	[smem:$0x3F92] =	sst s1;
	(tag) =	ssettag s2;
	_ =	strace s9  }
0x27: {  	s1 =	sld [smem:$0x3FA2]  }
0x28: {  	s2 =	sld [smem:$0x3FA3]  }
0x29: {  	s4 =	sld [smem:$0x3FA5]  }
0x2a: {  	p0 =	seq.s32 s5, $0x0;
	s5 =	sld [smem:$0x3FA6]  }
0x2b: {  	s6 =	sld [smem:$0x3FA7]  }
0x2c: {  	s7 =	sld [smem:$0x3FA8]  }
0x2d: {  	s3 =	simm.s32 $0x108;
	s8 =	sld [smem:$0x3FA9]  }
0x2e: {  	s3 =	simm.s32 @!p0 $0x1082;
	s9 =	sld [smem:$0x3FAA]  }
0x2f: {  	lr =	sadd.s32 s0, s3;
	s0 =	sld [smem:$0x3FA1]  }
0x30: {  	s3 =	sld [smem:$0x3FA4]  }
0x31: {  	[smem:$0x3FAD] =	sst s10  }
0x32: {  	s10 =	sld [smem:$0x3FAB];
	_ =	sdelay $0x3  }
0x33: {  	p0 =	seq.s32 s10, $0x1;
	s10 =	sld [smem:$0x3FAD];
	_ =	sdelay $0x3  }
0x34: {  	[smem:$0x3FAD] =	sst s10  }
0x35: {  	s10 =	sld [smem:$0x3FAC];
	_ =	sdelay $0x3  }
0x36: {  	p1 =	seq.s32 s10, $0x1;
	s10 =	sld [smem:$0x3FAD];
	_ =	sdelay $0x3  }
0x37: {  	[smem:$0x3FAD] =	sst s10  }
0x38: {  	s10 =	sld [smem:$0x3FAE]  }
0x39: {  	_ = 	snop;
	(pc) =	sbr.ind lr, $3  }
0x3a: {  	_ = 	snop  }
0x3b: {  	_ = 	snop  }
0x3c: {  	p2 =	seq.s32 s10, $0x1;
	s10 =	sld [smem:$0x3FAD]  }
0x3d: {  	_ =	shalt  }
0x3e: {  	_ =	shalt  }
0x3f: {  	_ =	shalt  }
0x40: {  	_ =	shalt  }
0x41: {  	_ =	shalt  }
0x42: {  	_ =	shalt  }
0x43: {  	_ =	shalt  }
0x44: {  	_ =	shalt  }
0x45: {  	_ =	shalt  }
0x46: {  	_ =	shalt  }
0x47: {  	_ =	shalt  }
0x48: {  	_ =	shalt  }
0x49: {  	_ =	shalt  }
0x4a: {  	_ =	shalt  }
0x4b: {  	_ =	shalt  }
0x4c: {  	_ =	shalt  }
0x4d: {  	_ =	shalt  }
0x4e: {  	_ =	shalt  }
0x4f: {  	_ =	shalt  }
0x50: {  	_ =	shalt  }
0x51: {  	_ =	shalt  }
0x52: {  	_ =	shalt  }
0x53: {  	_ =	shalt  }
0x54: {  	_ =	shalt  }
0x55: {  	_ =	shalt  }
0x56: {  	_ =	shalt  }
0x57: {  	_ =	shalt  }
0x58: {  	_ =	shalt  }
0x59: {  	_ =	shalt  }
0x5a: {  	_ =	shalt  }
0x5b: {  	_ =	shalt  }
0x5c: {  	_ =	shalt  }
0x5d: {  	_ =	shalt  }
0x5e: {  	_ =	shalt  }
0x5f: {  	_ =	shalt  }
0x60: {  	_ =	shalt  }
0x61: {  	_ =	shalt  }
0x62: {  	_ =	shalt  }
0x63: {  	_ =	shalt  }
0x64: {  	_ =	shalt  }
0x65: {  	_ =	shalt  }
0x66: {  	_ =	shalt  }
0x67: {  	_ =	shalt  }
0x68: {  	_ =	shalt  }
0x69: {  	_ =	shalt  }
0x6a: {  	_ =	shalt  }
0x6b: {  	_ =	shalt  }
0x6c: {  	_ =	shalt  }
0x6d: {  	_ =	shalt  }
0x6e: {  	_ =	shalt  }
0x6f: {  	_ =	shalt  }
0x70: {  	_ =	shalt  }
0x71: {  	_ =	shalt  }
0x72: {  	_ =	shalt  }
0x73: {  	_ =	shalt  }
0x74: {  	_ =	shalt  }
0x75: {  	_ =	shalt  }
0x76: {  	_ =	shalt  }
0x77: {  	_ =	shalt  }
0x78: {  	_ =	shalt  }
0x79: {  	_ =	shalt  }
0x7a: {  	_ =	shalt  }
0x7b: {  	_ =	shalt  }
0x7c: {  	_ =	shalt  }
0x7d: {  	_ =	shalt  }
0x7e: {  	_ =	shalt  }
0x7f: {  	_ =	shalt  }
0x80: {  	_ =	shalt  }
0x81: {  	_ =	shalt  }
0x82: {  	_ =	shalt  }
0x83: {  	_ =	shalt  }
0x84: {  	_ =	shalt  }
0x85: {  	_ =	shalt  }
0x86: {  	_ =	shalt  }
0x87: {  	_ =	shalt  }
.Lfunc_end0:
.L_simem_size_0:
called_computation.2_lowered:
.L_overlay_start_0:
0x88: {  	s2 =	sld [smem:$0x3FD9]  }
0x89: {  	s3 =	sld [smem:$0x3FFE];
	_ =	sdelay $0x1  }
0x8a: {  	s1 =	srdreg.scid  }
0x8b: {  	s0 =	sand.u32 $0x1, s1  }
0x8c: {  	s14 =	sshll.u32 s0, $0xA;
	s2 =	sadd.s32 s3, s2  }
0x8d: {  	s2 =	sadd.s32 s2, s14  }
0x8e: {  	[smem:$0x3FB9] =	sst s2  }
0x8f: {  	_ = 	snop  }
0x90: {  	s2 =	sld [smem:$0x3FD0];
	_ =	sdelay $0x2  }
0x91: {  	s15 =	simm.s32 $0xB;
	s4 =	simm.s32 $0x10  }
0x92: {  	[smem:s4], [sflag:s15] =	dma.local [hbm:s2], $0x1  }
0x93: {  	_ =	swait.eq [sflag:s15], $0x1  }
0x94: {  	[sflag:s15] =	ssyncset.done $0x0  }
0x95: {  	[sflag:s15] =	ssyncadd.s32 $0xFFFFFFFF  }
0x96: {  	s16 =	sld [smem:$0x11];
	(tm) =	ssettm $0x1  }
0x97: {  	s17 =	sld [smem:$0x3FFB];
	_ =	sdelay $0x3  }
0x98: {  	_ =	strace s17  }
0x99: {  	s3 =	sld [smem:$0x3FFC];
	_ =	sdelay $0x3  }
0x9a: {  	_ =	strace s3  }
0x9b: {  	s3 =	sld [smem:$0x3FFD];
	_ =	sdelay $0x3  }
0x9c: {  	_ =	strace s3  }
0x9d: {  	_ =	strace $0x8FFFFFFF  }
0x9e: {  	s18 =	sld [smem:$0x3FDB];
	_ =	sdelay $0x1  }
0x9f: {  	s19 =	simm.s32 $_scs_section_size  }
0xa0: {  	s5 =	simm.s32 $_size__tile_overlayer_lowered;
	s6 =	simm.s32 $_tile_overlayer_lowered  }
0xa1: {  	s22 =	simm.s32 $0x1BFF;
	s21 =	sshll.u32 s6, $0x1;
	s3 =	sadd.s32 s19, s18  }
0xa2: {  	s7 =	simm.s32 $0x0;
	s20 =	sshll.u32 s5, $0x1;
	s5 =	sadd.s32 s21, s3  }
0xa3: {  	[timem:s7], [sflag:s22] =	dma.local [hbm:s5], s20  }
0xa4: {  	_ =	swait.ge [sflag:s22], s20  }
0xa5: {  	s4 =	ssub.s32 $0x0, s20;
	[sflag:s22] =	ssyncset.done $0x0  }
0xa6: {  	[sflag:s22] =	ssyncadd.s32 s4;
	_ =	sdelay $0x1  }
0xa7: {  	s23 =	simm.s32 $0x1B8B  }
0xa8: {  	_ =	swait.ge [sflag:s23], $0x1  }
0xa9: {  	[sflag:s23] =	ssyncset.done $0x0  }
0xaa: {  	s25 =	simm.s32 $0x1B8E;
	s24 =	sld [smem:$0x3FFE];
	[sflag:s23] =	ssyncadd.s32 $0xFFFFFFFF  }
0xab: {  	s26 =	simm.s32 $execute0_lowered;
	[smem:$0x3FD2] =	sst s25  }
0xac: {  	s5 =	sshll.u32 s26, $0x1;
	_ =	strace $0x80000049;
	[dreg:$0x1] =	wrdreg $0xFFFFFFFF  }
0xad: {  	s28 =	simm.s32 $_size_execute0_lowered;
	s3 =	sadd.s32 s3, s5;
	[dreg:$0x0] =	wrdreg $0x0  }
0xae: {  	s5 =	sshll.u32 s28, $0x1;
	[dreg:$0x2] =	wrdreg s3  }
0xaf: {  	[dreg:$0x3] =	wrdreg s5  }
0xb0: {  	[dreg:$0x4] =	wrdreg $0xC0  }
0xb1: {  	_ =	task [dreg:s7], $0x5FFFF  }
0xb2: {  	[dreg:$0x1] =	wrdreg $0xFFFFFFFF  }
0xb3: {  	[dreg:$0x0] =	wrdreg $0x60  }
0xb4: {  	[dreg:$0x2] =	wrdreg s16  }
0xb5: {  	[dreg:$0x3] =	wrdreg s24  }
0xb6: {  	[dreg:$0x4] =	wrdreg $0xA  }
0xb7: {  	_ =	task.clear_ibuf [dreg:s7], $0x5FFFF;
	_ =	strace $0x90000049  }
0xb8: {  	s29 =	simm.s32 $0xA;
	_ =	strace $0x8000004B  }
0xb9: {  	_ =	swait.ge [sflag:s29], $0x1  }
0xba: {  	[sflag:s29] =	ssyncadd.s32 $0xFFFFFFFF  }
0xbb: {  	_ =	strace $0x9000004B  }
0xbc: {  	_ =	sfence  }
0xbd: {  	s30 =	sld [smem:$0x0];
	_ =	sdelay $0x2  }
0xbe: {  	s31 =	sshll.u32 s1, $0xD;
	s1 =	sshrl.u32 s1, $0x2  }
0xbf: {  	s3 =	sand.u32 $0x4000, s31;
	s1 =	sadd.s32 s1, s30  }
0xc0: {  	s0 =	sor.u32 s3, s0;
	s1 =	sshll.u32 s1, $0x11  }
0xc1: {  	s0 =	sor.u32 s1, s0  }
0xc2: {  	s0 =	sadd.s32 $0x8F2B, s0  }
0xc3: {  	[sflag:s0] =	ssyncadd.remote.s32 $0x1  }
0xc4: {  	_ =	sfence.sel $0xFFFF  }
0xc5: {  	[dreg:$0x0] =	wrdreg $0xFFFFFFFF;
	(pc) =	sbr.abs _section_cstart, $3  }
0xc6: {  	[dreg:$0x1] =	wrdreg $0xFFFFFFFF  }
0xc7: {  	_ =	task.clear_ibuf [dreg:s7], $0x2FFFF;
	_ =	strace $0x9FFFFFFF  }
0xc8: {  	(tm) =	ssettm $0x7FFFFFFF  }
0xc9: {  	_ =	shalt  }
tec
execute0_lowered:
.L_overlay_start_1:
0x0: {  	(tag) =	ssettag $0x1  }
0x1: {  	s2 =	rddreg [dreg:$0x0]  }
0x2: {  	s5 =	rddreg [dreg:$0x1]  }
0x3: {  	s0 =	rddreg [dreg:$0x2]  }
0x4: {  	s4 =	srdreg.scid;
	s1 =	stileid.u32;
	s3 =	simm.s32 $0x0  }
0x5: {  	s13 =	simm.s32 $0x8000;
	s14 =	simm.s32 $0x11C80;
	s15 =	simm.s32 $0x1  }
0x6: {  	s16 =	simm.s32 $0x12080;
	s17 =	simm.s32 $0x80;
	s18 =	simm.s32 $0x400  }
0x7: {  	s19 =	simm.s32 $0x11E80;
	s4 =	sand.u32 $0x1, s4;
	s6 =	sshll.u32 s1, $0x1  }
0x8: {  	[smem:$0x7FF] =	sst s3;
	s7 =	sshrl.u32 s1, $0x2;
	s6 =	sor.u32 s4, s6  }
0x9: {  	s7 =	smul.u32 $0x50000, s7;
	_ =	strace $0x8000004A;
	s28 =	ssub.s32 $0x2, s4  }
0xa: {  	s4 =	sadd.s32 $0x24400, s5;
	s8 =	sshll.u32 s6, $0xB;
	s9 =	sshll.u32 s6, $0x7  }
0xb: {  	s10 =	smul.u32 $0x2710, s6;
	s30 =	sshrl.u32 s28, $0x1;
	s9 =	sand.u32 $0x380, s9  }
.Ltmp0:
0xc: {  	s8 =	sadd.s32 s8, s5;
	s7 =	sor.u32 s7, s9;
	(pc) =	sbr.rel .LBB2_1-.Ltmp0, $4  }
0xd: {  	s12 =	ssub.s32 s28, s30;
	s31 =	sshrl.u32 s10, $0x3;
	s29 =	sshrl.u32 s7, $0x3  }
0xe: {  	s6 =	sadd.s32 $0x14400, s8;
	s7 =	sadd.s32 s2, s31;
	s11 =	sadd.s32 s29, s5  }
0xf: {  	s5 =	sadd.s32 $0x4400, s8;
	s8 =	sadd.s32 $0x190, s10;
	s10 =	smax.u32 s12, $0x1  }
0x10: {  	v0 =	vimm.f32 $0.0e+00;
	v1 =	vimm.f32 $1.000000000e+00;
	s12 =	simm.s32 $0x4000;
	s9 =	sadd.s32 $0x73C00, s11;
	s11 =	simm.s32 $0x2  }
.LBB2_12:
0x11: {  	_ =	swait.ge [sflag:s15], $0x190;
	s3 =	sadd.s32 $0x1, s3  }
0x12: {  	[sflag:s15] =	ssyncset.done $0x0;
	p0 =	sne.s32 s3, s10  }
.Ltmp1:
0x13: {  	[sflag:s15] =	ssyncadd.s32 $0xFFFFFE70;
	(pc) =	sbr.rel @!p0 .LBB2_13-.Ltmp1, $4  }
0x14: {  	[hbm4b:s9+s17] =	stream.strided.scatter [tilespmem:s16], [sflag:$0x2], $0xA000, s18, s17, $0x38;
	[tilespmem:$0x1C080] =	vst v63  }
0x15: {  	_ =	swait.ge [sflag:s11], $0xA000  }
0x16: {  	[sflag:s11] =	ssyncset.done $0x0  }
0x17: {  	[sflag:s11] =	ssyncadd.s32 $0xFFFF6000  }
.LBB2_1:
0x18: {  	s20 =	simm.s32 $0x40;
	s21 =	simm.s32 $0x0  }
.LBB2_2:
0x19: {  	p0 =	sne.s32 s20, $0x27FC0;
	[tilespmem:s21+$0x12080] =	vst v0;
	s21 =	smov.u32 s20;
	s20 =	sadd.s32 $0x40, s20  }
.Ltmp2:
0x1a: {  	(pc) =	sbr.rel @p0 .LBB2_2-.Ltmp2, $2  }
0x1b: {  	_ =	sdelay $0x2  }
0x1c: {  	s21 =	sshra.s32 s21, $0x2  }
0x1d: {  	[tilespmem:s21+$0x12080] =	vst v0;
	s20 =	simm.s32 $0x0  }
0x1e: {  	[tilespmem:s20], [sflag:$0x2] =	stream.linear.gather [hbm4b:s5+s20], $0x3E80, $0x38;
	[tilespmem:$0x1C080] =	vst v63  }
0x1f: {  	_ =	swait.ge [sflag:s11], $0x3E80  }
0x20: {  	[sflag:s11] =	ssyncset.done $0x0  }
0x21: {  	[sflag:s11] =	ssyncadd.s32 $0xFFFFC180  }
0x22: {  	[tilespmem:s12], [sflag:$0x2] =	stream.linear.gather [hbm4b:s6+s20], $0x3E80, $0x38;
	[tilespmem:$0x1C080] =	vst v63  }
0x23: {  	_ =	swait.ge [sflag:s11], $0x3E80  }
0x24: {  	[sflag:s11] =	ssyncset.done $0x0  }
0x25: {  	[sflag:s11] =	ssyncadd.s32 $0xFFFFC180  }
0x26: {  	[tilespmem:s13], [sflag:$0x2] =	stream.linear.gather [hbm4b:s4+s20], $0x9C80, $0x38;
	[tilespmem:$0x1C080] =	vst v63  }
.Ltmp3:
0x27: {  	_ = 	snop;
	(pc) =	sbr.rel .LBB2_4-.Ltmp3, $4  }
0x28: {  	_ =	swait.ge [sflag:s11], $0x9C80  }
0x29: {  	[sflag:s11] =	ssyncset.done $0x0  }
0x2a: {  	[sflag:s11] =	ssyncadd.s32 $0xFFFF6380  }
0x2b: {  	[tilespmem:s14], [sflag:$0x1] =	stream.linear.gather [hbm4b:s7+s20], $0x190, $0x38;
	[tilespmem:$0x1C080] =	vst v63  }
.LBB2_11:
0x2c: {  	s20 =	sadd.s32 $0x1, s20  }
0x2d: {  	p0 =	sne.s32 s20, $0x19  }
.Ltmp4:
0x2e: {  	_ = 	snop;
	(pc) =	sbr.rel @!p0 .LBB2_12-.Ltmp4, $1  }
0x2f: {  	_ =	sdelay $0x3  }
.LBB2_4:
0x30: {  	s21 =	sand.u32 $0x1, s20  }
0x31: {  	p0 =	seq.s32 s21, $0x0  }
.Ltmp5:
0x32: {  	_ = 	snop;
	(pc) =	sbr.rel @!p0 .LBB2_8-.Ltmp5, $2  }
0x33: {  	_ =	sdelay $0x2  }
0x34: {  	s21 =	smul.u32 $0x5, s20  }
0x35: {  	s22 =	smin.u32 s20, $0x17  }
0x36: {  	s23 =	simm.s32 $0x0;
	s22 =	smul.u32 $0x190, s22  }
0x37: {  	s24 =	smul.u32 $0xCD, s23  }
0x38: {  	_ =	swait.ge [sflag:s15], $0x190;
	s22 =	sadd.s32 s22, s8  }
0x39: {  	[sflag:s15] =	ssyncset.done $0x0;
	s24 =	sshrl.u32 s24, $0xA;
	s22 =	sshrl.u32 s22, $0x3  }
0x3a: {  	[sflag:s15] =	ssyncadd.s32 $0xFFFFFE70;
	s25 =	smul.u32 $0x5, s24;
	s22 =	sadd.s32 s2, s22  }
0x3b: {  	[tilespmem:s19], [sflag:$0x1] =	stream.linear.gather [hbm4b:s22+s23], $0x190, $0x38;
	[tilespmem:$0x1C080] =	vst v63  }
0x3c: {  	s26 =	sand.u32 $0x3F, s24;
	s29 =	ssub.s32 $0x0, s25  }
0x3d: {  	s22 =	sadd.s32 s26, s21;
	s23 =	sshll.u32 s29, $0x4  }
0x3e: {  	s22 =	sshll.u32 s22, $0x7;
	s23 =	sand.u32 $0xF0, s23  }
0x3f: {  	s22 =	sor.u32 s23, s22  }
0x40: {  	v3 =	vld [tilespmem:s22+$0x0]  }
0x41: {  	v2 =	vld [tilespmem:s22+$0x4000];
	_ =	sdelay $0x3  }
0x42: {  	v4 =	vshll.u32 v3, $0x2  }
0x43: {  	v5 =	vshll.u32 v2, $0x2;
	_ =	sdelay $0x3  }
0x44: {  	v6 =	vld.idx.msk [tilespmem:v4+s13+$0x0], $0xffff  }
0x45: {  	v7 =	vld.idx.msk [tilespmem:v5+s13+$0x0], $0xffff  }
0x46: {  	s22 =	simm.s32 $0x11C80  }
0x47: {  	v2 =	vld [tilespmem:s22+$0x0];
	_ =	sdelay $0x2  }
0x48: {  	v6 =	vsub.f32 v7, v6;
	v7 =	vor.u32 $0x1, v4  }
0x49: {  	v8 =	vor.u32 $0x1, v5  }
0x4a: {  	v6 =	vmul.f32 v6, v2;
	_ =	sdelay $0x1  }
0x4b: {  	[tilespmem:v3+s16+$0x0] =	vst.idx.add.f32.msk $0xffff, v6  }
0x4c: {  	v6 =	vld.idx.msk [tilespmem:v7+s13+$0x0], $0xffff  }
0x4d: {  	v7 =	vld.idx.msk [tilespmem:v8+s13+$0x0], $0xffff;
	_ =	sdelay $0x3  }
0x4e: {  	v63 =	vadd.s32 $0x2800, v3  }
0x4f: {  	v4 =	vor.u32 $0x2, v4;
	v6 =	vsub.f32 v7, v6  }
0x50: {  	v5 =	vor.u32 $0x2, v5  }
0x51: {  	v6 =	vmul.f32 v6, v2;
	_ =	sdelay $0x1  }
0x52: {  	[tilespmem:v63+s16+$0x0] =	vst.idx.add.f32.msk $0xffff, v6  }
0x53: {  	v6 =	vld.idx.msk [tilespmem:v4+s13+$0x0], $0xffff  }
0x54: {  	s23 =	simm.s32 $0x1;
	v5 =	vld.idx.msk [tilespmem:v5+s13+$0x0], $0xffff  }
0x55: {  	s30 =	smul.u32 $0xCD, s23;
	_ =	sdelay $0x1  }
0x56: {  	s24 =	sshrl.u32 s30, $0xA  }
0x57: {  	s31 =	sand.u32 $0x3F, s24;
	s28 =	smul.u32 $0x5, s24;
	v4 =	vadd.s32 $0x5000, v3  }
0x58: {  	s26 =	simm.s32 $0x2;
	s25 =	sadd.s32 s31, s21;
	v3 =	vadd.s32 $0x7800, v3;
	v5 =	vsub.f32 v5, v6  }
.LBB2_6:
0x59: {  	s28 =	ssub.s32 s23, s28  }
0x5a: {  	v2 =	vmul.f32 v5, v2;
	s22 =	sadd.s32 $0x10, s22;
	s23 =	smov.u32 s26;
	s24 =	sadd.s32 $0x1, s26  }
0x5b: {  	p1 =	sne.s32 s26, $0x18;
	s26 =	sshll.u32 s28, $0x4  }
0x5c: {  	s25 =	sshll.u32 s25, $0x7;
	s26 =	sand.u32 $0xF0, s26;
	[tilespmem:v4+s16+$0x0] =	vst.idx.add.f32.msk $0xffff, v2  }
0x5d: {  	s25 =	sor.u32 s26, s25;
	[tilespmem:v3+s16+$0x0] =	vst.idx.add.f32.msk $0xffff, v1  }
0x5e: {  	v3 =	vld [tilespmem:s25+$0x0]  }
0x5f: {  	v2 =	vld [tilespmem:s25+$0x4000];
	_ =	sdelay $0x3  }
0x60: {  	v4 =	vshll.u32 v3, $0x2  }
0x61: {  	v5 =	vshll.u32 v2, $0x2;
	_ =	sdelay $0x3  }
0x62: {  	v6 =	vld.idx.msk [tilespmem:v4+s13+$0x0], $0xffff  }
0x63: {  	v7 =	vld.idx.msk [tilespmem:v5+s13+$0x0], $0xffff;
	_ =	sdelay $0x1  }
0x64: {  	v2 =	vld [tilespmem:s22+$0x0];
	_ =	sdelay $0x3  }
0x65: {  	v8 =	vor.u32 $0x1, v5;
	v6 =	vsub.f32 v7, v6;
	v7 =	vor.u32 $0x1, v4;
	_ =	sdelay $0x1  }
0x66: {  	v6 =	vmul.f32 v6, v2;
	_ =	sdelay $0x1  }
0x67: {  	[tilespmem:v3+s16+$0x0] =	vst.idx.add.f32.msk $0xffff, v6  }
0x68: {  	v6 =	vld.idx.msk [tilespmem:v7+s13+$0x0], $0xffff  }
0x69: {  	v7 =	vld.idx.msk [tilespmem:v8+s13+$0x0], $0xffff;
	_ =	sdelay $0x2  }
0x6a: {  	v8 =	vadd.s32 $0x2800, v3;
	_ =	sdelay $0x2  }
0x6b: {  	v5 =	vor.u32 $0x2, v5;
	v4 =	vor.u32 $0x2, v4;
	v6 =	vsub.f32 v7, v6;
	_ =	sdelay $0x1  }
0x6c: {  	v6 =	vmul.f32 v6, v2;
	_ =	sdelay $0x1  }
0x6d: {  	[tilespmem:v8+s16+$0x0] =	vst.idx.add.f32.msk $0xffff, v6  }
0x6e: {  	v6 =	vld.idx.msk [tilespmem:v4+s13+$0x0], $0xffff  }
0x6f: {  	v5 =	vld.idx.msk [tilespmem:v5+s13+$0x0], $0xffff;
	_ =	sdelay $0x1  }
0x70: {  	s25 =	smul.u32 $0xCD, s23;
	v4 =	vadd.s32 $0x5000, v3  }
.Ltmp6:
0x71: {  	v3 =	vadd.s32 $0x7800, v3;
	(pc) =	sbr.rel @p1 .LBB2_6-.Ltmp6, $4  }
0x72: {  	_ = 	snop  }
0x73: {  	s25 =	sshrl.u32 s25, $0xA  }
0x74: {  	s26 =	sand.u32 $0x3F, s25;
	s28 =	smul.u32 $0x5, s25;
	v5 =	vsub.f32 v5, v6  }
0x75: {  	s25 =	sadd.s32 s26, s21;
	s26 =	smov.u32 s24  }
0x76: {  	_ =	sdelay $0x1  }
0x77: {  	s23 =	ssub.s32 s23, s28;
	v2 =	vmul.f32 v5, v2  }
0x78: {  	s23 =	sshll.u32 s23, $0x4  }
0x79: {  	s24 =	sshll.u32 s25, $0x7;
	s23 =	sand.u32 $0xF0, s23;
	[tilespmem:v4+s16+$0x0] =	vst.idx.add.f32.msk $0xffff, v2  }
0x7a: {  	s23 =	sor.u32 s23, s24;
	[tilespmem:v3+s16+$0x0] =	vst.idx.add.f32.msk $0xffff, v1  }
0x7b: {  	v2 =	vld [tilespmem:s23+$0x0]  }
0x7c: {  	v3 =	vld [tilespmem:s23+$0x4000];
	_ =	sdelay $0x3  }
0x7d: {  	v58 =	vshll.u32 v2, $0x2  }
0x7e: {  	v3 =	vshll.u32 v3, $0x2;
	_ =	sdelay $0x3  }
0x7f: {  	v59 =	vld.idx.msk [tilespmem:v58+s13+$0x0], $0xffff  }
0x80: {  	v6 =	vld.idx.msk [tilespmem:v3+s13+$0x0], $0xffff  }
0x81: {  	s22 =	sadd.s32 $0x10, s22  }
0x82: {  	v7 =	vld [tilespmem:s22+$0x0];
	_ =	sdelay $0x2  }
0x83: {  	v60 =	vor.u32 $0x1, v58;
	v5 =	vsub.f32 v6, v59  }
0x84: {  	v8 =	vor.u32 $0x1, v3  }
0x85: {  	v5 =	vmul.f32 v5, v7;
	_ =	sdelay $0x1  }
0x86: {  	[tilespmem:v2+s16+$0x0] =	vst.idx.add.f32.msk $0xffff, v5  }
0x87: {  	v5 =	vld.idx.msk [tilespmem:v60+s13+$0x0], $0xffff  }
0x88: {  	v61 =	vld.idx.msk [tilespmem:v8+s13+$0x0], $0xffff;
	_ =	sdelay $0x3  }
0x89: {  	v62 =	vadd.s32 $0x2800, v2  }
0x8a: {  	v4 =	vor.u32 $0x2, v58;
	v5 =	vsub.f32 v61, v5  }
0x8b: {  	v3 =	vor.u32 $0x2, v3  }
0x8c: {  	v5 =	vmul.f32 v5, v7;
	_ =	sdelay $0x1  }
0x8d: {  	[tilespmem:v62+s16+$0x0] =	vst.idx.add.f32.msk $0xffff, v5  }
0x8e: {  	v4 =	vld.idx.msk [tilespmem:v4+s13+$0x0], $0xffff  }
0x8f: {  	v3 =	vld.idx.msk [tilespmem:v3+s13+$0x0], $0xffff;
	_ =	sdelay $0x3  }
0x90: {  	v63 =	vadd.s32 $0x5000, v2  }
0x91: {  	v2 =	vadd.s32 $0x7800, v2;
	v3 =	vsub.f32 v3, v4  }
.Ltmp7:
0x92: {  	_ = 	snop;
	(pc) =	sbr.rel @p0 .LBB2_11-.Ltmp7, $3  }
0x93: {  	v3 =	vmul.f32 v3, v7;
	_ =	sdelay $0x1  }
0x94: {  	[tilespmem:v63+s16+$0x0] =	vst.idx.add.f32.msk $0xffff, v3  }
0x95: {  	[tilespmem:v2+s16+$0x0] =	vst.idx.add.f32.msk $0xffff, v1  }
.LBB2_8:
0x96: {  	p0 =	slt.s32 s20, $0x17;
	s22 =	smov.u32 s20;
	s23 =	simm.s32 $0x0  }
0x97: {  	s22 =	simm.s32 @!p0 $0x17;
	s24 =	smul.u32 $0xCD, s23  }
0x98: {  	s22 =	smul.u32 $0x190, s22  }
0x99: {  	_ =	swait.ge [sflag:s15], $0x190;
	s24 =	sshrl.u32 s24, $0xA  }
0x9a: {  	[sflag:s15] =	ssyncset.done $0x0;
	s22 =	sadd.s32 s22, s8;
	s25 =	smul.u32 $0x5, s24  }
0x9b: {  	[sflag:s15] =	ssyncadd.s32 $0xFFFFFE70;
	s22 =	sshrl.u32 s22, $0x3  }
0x9c: {  	s26 =	sand.u32 $0x3F, s24;
	s22 =	sadd.s32 s2, s22;
	s29 =	ssub.s32 $0x0, s25  }
0x9d: {  	[tilespmem:s14], [sflag:$0x1] =	stream.linear.gather [hbm4b:s22+s23], $0x190, $0x38;
	[tilespmem:$0x1C080] =	vst v63  }
0x9e: {  	s22 =	sadd.s32 s26, s21;
	s23 =	sshll.u32 s29, $0x4  }
0x9f: {  	s23 =	sand.u32 $0xF0, s23;
	s22 =	sshll.u32 s22, $0x7  }
0xa0: {  	s22 =	sor.u32 s23, s22  }
0xa1: {  	v3 =	vld [tilespmem:s22+$0x0]  }
0xa2: {  	v2 =	vld [tilespmem:s22+$0x4000];
	_ =	sdelay $0x3  }
0xa3: {  	v4 =	vshll.u32 v3, $0x2  }
0xa4: {  	v5 =	vshll.u32 v2, $0x2;
	_ =	sdelay $0x3  }
0xa5: {  	v6 =	vld.idx.msk [tilespmem:v4+s13+$0x0], $0xffff  }
0xa6: {  	v7 =	vld.idx.msk [tilespmem:v5+s13+$0x0], $0xffff  }
0xa7: {  	s22 =	simm.s32 $0x11E80  }
0xa8: {  	v2 =	vld [tilespmem:s22+$0x0];
	_ =	sdelay $0x2  }
0xa9: {  	v6 =	vsub.f32 v7, v6;
	v7 =	vor.u32 $0x1, v4  }
0xaa: {  	v8 =	vor.u32 $0x1, v5  }
0xab: {  	v6 =	vmul.f32 v6, v2;
	_ =	sdelay $0x1  }
0xac: {  	[tilespmem:v3+s16+$0x0] =	vst.idx.add.f32.msk $0xffff, v6  }
0xad: {  	v6 =	vld.idx.msk [tilespmem:v7+s13+$0x0], $0xffff  }
0xae: {  	v7 =	vld.idx.msk [tilespmem:v8+s13+$0x0], $0xffff;
	_ =	sdelay $0x3  }
0xaf: {  	v63 =	vadd.s32 $0x2800, v3  }
0xb0: {  	v4 =	vor.u32 $0x2, v4;
	v6 =	vsub.f32 v7, v6  }
0xb1: {  	v5 =	vor.u32 $0x2, v5  }
0xb2: {  	v6 =	vmul.f32 v6, v2;
	_ =	sdelay $0x1  }
0xb3: {  	[tilespmem:v63+s16+$0x0] =	vst.idx.add.f32.msk $0xffff, v6  }
0xb4: {  	v6 =	vld.idx.msk [tilespmem:v4+s13+$0x0], $0xffff  }
0xb5: {  	s23 =	simm.s32 $0x1;
	v5 =	vld.idx.msk [tilespmem:v5+s13+$0x0], $0xffff  }
0xb6: {  	s30 =	smul.u32 $0xCD, s23;
	_ =	sdelay $0x1  }
0xb7: {  	s24 =	sshrl.u32 s30, $0xA  }
0xb8: {  	s31 =	sand.u32 $0x3F, s24;
	s28 =	smul.u32 $0x5, s24;
	v4 =	vadd.s32 $0x5000, v3  }
0xb9: {  	s26 =	simm.s32 $0x2;
	s25 =	sadd.s32 s31, s21;
	v3 =	vadd.s32 $0x7800, v3;
	v5 =	vsub.f32 v5, v6  }
.LBB2_9:
0xba: {  	s28 =	ssub.s32 s23, s28  }
0xbb: {  	v2 =	vmul.f32 v5, v2;
	s22 =	sadd.s32 $0x10, s22;
	s23 =	smov.u32 s26;
	s24 =	sadd.s32 $0x1, s26  }
0xbc: {  	p0 =	sne.s32 s26, $0x18;
	s26 =	sshll.u32 s28, $0x4  }
0xbd: {  	s25 =	sshll.u32 s25, $0x7;
	s26 =	sand.u32 $0xF0, s26;
	[tilespmem:v4+s16+$0x0] =	vst.idx.add.f32.msk $0xffff, v2  }
0xbe: {  	s25 =	sor.u32 s26, s25;
	[tilespmem:v3+s16+$0x0] =	vst.idx.add.f32.msk $0xffff, v1  }
0xbf: {  	v3 =	vld [tilespmem:s25+$0x0]  }
0xc0: {  	v2 =	vld [tilespmem:s25+$0x4000];
	_ =	sdelay $0x3  }
0xc1: {  	v4 =	vshll.u32 v3, $0x2  }
0xc2: {  	v5 =	vshll.u32 v2, $0x2;
	_ =	sdelay $0x3  }
0xc3: {  	v6 =	vld.idx.msk [tilespmem:v4+s13+$0x0], $0xffff  }
0xc4: {  	v7 =	vld.idx.msk [tilespmem:v5+s13+$0x0], $0xffff;
	_ =	sdelay $0x1  }
0xc5: {  	v2 =	vld [tilespmem:s22+$0x0];
	_ =	sdelay $0x3  }
0xc6: {  	v8 =	vor.u32 $0x1, v5;
	v6 =	vsub.f32 v7, v6;
	v7 =	vor.u32 $0x1, v4;
	_ =	sdelay $0x1  }
0xc7: {  	v6 =	vmul.f32 v6, v2;
	_ =	sdelay $0x1  }
0xc8: {  	[tilespmem:v3+s16+$0x0] =	vst.idx.add.f32.msk $0xffff, v6  }
0xc9: {  	v6 =	vld.idx.msk [tilespmem:v7+s13+$0x0], $0xffff  }
0xca: {  	v7 =	vld.idx.msk [tilespmem:v8+s13+$0x0], $0xffff;
	_ =	sdelay $0x2  }
0xcb: {  	v8 =	vadd.s32 $0x2800, v3;
	_ =	sdelay $0x2  }
0xcc: {  	v5 =	vor.u32 $0x2, v5;
	v4 =	vor.u32 $0x2, v4;
	v6 =	vsub.f32 v7, v6;
	_ =	sdelay $0x1  }
0xcd: {  	v6 =	vmul.f32 v6, v2;
	_ =	sdelay $0x1  }
0xce: {  	[tilespmem:v8+s16+$0x0] =	vst.idx.add.f32.msk $0xffff, v6  }
0xcf: {  	v6 =	vld.idx.msk [tilespmem:v4+s13+$0x0], $0xffff  }
0xd0: {  	v5 =	vld.idx.msk [tilespmem:v5+s13+$0x0], $0xffff;
	_ =	sdelay $0x1  }
0xd1: {  	s25 =	smul.u32 $0xCD, s23;
	v4 =	vadd.s32 $0x5000, v3  }
.Ltmp8:
0xd2: {  	v3 =	vadd.s32 $0x7800, v3;
	(pc) =	sbr.rel @p0 .LBB2_9-.Ltmp8, $4  }
0xd3: {  	_ = 	snop  }
0xd4: {  	s25 =	sshrl.u32 s25, $0xA  }
0xd5: {  	s26 =	sand.u32 $0x3F, s25;
	s28 =	smul.u32 $0x5, s25;
	v5 =	vsub.f32 v5, v6  }
0xd6: {  	s25 =	sadd.s32 s26, s21;
	s26 =	smov.u32 s24  }
0xd7: {  	_ =	sdelay $0x1  }
0xd8: {  	s21 =	ssub.s32 s23, s28;
	v2 =	vmul.f32 v5, v2  }
0xd9: {  	s21 =	sshll.u32 s21, $0x4  }
0xda: {  	s30 =	sshll.u32 s25, $0x7;
	s21 =	sand.u32 $0xF0, s21;
	[tilespmem:v4+s16+$0x0] =	vst.idx.add.f32.msk $0xffff, v2  }
0xdb: {  	s21 =	sor.u32 s21, s30;
	[tilespmem:v3+s16+$0x0] =	vst.idx.add.f32.msk $0xffff, v1  }
0xdc: {  	v2 =	vld [tilespmem:s21+$0x0]  }
0xdd: {  	v3 =	vld [tilespmem:s21+$0x4000];
	_ =	sdelay $0x3  }
0xde: {  	v58 =	vshll.u32 v2, $0x2  }
0xdf: {  	v3 =	vshll.u32 v3, $0x2;
	_ =	sdelay $0x3  }
0xe0: {  	v59 =	vld.idx.msk [tilespmem:v58+s13+$0x0], $0xffff  }
0xe1: {  	v6 =	vld.idx.msk [tilespmem:v3+s13+$0x0], $0xffff  }
0xe2: {  	s31 =	sadd.s32 $0x10, s22  }
0xe3: {  	v7 =	vld [tilespmem:s31+$0x0];
	_ =	sdelay $0x2  }
0xe4: {  	v60 =	vor.u32 $0x1, v58;
	v5 =	vsub.f32 v6, v59  }
0xe5: {  	v8 =	vor.u32 $0x1, v3  }
0xe6: {  	v5 =	vmul.f32 v5, v7;
	_ =	sdelay $0x1  }
0xe7: {  	[tilespmem:v2+s16+$0x0] =	vst.idx.add.f32.msk $0xffff, v5  }
0xe8: {  	v5 =	vld.idx.msk [tilespmem:v60+s13+$0x0], $0xffff  }
0xe9: {  	v61 =	vld.idx.msk [tilespmem:v8+s13+$0x0], $0xffff;
	_ =	sdelay $0x3  }
0xea: {  	v62 =	vadd.s32 $0x2800, v2  }
0xeb: {  	v4 =	vor.u32 $0x2, v58;
	v5 =	vsub.f32 v61, v5  }
0xec: {  	v3 =	vor.u32 $0x2, v3  }
0xed: {  	v5 =	vmul.f32 v5, v7;
	_ =	sdelay $0x1  }
0xee: {  	[tilespmem:v62+s16+$0x0] =	vst.idx.add.f32.msk $0xffff, v5  }
0xef: {  	v4 =	vld.idx.msk [tilespmem:v4+s13+$0x0], $0xffff  }
0xf0: {  	v3 =	vld.idx.msk [tilespmem:v3+s13+$0x0], $0xffff;
	_ =	sdelay $0x3  }
0xf1: {  	v63 =	vadd.s32 $0x5000, v2  }
0xf2: {  	v2 =	vadd.s32 $0x7800, v2;
	v3 =	vsub.f32 v3, v4  }
.Ltmp9:
0xf3: {  	_ = 	snop;
	(pc) =	sbr.rel .LBB2_11-.Ltmp9, $3  }
0xf4: {  	v3 =	vmul.f32 v3, v7;
	_ =	sdelay $0x1  }
0xf5: {  	[tilespmem:v63+s16+$0x0] =	vst.idx.add.f32.msk $0xffff, v3  }
0xf6: {  	[tilespmem:v2+s16+$0x0] =	vst.idx.add.f32.msk $0xffff, v1  }
.LBB2_13:
0xf7: {  	_ =	sfence.sel $0x180000  }
0xf8: {  	[bflag:$0x0] =	sbarrier.arrive $0xFFFF  }
0xf9: {  	p0 =	sne.s32 s1, $0x0;
	_ =	strace $0x9000004A  }
0xfa: {  	s0 =	sadd.s32 @!p0 $0x100000, s0;
	[bflag:$0x2] =	sbarrier.arrive $0xFFFF  }
0xfb: {  	[sflag:s0] =	ssyncadd.tile.s32 @!p0 $0x1;
	_ =	shalt  }
.Lfunc_end2:
_tile_overlayer_lowered:
.L_overlay_start_2:
0xfc: {  	(tag) =	ssettag $0x2  }
0xfd: {  	s0 =	rddreg [dreg:$0x0];
	s2 =	stileid.u32  }
0xfe: {  	s1 =	rddreg [dreg:$0x1];
	p0 =	sne.s32 s2, $0x0  }
0xff: {  	s3 =	rddreg [dreg:$0x2];
	[bflag:$0x3] =	sbarrier.arrive $0xFFFF;
	s2 =	simm.s32 @!p0 $0x1C02  }
0x100: {  	[timem:s3], [sflag:s2] =	dma.local @!p0 [hbm:s0], s1  }
0x101: {  	s0 =	simm.s32 @!p0 $0x2  }
0x102: {  	_ =	swait.ge @!p0 [sflag:s0], s1  }
0x103: {  	s1 =	ssub.s32 @!p0 $0x0, s1;
	[sflag:s0] =	ssyncset.done @!p0 $0x0  }
0x104: {  	[sflag:s0] =	ssyncadd.s32 @!p0 s1  }
0x105: {  	[bflag:$0x3] =	sbarrier.arrive $0xFFFF  }
0x106: {  	_ =	shalt  }

// kernel: kernel.8.cloned.1.call-start
scs
__scs_entry_jumppad:
0x0: {  	(pc) =	sbr.rel $0x88, $3  }
0x1: {  	(tag) =	ssettag $0x0;
	lr =	simm.s32 $0x1  }
0x2: {  	[smem:$0x3F92] =	sst lr;
	_ =	strace $0xD0000000  }
0x3: {  	_ = 	snop  }
0x4: {  	_ = 	snop  }
0x5: {  	_ = 	snop  }
0x6: {  	_ = 	snop  }
0x7: {  	_ = 	snop  }
__scs_overlays_trampoline_lowered:
0x8: {  	[smem:$0x3FA1] =	sst s0  }
0x9: {  	[smem:$0x3FA2] =	sst s1  }
0xa: {  	[smem:$0x3FA3] =	sst s2  }
0xb: {  	[smem:$0x3FA4] =	sst s3  }
0xc: {  	[smem:$0x3FA5] =	sst s4  }
0xd: {  	[smem:$0x3FA6] =	sst s5  }
0xe: {  	[smem:$0x3FA7] =	sst s6  }
0xf: {  	[smem:$0x3FA8] =	sst s7  }
0x10: {  	[smem:$0x3FA9] =	sst s8  }
0x11: {  	[smem:$0x3FAA] =	sst s9;
	s0 =	simm.s32 @!p0 $0x0  }
0x12: {  	s1 =	sld [smem:$0x3F90];
	s0 =	simm.s32 @p0 $0x1  }
0x13: {  	[smem:$0x3FAB] =	sst s0;
	s0 =	simm.s32 @!p1 $0x0  }
0x14: {  	s2 =	sld [smem:$0x3F8F];
	s0 =	simm.s32 @p1 $0x1  }
0x15: {  	[smem:$0x3FAC] =	sst s0;
	s0 =	simm.s32 @!p2 $0x0  }
0x16: {  	s3 =	sld [smem:$0x3FDB];
	s0 =	simm.s32 @p2 $0x1  }
0x17: {  	s4 =	simm.s32 $0x1BF5;
	[smem:$0x3FAE] =	sst s0  }
0x18: {  	s0 =	sld [smem:$0x3F91];
	_ =	swait.ge [sflag:s4], $0x0  }
0x19: {  	s7 =	sld [smem:$0x3F92]  }
0x1a: {  	s8 =	sadd.s32 $0xFFFFE003, lr  }
0x1b: {  	s9 =	sadd.s32 $0xFFFFFEF7, lr;
	s5 =	simm.s32 $0xFFFFFFFF;
	p2 =	slt.u32 s8, $0xFFFFF086  }
0x1c: {  	p1 =	slt.u32 s9, $0xF7A;
	s5 =	simm.s32 @!p2 $0x0  }
0x1d: {  	s5 =	simm.s32 @p1 $0x1;
	p0 =	seq.s32 s7, s2  }
0x1e: {  	s7 =	smul.u32 @!p0 $0xF7A, s2;
	p2 =	seq.s32 @!p0 s5, $0x0  }
0x1f: {  	s9 =	smul.u32 $0xF7A, s1;
	s8 =	simm.s32 @!p0 $0x1BF5;
	p2 =	por !p2, p0  }
0x20: {  	[sflag:s8] =	ssyncset.s32 @!p0 $0xFFFFF086;
	s6 =	sadd.s32 @!p0 s3, s7;
	s7 =	simm.s32 @!p0 $0x108  }
0x21: {  	s3 =	sadd.s32 s3, s9;
	s6 =	sadd.s32 @!p0 $0x88, s6;
	s7 =	simm.s32 @p2 $0x1082  }
0x22: {  	[simem:s7], [sflag:s8] =	dma.local @!p0 [hbm:s6], $0xF7A  }
0x23: {  	s9 =	sor.u32 $0xD0000000, s2;
	s6 =	simm.s32 $0x108;
	_ =	swait.ge @!p0 [sflag:s8], $0x0  }
0x24: {  	s3 =	sadd.s32 $0x88, s3;
	s6 =	simm.s32 @!p1 $0x1082;
	[sflag:s4] =	ssyncset.s32 $0xFFFFF086  }
0x25: {  	[simem:s6], [sflag:s4] =	dma.local [hbm:s3], $0xF7A  }
0x26: {  	[smem:$0x3F92] =	sst s1;
	(tag) =	ssettag s2;
	_ =	strace s9  }
0x27: {  	s1 =	sld [smem:$0x3FA2]  }
0x28: {  	s2 =	sld [smem:$0x3FA3]  }
0x29: {  	s4 =	sld [smem:$0x3FA5]  }
0x2a: {  	p0 =	seq.s32 s5, $0x0;
	s5 =	sld [smem:$0x3FA6]  }
0x2b: {  	s6 =	sld [smem:$0x3FA7]  }
0x2c: {  	s7 =	sld [smem:$0x3FA8]  }
0x2d: {  	s3 =	simm.s32 $0x108;
	s8 =	sld [smem:$0x3FA9]  }
0x2e: {  	s3 =	simm.s32 @!p0 $0x1082;
	s9 =	sld [smem:$0x3FAA]  }
0x2f: {  	lr =	sadd.s32 s0, s3;
	s0 =	sld [smem:$0x3FA1]  }
0x30: {  	s3 =	sld [smem:$0x3FA4]  }
0x31: {  	[smem:$0x3FAD] =	sst s10  }
0x32: {  	s10 =	sld [smem:$0x3FAB];
	_ =	sdelay $0x3  }
0x33: {  	p0 =	seq.s32 s10, $0x1;
	s10 =	sld [smem:$0x3FAD];
	_ =	sdelay $0x3  }
0x34: {  	[smem:$0x3FAD] =	sst s10  }
0x35: {  	s10 =	sld [smem:$0x3FAC];
	_ =	sdelay $0x3  }
0x36: {  	p1 =	seq.s32 s10, $0x1;
	s10 =	sld [smem:$0x3FAD];
	_ =	sdelay $0x3  }
0x37: {  	[smem:$0x3FAD] =	sst s10  }
0x38: {  	s10 =	sld [smem:$0x3FAE]  }
0x39: {  	_ = 	snop;
	(pc) =	sbr.ind lr, $3  }
0x3a: {  	_ = 	snop  }
0x3b: {  	_ = 	snop  }
0x3c: {  	p2 =	seq.s32 s10, $0x1;
	s10 =	sld [smem:$0x3FAD]  }
0x3d: {  	_ =	shalt  }
0x3e: {  	_ =	shalt  }
0x3f: {  	_ =	shalt  }
0x40: {  	_ =	shalt  }
0x41: {  	_ =	shalt  }
0x42: {  	_ =	shalt  }
0x43: {  	_ =	shalt  }
0x44: {  	_ =	shalt  }
0x45: {  	_ =	shalt  }
0x46: {  	_ =	shalt  }
0x47: {  	_ =	shalt  }
0x48: {  	_ =	shalt  }
0x49: {  	_ =	shalt  }
0x4a: {  	_ =	shalt  }
0x4b: {  	_ =	shalt  }
0x4c: {  	_ =	shalt  }
0x4d: {  	_ =	shalt  }
0x4e: {  	_ =	shalt  }
0x4f: {  	_ =	shalt  }
0x50: {  	_ =	shalt  }
0x51: {  	_ =	shalt  }
0x52: {  	_ =	shalt  }
0x53: {  	_ =	shalt  }
0x54: {  	_ =	shalt  }
0x55: {  	_ =	shalt  }
0x56: {  	_ =	shalt  }
0x57: {  	_ =	shalt  }
0x58: {  	_ =	shalt  }
0x59: {  	_ =	shalt  }
0x5a: {  	_ =	shalt  }
0x5b: {  	_ =	shalt  }
0x5c: {  	_ =	shalt  }
0x5d: {  	_ =	shalt  }
0x5e: {  	_ =	shalt  }
0x5f: {  	_ =	shalt  }
0x60: {  	_ =	shalt  }
0x61: {  	_ =	shalt  }
0x62: {  	_ =	shalt  }
0x63: {  	_ =	shalt  }
0x64: {  	_ =	shalt  }
0x65: {  	_ =	shalt  }
0x66: {  	_ =	shalt  }
0x67: {  	_ =	shalt  }
0x68: {  	_ =	shalt  }
0x69: {  	_ =	shalt  }
0x6a: {  	_ =	shalt  }
0x6b: {  	_ =	shalt  }
0x6c: {  	_ =	shalt  }
0x6d: {  	_ =	shalt  }
0x6e: {  	_ =	shalt  }
0x6f: {  	_ =	shalt  }
0x70: {  	_ =	shalt  }
0x71: {  	_ =	shalt  }
0x72: {  	_ =	shalt  }
0x73: {  	_ =	shalt  }
0x74: {  	_ =	shalt  }
0x75: {  	_ =	shalt  }
0x76: {  	_ =	shalt  }
0x77: {  	_ =	shalt  }
0x78: {  	_ =	shalt  }
0x79: {  	_ =	shalt  }
0x7a: {  	_ =	shalt  }
0x7b: {  	_ =	shalt  }
0x7c: {  	_ =	shalt  }
0x7d: {  	_ =	shalt  }
0x7e: {  	_ =	shalt  }
0x7f: {  	_ =	shalt  }
0x80: {  	_ =	shalt  }
0x81: {  	_ =	shalt  }
0x82: {  	_ =	shalt  }
0x83: {  	_ =	shalt  }
0x84: {  	_ =	shalt  }
0x85: {  	_ =	shalt  }
0x86: {  	_ =	shalt  }
0x87: {  	_ =	shalt  }
.Lfunc_end0:
.L_simem_size_0:
called_computation_lowered:
.L_overlay_start_0:
0x88: {  	s2 =	sld [smem:$0x3FD9]  }
0x89: {  	s3 =	sld [smem:$0x3FFE];
	_ =	sdelay $0x1  }
0x8a: {  	s1 =	srdreg.scid  }
0x8b: {  	s0 =	sand.u32 $0x1, s1  }
0x8c: {  	s14 =	sshll.u32 s0, $0xA;
	s2 =	sadd.s32 s3, s2  }
0x8d: {  	s2 =	sadd.s32 s2, s14  }
0x8e: {  	[smem:$0x3FB9] =	sst s2  }
0x8f: {  	_ = 	snop  }
0x90: {  	s2 =	sld [smem:$0x3FD0];
	_ =	sdelay $0x2  }
0x91: {  	s15 =	simm.s32 $0xB;
	s4 =	simm.s32 $0x10  }
0x92: {  	[smem:s4], [sflag:s15] =	dma.local [hbm:s2], $0x1  }
0x93: {  	_ =	swait.eq [sflag:s15], $0x1  }
0x94: {  	[sflag:s15] =	ssyncset.done $0x0  }
0x95: {  	[sflag:s15] =	ssyncadd.s32 $0xFFFFFFFF  }
0x96: {  	s16 =	sld [smem:$0x11];
	(tm) =	ssettm $0x1  }
0x97: {  	s17 =	sld [smem:$0x3FFB];
	_ =	sdelay $0x3  }
0x98: {  	_ =	strace s17  }
0x99: {  	s3 =	sld [smem:$0x3FFC];
	_ =	sdelay $0x3  }
0x9a: {  	_ =	strace s3  }
0x9b: {  	s3 =	sld [smem:$0x3FFD];
	_ =	sdelay $0x3  }
0x9c: {  	_ =	strace s3  }
0x9d: {  	_ =	strace $0x8FFFFFFF  }
0x9e: {  	s18 =	sld [smem:$0x3FDB];
	_ =	sdelay $0x1  }
0x9f: {  	s19 =	simm.s32 $_scs_section_size  }
0xa0: {  	s5 =	simm.s32 $_size__tile_overlayer_lowered;
	s6 =	simm.s32 $_tile_overlayer_lowered  }
0xa1: {  	s22 =	simm.s32 $0x1BFF;
	s21 =	sshll.u32 s6, $0x1;
	s3 =	sadd.s32 s19, s18  }
0xa2: {  	s7 =	simm.s32 $0x0;
	s20 =	sshll.u32 s5, $0x1;
	s5 =	sadd.s32 s21, s3  }
0xa3: {  	[timem:s7], [sflag:s22] =	dma.local [hbm:s5], s20  }
0xa4: {  	_ =	swait.ge [sflag:s22], s20  }
0xa5: {  	s4 =	ssub.s32 $0x0, s20;
	[sflag:s22] =	ssyncset.done $0x0  }
0xa6: {  	[sflag:s22] =	ssyncadd.s32 s4;
	_ =	sdelay $0x1  }
0xa7: {  	s23 =	simm.s32 $0x1B8B  }
0xa8: {  	_ =	swait.ge [sflag:s23], $0x1  }
0xa9: {  	[sflag:s23] =	ssyncset.done $0x0  }
0xaa: {  	s25 =	simm.s32 $0x1B8E;
	s24 =	sld [smem:$0x3FFE];
	[sflag:s23] =	ssyncadd.s32 $0xFFFFFFFF  }
0xab: {  	s26 =	simm.s32 $execute0_lowered;
	[smem:$0x3FD2] =	sst s25  }
0xac: {  	s5 =	sshll.u32 s26, $0x1;
	_ =	strace $0x80000046;
	[dreg:$0x1] =	wrdreg $0xFFFFFFFF  }
0xad: {  	s28 =	simm.s32 $_size_execute0_lowered;
	s3 =	sadd.s32 s3, s5;
	[dreg:$0x0] =	wrdreg $0x0  }
0xae: {  	s5 =	sshll.u32 s28, $0x1;
	[dreg:$0x2] =	wrdreg s3  }
0xaf: {  	[dreg:$0x3] =	wrdreg s5  }
0xb0: {  	[dreg:$0x4] =	wrdreg $0xC0  }
0xb1: {  	_ =	task [dreg:s7], $0x5FFFF  }
0xb2: {  	[dreg:$0x1] =	wrdreg $0xFFFFFFFF  }
0xb3: {  	[dreg:$0x0] =	wrdreg $0x60  }
0xb4: {  	[dreg:$0x2] =	wrdreg s16  }
0xb5: {  	[dreg:$0x3] =	wrdreg s24  }
0xb6: {  	[dreg:$0x4] =	wrdreg $0x9  }
0xb7: {  	_ =	task.clear_ibuf [dreg:s7], $0x5FFFF;
	_ =	strace $0x90000046  }
0xb8: {  	s29 =	simm.s32 $0x9;
	_ =	strace $0x80000048  }
0xb9: {  	_ =	swait.ge [sflag:s29], $0x1  }
0xba: {  	[sflag:s29] =	ssyncadd.s32 $0xFFFFFFFF  }
0xbb: {  	_ =	strace $0x90000048  }
0xbc: {  	_ =	sfence  }
0xbd: {  	s30 =	sld [smem:$0x0];
	_ =	sdelay $0x2  }
0xbe: {  	s31 =	sshll.u32 s1, $0xD;
	s1 =	sshrl.u32 s1, $0x2  }
0xbf: {  	s3 =	sand.u32 $0x4000, s31;
	s1 =	sadd.s32 s1, s30  }
0xc0: {  	s0 =	sor.u32 s3, s0;
	s1 =	sshll.u32 s1, $0x11  }
0xc1: {  	s0 =	sor.u32 s1, s0  }
0xc2: {  	s0 =	sadd.s32 $0x8F2B, s0  }
0xc3: {  	[sflag:s0] =	ssyncadd.remote.s32 $0x1  }
0xc4: {  	_ =	sfence.sel $0xFFFF  }
0xc5: {  	[dreg:$0x0] =	wrdreg $0xFFFFFFFF;
	(pc) =	sbr.abs _section_cstart, $3  }
0xc6: {  	[dreg:$0x1] =	wrdreg $0xFFFFFFFF  }
0xc7: {  	_ =	task.clear_ibuf [dreg:s7], $0x2FFFF;
	_ =	strace $0x9FFFFFFF  }
0xc8: {  	(tm) =	ssettm $0x7FFFFFFF  }
0xc9: {  	_ =	shalt  }
tec
execute0_lowered:
.L_overlay_start_1:
0x0: {  	(tag) =	ssettag $0x1  }
0x1: {  	s2 =	rddreg [dreg:$0x0]  }
0x2: {  	s0 =	rddreg [dreg:$0x1];
	s1 =	srdreg.scid  }
0x3: {  	s4 =	stileid.u32;
	s3 =	simm.s32 $0x0;
	s13 =	simm.s32 $0x3  }
0x4: {  	s14 =	simm.s32 $0x12000;
	s15 =	simm.s32 $0x50;
	s16 =	simm.s32 $0x8000  }
0x5: {  	s17 =	simm.s32 $0xD000;
	s18 =	simm.s32 $0x1;
	s19 =	simm.s32 $0x2  }
0x6: {  	s20 =	simm.s32 $0xA800;
	s21 =	simm.s32 $0xF800;
	s22 =	simm.s32 $0x1BC80  }
0x7: {  	s23 =	simm.s32 $0x4;
	s24 =	simm.s32 $0x0;
	s1 =	sand.u32 $0x1, s1  }
0x8: {  	s4 =	sshll.u32 s4, $0x1;
	[smem:$0x7FF] =	sst s3;
	s7 =	sadd.s32 $0x24400, s0  }
0x9: {  	s8 =	sadd.s32 $0x73C00, s0;
	s5 =	sor.u32 s1, s4;
	_ =	strace $0x80000047  }
.Ltmp0:
0xa: {  	s4 =	sadd.s32 $0x25800, s0;
	s1 =	ssub.s32 $0x2, s1;
	(pc) =	sbr.rel .LBB2_1-.Ltmp0, $4  }
0xb: {  	[dreg:$0x3] =	wrdreg s7;
	s6 =	sshll.u32 s5, $0xB;
	s10 =	sshrl.u32 s1, $0x1  }
0xc: {  	s7 =	smul.u32 $0x2710, s5;
	s9 =	sadd.s32 s6, s0;
	s6 =	sadd.s32 $0x7DA00, s0  }
0xd: {  	s30 =	ssub.s32 s1, s10;
	s31 =	sadd.s32 $0x4400, s9;
	s10 =	sadd.s32 $0x14400, s9  }
0xe: {  	v0 =	vlaneseq.u32;
	s11 =	sadd.s32 $0xFFFFFEC0, s7;
	s12 =	smax.u32 s30, $0x1;
	[dreg:$0x4] =	wrdreg s31  }
.LBB2_15:
0xf: {  	s24 =	sadd.s32 $0x1, s24  }
0x10: {  	_ =	swait.ge [sflag:s18], $0x2800;
	p0 =	sne.s32 s24, s12  }
.Ltmp1:
0x11: {  	[sflag:s18] =	ssyncset.done $0x0;
	(pc) =	sbr.rel @!p0 .LBB2_16-.Ltmp1, $4  }
0x12: {  	[sflag:s18] =	ssyncadd.s32 $0xFFFFD800  }
0x13: {  	_ =	swait.ge [sflag:s19], $0x2800  }
0x14: {  	[sflag:s19] =	ssyncset.done $0x0  }
0x15: {  	[sflag:s19] =	ssyncadd.s32 $0xFFFFD800  }
.LBB2_1:
0x16: {  	s0 =	rddreg [dreg:$0x4]  }
0x17: {  	[tilespmem:s3], [sflag:$0x3] =	stream.linear.gather [hbm4b:s0+s3], $0x3E80, $0x38;
	[tilespmem:$0x1BE80] =	vst v63  }
0x18: {  	_ =	swait.ge [sflag:s13], $0x3E80  }
0x19: {  	[sflag:s13] =	ssyncset.done $0x0  }
0x1a: {  	s25 =	simm.s32 $0x4000;
	[sflag:s13] =	ssyncadd.s32 $0xFFFFC180  }
0x1b: {  	[tilespmem:s25], [sflag:$0x3] =	stream.linear.gather [hbm4b:s10+s3], $0x3E80, $0x38;
	[tilespmem:$0x1BE80] =	vst v63  }
0x1c: {  	_ =	swait.ge [sflag:s13], $0x3E80  }
0x1d: {  	[sflag:s13] =	ssyncset.done $0x0  }
0x1e: {  	s31 =	rddreg [dreg:$0x3];
	[sflag:s13] =	ssyncadd.s32 $0xFFFFC180  }
0x1f: {  	[tilespmem:s14], [sflag:$0x3] =	stream.linear.gather [hbm4b:s31+s3], $0x9C80, $0x38;
	[tilespmem:$0x1BE80] =	vst v63  }
0x20: {  	_ =	swait.ge [sflag:s13], $0x9C80  }
.Ltmp2:
0x21: {  	[sflag:s13] =	ssyncset.done $0x0;
	(pc) =	sbr.rel .LBB2_2-.Ltmp2, $4  }
0x22: {  	[sflag:s13] =	ssyncadd.s32 $0xFFFF6380  }
0x23: {  	[tilespmem:s16], [sflag:$0x1] =	stream.indirect.gather [hbm4b:s2+s15], $0x80, s3, s15, $0xb8;
	[tilespmem:$0x1BE80] =	vst v63  }
0x24: {  	s26 =	simm.s32 $0x0;
	s28 =	simm.s32 $0x0;
	s29 =	simm.s32 $0x0  }
0x25: {  	[tilespmem:s17], [sflag:$0x2] =	stream.indirect.gather [hbm4b:s4+s15], $0x80, s25, s15, $0xb8;
	[tilespmem:$0x1BE80] =	vst v63  }
.LBB2_13:
0x26: {  	s0 =	sadd.s32 s11, s1  }
0x27: {  	s0 =	sshrl.u32 s0, $0x3  }
0x28: {  	s0 =	sadd.s32 s8, s0  }
0x29: {  	[hbm4b:s0+s3] =	stream.linear.scatter [tilespmem:s22], [sflag:s5], $0x190, $0x38;
	[tilespmem:$0x1BE80] =	vst v63  }
0x2a: {  	_ =	swait.ge [sflag:s5], $0x190  }
0x2b: {  	[sflag:s5] =	ssyncset.done $0x0  }
0x2c: {  	[sflag:s5] =	ssyncadd.s32 $0xFFFFFE70  }
.LBB2_14:
0x2d: {  	s29 =	sadd.s32 $0x1, s29  }
0x2e: {  	p0 =	sne.s32 s29, $0x7D  }
.Ltmp3:
0x2f: {  	_ = 	snop;
	(pc) =	sbr.rel @!p0 .LBB2_15-.Ltmp3, $2  }
0x30: {  	_ =	sdelay $0x2  }
0x31: {  	s25 =	sadd.s32 $0x80, s25;
	s28 =	sadd.s32 $0x80, s28;
	s26 =	sadd.s32 $0x50, s26  }
.LBB2_2:
0x32: {  	s1 =	sand.u32 $0x1, s29  }
0x33: {  	s0 =	smulhi.u32 $0xCCCCCCCD, s29;
	_ =	swait.ge [sflag:s18], $0x2800;
	p0 =	seq.s32 s1, $0x1  }
.Ltmp4:
0x34: {  	[sflag:s18] =	ssyncset.done $0x0;
	(pc) =	sbr.rel @p0 .LBB2_8-.Ltmp4, $4  }
0x35: {  	s31 =	sshrl.u32 s0, $0x2;
	[sflag:s18] =	ssyncadd.s32 $0xFFFFD800  }
0x36: {  	s0 =	smul.u32 $0x190, s31;
	_ =	swait.ge [sflag:s19], $0x2800  }
0x37: {  	[sflag:s19] =	ssyncset.done $0x0  }
0x38: {  	s30 =	ssub.s32 s26, s0;
	[sflag:s19] =	ssyncadd.s32 $0xFFFFD800  }
0x39: {  	s0 =	sor.u32 $0x1, s29  }
0x3a: {  	s0 =	smin.u32 s0, $0x7C  }
0x3b: {  	s0 =	sshll.u32 s0, $0x7  }
0x3c: {  	[tilespmem:s20], [sflag:$0x1] =	stream.indirect.gather [hbm4b:s2+s15], $0x80, s0, s15, $0xb8;
	[tilespmem:$0x1BE80] =	vst v63  }
0x3d: {  	s0 =	sor.u32 $0x4000, s0  }
0x3e: {  	[tilespmem:s21], [sflag:$0x2] =	stream.indirect.gather [hbm4b:s4+s15], $0x80, s0, s15, $0xb8;
	[tilespmem:$0x1BE80] =	vst v63  }
0x3f: {  	s0 =	simm.s32 $0x8100  }
0x40: {  	s1 =	simm.s32 $0xD100;
	v1 =	vld [tilespmem:s0+$0x80]  }
0x41: {  	v2 =	vld [tilespmem:s1+$0x80]  }
0x42: {  	v3 =	vld [tilespmem:s0+$0xFFFFFF80]  }
0x43: {  	v4 =	vld [tilespmem:s1+$0xFFFFFF80]  }
0x44: {  	v5 =	vld [tilespmem:s0+$0x0]  }
0x45: {  	v6 =	vld [tilespmem:s1+$0x0]  }
0x46: {  	v7 =	vld [tilespmem:s0+$0xFFFFFF00];
	v1 =	vadd.f32 v2, v1  }
0x47: {  	v2 =	vld [tilespmem:s1+$0xFFFFFF00]  }
0x48: {  	[tilespmem:s0+$0x80] =	vst v1;
	v1 =	vld [tilespmem:s0+$0x90]  }
0x49: {  	v3 =	vadd.f32 v4, v3;
	v4 =	vld [tilespmem:s1+$0x90]  }
0x4a: {  	v8 =	vld [tilespmem:s0+$0xFFFFFF10]  }
0x4b: {  	[tilespmem:s0+$0xFFFFFF80] =	vst v3;
	v3 =	vadd.f32 v6, v5;
	v5 =	vld [tilespmem:s0+$0xFFFFFF90]  }
0x4c: {  	v6 =	vld [tilespmem:s1+$0xFFFFFF90];
	v2 =	vadd.f32 v2, v7  }
0x4d: {  	[tilespmem:s0+$0x0] =	vst v3;
	v3 =	vld [tilespmem:s0+$0x10]  }
0x4e: {  	v7 =	vld [tilespmem:s1+$0x10];
	[tilespmem:s0+$0xFFFFFF00] =	vst v2;
	v1 =	vadd.f32 v4, v1  }
0x4f: {  	v2 =	vld [tilespmem:s1+$0xFFFFFF10]  }
0x50: {  	[tilespmem:s0+$0x90] =	vst v1;
	v1 =	vld [tilespmem:s0+$0xA0]  }
0x51: {  	v4 =	vadd.f32 v6, v5;
	v5 =	vld [tilespmem:s1+$0xA0]  }
0x52: {  	v6 =	vld [tilespmem:s0+$0xFFFFFF20]  }
0x53: {  	[tilespmem:s0+$0xFFFFFF90] =	vst v4;
	v3 =	vadd.f32 v7, v3;
	v4 =	vld [tilespmem:s0+$0xFFFFFFA0]  }
0x54: {  	v7 =	vld [tilespmem:s1+$0xFFFFFFA0];
	v2 =	vadd.f32 v2, v8  }
0x55: {  	[tilespmem:s0+$0x10] =	vst v3;
	v3 =	vld [tilespmem:s0+$0x20]  }
0x56: {  	v8 =	vld [tilespmem:s1+$0x20];
	[tilespmem:s0+$0xFFFFFF10] =	vst v2;
	v1 =	vadd.f32 v5, v1  }
0x57: {  	v2 =	vld [tilespmem:s1+$0xFFFFFF20]  }
0x58: {  	[tilespmem:s0+$0xA0] =	vst v1;
	v1 =	vld [tilespmem:s0+$0xB0]  }
0x59: {  	v4 =	vadd.f32 v7, v4;
	v5 =	vld [tilespmem:s1+$0xB0]  }
0x5a: {  	v7 =	vld [tilespmem:s0+$0xFFFFFF30]  }
0x5b: {  	[tilespmem:s0+$0xFFFFFFA0] =	vst v4;
	v3 =	vadd.f32 v8, v3;
	v4 =	vld [tilespmem:s0+$0xFFFFFFB0]  }
0x5c: {  	v8 =	vld [tilespmem:s1+$0xFFFFFFB0];
	v2 =	vadd.f32 v2, v6  }
0x5d: {  	[tilespmem:s0+$0x20] =	vst v3;
	v3 =	vld [tilespmem:s0+$0x30]  }
0x5e: {  	v6 =	vld [tilespmem:s1+$0x30];
	[tilespmem:s0+$0xFFFFFF20] =	vst v2;
	v1 =	vadd.f32 v5, v1  }
0x5f: {  	v2 =	vld [tilespmem:s1+$0xFFFFFF30]  }
0x60: {  	[tilespmem:s0+$0xB0] =	vst v1;
	v1 =	vld [tilespmem:s0+$0xC0]  }
0x61: {  	v4 =	vadd.f32 v8, v4;
	v5 =	vld [tilespmem:s1+$0xC0]  }
0x62: {  	v8 =	vld [tilespmem:s0+$0xFFFFFF40]  }
0x63: {  	[tilespmem:s0+$0xFFFFFFB0] =	vst v4;
	v3 =	vadd.f32 v6, v3;
	v4 =	vld [tilespmem:s0+$0xFFFFFFC0]  }
0x64: {  	v6 =	vld [tilespmem:s1+$0xFFFFFFC0];
	v2 =	vadd.f32 v2, v7  }
0x65: {  	[tilespmem:s0+$0x30] =	vst v3;
	v3 =	vld [tilespmem:s0+$0x40]  }
0x66: {  	v7 =	vld [tilespmem:s1+$0x40];
	[tilespmem:s0+$0xFFFFFF30] =	vst v2;
	v1 =	vadd.f32 v5, v1  }
0x67: {  	v2 =	vld [tilespmem:s1+$0xFFFFFF40]  }
0x68: {  	[tilespmem:s0+$0xC0] =	vst v1;
	v1 =	vld [tilespmem:s0+$0xD0]  }
0x69: {  	v4 =	vadd.f32 v6, v4;
	v5 =	vld [tilespmem:s1+$0xD0]  }
0x6a: {  	v6 =	vld [tilespmem:s0+$0xFFFFFF50]  }
0x6b: {  	[tilespmem:s0+$0xFFFFFFC0] =	vst v4;
	v3 =	vadd.f32 v7, v3;
	v4 =	vld [tilespmem:s0+$0xFFFFFFD0]  }
0x6c: {  	v7 =	vld [tilespmem:s1+$0xFFFFFFD0];
	v2 =	vadd.f32 v2, v8  }
0x6d: {  	[tilespmem:s0+$0x40] =	vst v3;
	v3 =	vld [tilespmem:s0+$0x50]  }
0x6e: {  	v8 =	vld [tilespmem:s1+$0x50];
	[tilespmem:s0+$0xFFFFFF40] =	vst v2;
	v1 =	vadd.f32 v5, v1  }
0x6f: {  	v2 =	vld [tilespmem:s1+$0xFFFFFF50]  }
0x70: {  	[tilespmem:s0+$0xD0] =	vst v1;
	v1 =	vld [tilespmem:s0+$0xE0]  }
0x71: {  	v4 =	vadd.f32 v7, v4;
	v5 =	vld [tilespmem:s1+$0xE0]  }
0x72: {  	v7 =	vld [tilespmem:s0+$0xFFFFFF60]  }
0x73: {  	[tilespmem:s0+$0xFFFFFFD0] =	vst v4;
	v3 =	vadd.f32 v8, v3;
	v4 =	vld [tilespmem:s0+$0xFFFFFFE0]  }
0x74: {  	v8 =	vld [tilespmem:s1+$0xFFFFFFE0];
	v2 =	vadd.f32 v2, v6  }
0x75: {  	[tilespmem:s0+$0x50] =	vst v3;
	v3 =	vld [tilespmem:s0+$0x60]  }
0x76: {  	v6 =	vld [tilespmem:s1+$0x60];
	[tilespmem:s0+$0xFFFFFF50] =	vst v2;
	v1 =	vadd.f32 v5, v1  }
0x77: {  	v5 =	vld [tilespmem:s1+$0xFFFFFF60]  }
0x78: {  	v9 =	vld [tilespmem:s0+$0xF0];
	[tilespmem:s0+$0xE0] =	vst v1  }
0x79: {  	v2 =	vadd.f32 v8, v4;
	v8 =	vld [tilespmem:s1+$0xF0]  }
0x7a: {  	v1 =	vld [tilespmem:s0+$0xFFFFFF70]  }
0x7b: {  	[tilespmem:s0+$0xFFFFFFE0] =	vst v2;
	v3 =	vadd.f32 v6, v3;
	v2 =	vld [tilespmem:s0+$0xFFFFFFF0]  }
0x7c: {  	v4 =	vld [tilespmem:s1+$0xFFFFFFF0];
	v5 =	vadd.f32 v5, v7  }
0x7d: {  	[tilespmem:s0+$0x60] =	vst v3;
	v3 =	vld [tilespmem:s0+$0x70]  }
0x7e: {  	[tilespmem:s0+$0xFFFFFF60] =	vst v5;
	v5 =	vld [tilespmem:s1+$0x70];
	v7 =	vadd.f32 v8, v9  }
0x7f: {  	s5 =	simm.s32 $0x0;
	s9 =	simm.s32 $0x8300;
	v6 =	vld [tilespmem:s1+$0xFFFFFF70]  }
.LBB2_4:
0x80: {  	v8 =	vld [tilespmem:s9+$0x80];
	[tilespmem:s0+$0xF0] =	vst v7;
	s1 =	sadd.s32 $0x200, s1  }
0x81: {  	s5 =	sadd.s32 $0x4, s5;
	v7 =	vld [tilespmem:s1+$0x80];
	v2 =	vadd.f32 v4, v2  }
0x82: {  	p0 =	slt.u32 s5, $0x4C;
	v4 =	vld [tilespmem:s1+$0xFFFFFF00]  }
0x83: {  	v9 =	vld [tilespmem:s9+$0xFFFFFF80];
	[tilespmem:s0+$0xFFFFFFF0] =	vst v2;
	v2 =	vadd.f32 v5, v3  }
0x84: {  	v3 =	vld [tilespmem:s1+$0xFFFFFF80];
	v1 =	vadd.f32 v6, v1  }
0x85: {  	v5 =	vld [tilespmem:s9+$0x0];
	[tilespmem:s0+$0x70] =	vst v2  }
0x86: {  	v2 =	vld [tilespmem:s1+$0x0];
	v6 =	vadd.f32 v7, v8;
	[tilespmem:s0+$0xFFFFFF70] =	vst v1;
	s0 =	smov.u32 s9  }
0x87: {  	v1 =	vld [tilespmem:s9+$0xFFFFFF00]  }
0x88: {  	[tilespmem:s9+$0x80] =	vst v6;
	v6 =	vld [tilespmem:s9+$0x90]  }
0x89: {  	v3 =	vadd.f32 v3, v9;
	v7 =	vld [tilespmem:s1+$0x90]  }
0x8a: {  	v8 =	vld [tilespmem:s9+$0xFFFFFF10]  }
0x8b: {  	[tilespmem:s9+$0xFFFFFF80] =	vst v3;
	v3 =	vld [tilespmem:s9+$0xFFFFFF90];
	v2 =	vadd.f32 v2, v5  }
0x8c: {  	v1 =	vadd.f32 v4, v1;
	v4 =	vld [tilespmem:s1+$0xFFFFFF90]  }
0x8d: {  	[tilespmem:s9+$0x0] =	vst v2;
	v2 =	vld [tilespmem:s9+$0x10]  }
0x8e: {  	[tilespmem:s9+$0xFFFFFF00] =	vst v1;
	v1 =	vld [tilespmem:s1+$0x10];
	v5 =	vadd.f32 v7, v6  }
0x8f: {  	v6 =	vld [tilespmem:s1+$0xFFFFFF10]  }
0x90: {  	[tilespmem:s9+$0x90] =	vst v5;
	v5 =	vld [tilespmem:s9+$0xA0]  }
0x91: {  	v3 =	vadd.f32 v4, v3;
	v4 =	vld [tilespmem:s1+$0xA0]  }
0x92: {  	v7 =	vld [tilespmem:s9+$0xFFFFFF20]  }
0x93: {  	[tilespmem:s9+$0xFFFFFF90] =	vst v3;
	v3 =	vld [tilespmem:s9+$0xFFFFFFA0];
	v1 =	vadd.f32 v1, v2  }
0x94: {  	v2 =	vadd.f32 v6, v8;
	v6 =	vld [tilespmem:s1+$0xFFFFFFA0]  }
0x95: {  	[tilespmem:s9+$0x10] =	vst v1;
	v1 =	vld [tilespmem:s9+$0x20]  }
0x96: {  	[tilespmem:s9+$0xFFFFFF10] =	vst v2;
	v2 =	vld [tilespmem:s1+$0x20];
	v4 =	vadd.f32 v4, v5  }
0x97: {  	v5 =	vld [tilespmem:s1+$0xFFFFFF20]  }
0x98: {  	[tilespmem:s9+$0xA0] =	vst v4;
	v4 =	vld [tilespmem:s9+$0xB0]  }
0x99: {  	v3 =	vadd.f32 v6, v3;
	v6 =	vld [tilespmem:s1+$0xB0]  }
0x9a: {  	v8 =	vld [tilespmem:s9+$0xFFFFFF30]  }
0x9b: {  	[tilespmem:s9+$0xFFFFFFA0] =	vst v3;
	v3 =	vld [tilespmem:s9+$0xFFFFFFB0];
	v1 =	vadd.f32 v2, v1  }
0x9c: {  	v2 =	vadd.f32 v5, v7;
	v5 =	vld [tilespmem:s1+$0xFFFFFFB0]  }
0x9d: {  	[tilespmem:s9+$0x20] =	vst v1;
	v1 =	vld [tilespmem:s9+$0x30]  }
0x9e: {  	[tilespmem:s9+$0xFFFFFF20] =	vst v2;
	v2 =	vld [tilespmem:s1+$0x30];
	v4 =	vadd.f32 v6, v4  }
0x9f: {  	v6 =	vld [tilespmem:s1+$0xFFFFFF30]  }
0xa0: {  	[tilespmem:s9+$0xB0] =	vst v4;
	v4 =	vld [tilespmem:s9+$0xC0]  }
0xa1: {  	v3 =	vadd.f32 v5, v3;
	v5 =	vld [tilespmem:s1+$0xC0]  }
0xa2: {  	v7 =	vld [tilespmem:s9+$0xFFFFFF40]  }
0xa3: {  	[tilespmem:s9+$0xFFFFFFB0] =	vst v3;
	v3 =	vld [tilespmem:s9+$0xFFFFFFC0];
	v1 =	vadd.f32 v2, v1  }
0xa4: {  	v2 =	vadd.f32 v6, v8;
	v6 =	vld [tilespmem:s1+$0xFFFFFFC0]  }
0xa5: {  	[tilespmem:s9+$0x30] =	vst v1;
	v1 =	vld [tilespmem:s9+$0x40]  }
0xa6: {  	[tilespmem:s9+$0xFFFFFF30] =	vst v2;
	v2 =	vld [tilespmem:s1+$0x40];
	v4 =	vadd.f32 v5, v4  }
0xa7: {  	v5 =	vld [tilespmem:s1+$0xFFFFFF40]  }
0xa8: {  	[tilespmem:s9+$0xC0] =	vst v4;
	v4 =	vld [tilespmem:s9+$0xD0]  }
0xa9: {  	v3 =	vadd.f32 v6, v3;
	v6 =	vld [tilespmem:s1+$0xD0]  }
0xaa: {  	v8 =	vld [tilespmem:s9+$0xFFFFFF50]  }
0xab: {  	[tilespmem:s9+$0xFFFFFFC0] =	vst v3;
	v3 =	vld [tilespmem:s9+$0xFFFFFFD0];
	v1 =	vadd.f32 v2, v1  }
0xac: {  	v2 =	vadd.f32 v5, v7;
	v5 =	vld [tilespmem:s1+$0xFFFFFFD0]  }
0xad: {  	[tilespmem:s9+$0x40] =	vst v1;
	v1 =	vld [tilespmem:s9+$0x50]  }
0xae: {  	[tilespmem:s9+$0xFFFFFF40] =	vst v2;
	v2 =	vld [tilespmem:s1+$0x50];
	v4 =	vadd.f32 v6, v4  }
0xaf: {  	v6 =	vld [tilespmem:s1+$0xFFFFFF50]  }
0xb0: {  	[tilespmem:s9+$0xD0] =	vst v4;
	v4 =	vld [tilespmem:s9+$0xE0]  }
0xb1: {  	v3 =	vadd.f32 v5, v3;
	v5 =	vld [tilespmem:s1+$0xE0]  }
0xb2: {  	v7 =	vld [tilespmem:s9+$0xFFFFFF60]  }
0xb3: {  	[tilespmem:s9+$0xFFFFFFD0] =	vst v3;
	v3 =	vld [tilespmem:s9+$0xFFFFFFE0];
	v1 =	vadd.f32 v2, v1  }
0xb4: {  	v2 =	vadd.f32 v6, v8;
	v6 =	vld [tilespmem:s1+$0xFFFFFFE0]  }
0xb5: {  	[tilespmem:s9+$0x50] =	vst v1;
	v8 =	vld [tilespmem:s9+$0x60]  }
0xb6: {  	[tilespmem:s9+$0xFFFFFF50] =	vst v2;
	v9 =	vld [tilespmem:s1+$0x60];
	v1 =	vadd.f32 v5, v4  }
0xb7: {  	v4 =	vld [tilespmem:s1+$0xFFFFFF60]  }
0xb8: {  	[tilespmem:s9+$0xE0] =	vst v1;
	v10 =	vld [tilespmem:s9+$0xF0]  }
0xb9: {  	v2 =	vadd.f32 v6, v3;
	v6 =	vld [tilespmem:s1+$0xF0]  }
0xba: {  	v1 =	vld [tilespmem:s9+$0xFFFFFF70]  }
.Ltmp5:
0xbb: {  	[tilespmem:s9+$0xFFFFFFE0] =	vst v2;
	v2 =	vld [tilespmem:s9+$0xFFFFFFF0];
	v3 =	vadd.f32 v9, v8;
	(pc) =	sbr.rel @p0 .LBB2_4-.Ltmp5, $4  }
0xbc: {  	v5 =	vadd.f32 v4, v7;
	v4 =	vld [tilespmem:s1+$0xFFFFFFF0]  }
0xbd: {  	[tilespmem:s9+$0x60] =	vst v3;
	v3 =	vld [tilespmem:s9+$0x70]  }
0xbe: {  	[tilespmem:s9+$0xFFFFFF60] =	vst v5;
	v5 =	vld [tilespmem:s1+$0x70];
	v7 =	vadd.f32 v6, v10  }
0xbf: {  	s9 =	sadd.s32 $0x200, s9;
	v6 =	vld [tilespmem:s1+$0xFFFFFF70]  }
0xc0: {  	_ =	sdelay $0x1  }
0xc1: {  	v2 =	vadd.f32 v4, v2;
	_ =	sdelay $0x1  }
0xc2: {  	[tilespmem:s0+$0xFFFFFFF0] =	vst v2;
	v2 =	vmov s25;
	v1 =	vadd.f32 v6, v1;
	_ =	sdelay $0x1  }
0xc3: {  	v3 =	vadd.f32 v5, v3;
	[tilespmem:s0+$0xFFFFFF70] =	vst v1;
	v1 =	vmov s28  }
0xc4: {  	[tilespmem:s0+$0xF0] =	vst v7  }
0xc5: {  	s1 =	simm.s32 $0x0;
	[tilespmem:s0+$0x70] =	vst v3  }
0xc6: {  	v3 =	vld.idx.msk [tilespmem:v2+s1+$0x0 ss:$0x1], $0xffff;
	_ =	sdelay $0x1  }
0xc7: {  	v4 =	vld.idx.msk [tilespmem:v1+s1+$0x0 ss:$0x1], $0xffff;
	_ =	sdelay $0x2  }
0xc8: {  	v3 =	vshll.u32 v3, $0x2  }
0xc9: {  	v5 =	vor.u32 $0x1, v3  }
0xca: {  	v4 =	vshll.u32 v4, $0x2  }
0xcb: {  	v61 =	vor.u32 $0x1, v4  }
0xcc: {  	v62 =	vor.u32 $0x2, v3  }
0xcd: {  	v8 =	vor.u32 $0x2, v4;
	v3 =	vld.idx.msk [tilespmem:v3+s14+$0x0], $0xffff  }
0xce: {  	v5 =	vld.idx.msk [tilespmem:v5+s14+$0x0], $0xffff  }
0xcf: {  	v4 =	vld.idx.msk [tilespmem:v4+s14+$0x0], $0xffff  }
0xd0: {  	v6 =	vld.idx.msk [tilespmem:v61+s14+$0x0], $0xffff  }
0xd1: {  	v7 =	vld.idx.msk [tilespmem:v62+s14+$0x0], $0xffff  }
0xd2: {  	v8 =	vld.idx.msk [tilespmem:v8+s14+$0x0], $0xffff;
	_ =	sdelay $0x2  }
0xd3: {  	v3 =	vsub.f32 v3, v4;
	v4 =	vsub.f32 v5, v6;
	_ =	sdelay $0x1  }
0xd4: {  	v5 =	vsub.f32 v7, v8;
	v3 =	vmul.f32 v3, v3;
	v4 =	vmul.f32 v4, v4  }
0xd5: {  	v63 =	vor.u32 s30, v0  }
0xd6: {  	v3 =	vadd.f32 v4, v3;
	v4 =	vmul.f32 v5, v5;
	_ =	sdelay $0x1  }
0xd7: {  	v3 =	vadd.f32 v4, v3  }
0xd8: {  	s31 =	smul.u32 $0x5, s31  }
0xd9: {  	s5 =	simm.s32 $0x10;
	[tilespmem:v63+s22+$0x0] =	vst.idx.msk $0xffff, v3  }
0xda: {  	s0 =	ssub.s32 s29, s31;
	s1 =	simm.s32 $0x80;
	v3 =	vld.idx.msk [tilespmem:v2+s5+$0x0 ss:$0x1], $0xffff  }
.LBB2_6:
0xdb: {  	p0 =	sne.s32 s1, $0x100;
	v4 =	vld.idx.msk [tilespmem:v1+s5+$0x0 ss:$0x1], $0xffff;
	_ =	sdelay $0x3  }
0xdc: {  	v3 =	vshll.u32 v3, $0x2  }
0xdd: {  	v5 =	vor.u32 $0x1, v3  }
0xde: {  	v4 =	vshll.u32 v4, $0x2  }
0xdf: {  	v6 =	vor.u32 $0x1, v4  }
0xe0: {  	v7 =	vor.u32 $0x2, v3  }
0xe1: {  	v8 =	vor.u32 $0x2, v4;
	v3 =	vld.idx.msk [tilespmem:v3+s14+$0x0], $0xffff  }
0xe2: {  	v5 =	vld.idx.msk [tilespmem:v5+s14+$0x0], $0xffff  }
0xe3: {  	v4 =	vld.idx.msk [tilespmem:v4+s14+$0x0], $0xffff  }
0xe4: {  	v6 =	vld.idx.msk [tilespmem:v6+s14+$0x0], $0xffff  }
0xe5: {  	v7 =	vld.idx.msk [tilespmem:v7+s14+$0x0], $0xffff  }
0xe6: {  	v8 =	vld.idx.msk [tilespmem:v8+s14+$0x0], $0xffff;
	_ =	sdelay $0x3  }
0xe7: {  	v3 =	vsub.f32 v3, v4;
	v4 =	vsub.f32 v5, v6;
	_ =	sdelay $0x1  }
0xe8: {  	s30 =	sadd.s32 $0x10, s30;
	v3 =	vmul.f32 v3, v3;
	v5 =	vsub.f32 v7, v8;
	v4 =	vmul.f32 v4, v4  }
0xe9: {  	v6 =	vor.u32 s30, v0  }
0xea: {  	v3 =	vadd.f32 v4, v3;
	v4 =	vmul.f32 v5, v5;
	_ =	sdelay $0x1  }
.Ltmp6:
0xeb: {  	v3 =	vadd.f32 v4, v3;
	(pc) =	sbr.rel @p0 .LBB2_6-.Ltmp6, $4  }
0xec: {  	_ = 	snop  }
0xed: {  	s5 =	sshra.s32 s1, $0x2;
	[tilespmem:v6+s22+$0x0] =	vst.idx.msk $0xffff, v3  }
0xee: {  	v3 =	vld.idx.msk [tilespmem:v2+s5+$0x0 ss:$0x1], $0xffff  }
0xef: {  	s1 =	sadd.s32 $0x40, s1  }
0xf0: {  	_ =	sdelay $0x3  }
0xf1: {  	v1 =	vld.idx.msk [tilespmem:v1+s5+$0x0 ss:$0x1], $0xffff;
	_ =	sdelay $0x2  }
0xf2: {  	v2 =	vshll.u32 v3, $0x2  }
0xf3: {  	v3 =	vor.u32 $0x1, v2  }
0xf4: {  	v1 =	vshll.u32 v1, $0x2  }
0xf5: {  	v4 =	vor.u32 $0x1, v1  }
0xf6: {  	v5 =	vor.u32 $0x2, v2  }
0xf7: {  	v6 =	vor.u32 $0x2, v1;
	v2 =	vld.idx.msk [tilespmem:v2+s14+$0x0], $0xffff  }
0xf8: {  	v3 =	vld.idx.msk [tilespmem:v3+s14+$0x0], $0xffff  }
0xf9: {  	v1 =	vld.idx.msk [tilespmem:v1+s14+$0x0], $0xffff  }
0xfa: {  	v4 =	vld.idx.msk [tilespmem:v4+s14+$0x0], $0xffff  }
0xfb: {  	v5 =	vld.idx.msk [tilespmem:v5+s14+$0x0], $0xffff  }
0xfc: {  	v6 =	vld.idx.msk [tilespmem:v6+s14+$0x0], $0xffff;
	_ =	sdelay $0x2  }
0xfd: {  	v1 =	vsub.f32 v2, v1;
	v2 =	vsub.f32 v3, v4;
	_ =	sdelay $0x1  }
0xfe: {  	s1 =	sadd.s32 $0x10, s30;
	v3 =	vsub.f32 v5, v6;
	v1 =	vmul.f32 v1, v1;
	v2 =	vmul.f32 v2, v2  }
0xff: {  	v63 =	vor.u32 s1, v0  }
0x100: {  	s1 =	smul.u32 $0x50, s29;
	v1 =	vadd.f32 v2, v1;
	v2 =	vmul.f32 v3, v3;
	_ =	sdelay $0x1  }
0x101: {  	s31 =	sadd.s32 s7, s1;
	v1 =	vadd.f32 v2, v1  }
0x102: {  	s5 =	sshll.u32 s31, $0x4  }
0x103: {  	p0 =	seq.s32 s0, $0x4;
	s5 =	sadd.s32 s6, s5;
	[tilespmem:v63+s22+$0x0] =	vst.idx.msk $0xffff, v1  }
0x104: {  	[hbm4b:s5+s3] =	stream.linear.scatter [tilespmem:s16], [sflag:$0x4], $0x2800, $0x38;
	[tilespmem:$0x1BE80] =	vst v63  }
.Ltmp7:
0x105: {  	_ = 	snop;
	(pc) =	sbr.rel @p0 .LBB2_13-.Ltmp7, $4  }
.Ltmp8:
0x106: {  	s5 =	simm.s32 $0x4;
	(pc) =	sbr.rel @!p0 .LBB2_14-.Ltmp8, $4  }
0x107: {  	_ =	swait.ge [sflag:s5], $0x2800  }
0x108: {  	[sflag:s5] =	ssyncset.done $0x0  }
0x109: {  	[sflag:s5] =	ssyncadd.s32 $0xFFFFD800  }
0x10a: {  	_ = 	snop  }
.LBB2_8:
0x10b: {  	s0 =	smin.u32 s29, $0x7B  }
0x10c: {  	s0 =	sshll.u32 s0, $0x7  }
0x10d: {  	s1 =	sadd.s32 $0x80, s0  }
0x10e: {  	[tilespmem:s16], [sflag:$0x1] =	stream.indirect.gather [hbm4b:s2+s15], $0x80, s1, s15, $0xb8;
	[tilespmem:$0x1BE80] =	vst v63  }
0x10f: {  	s0 =	sadd.s32 $0x4080, s0  }
0x110: {  	[tilespmem:s17], [sflag:$0x2] =	stream.indirect.gather [hbm4b:s4+s15], $0x80, s0, s15, $0xb8;
	[tilespmem:$0x1BE80] =	vst v63  }
0x111: {  	s0 =	simm.s32 $0xA900  }
0x112: {  	s1 =	simm.s32 $0xF900;
	v1 =	vld [tilespmem:s0+$0x80]  }
0x113: {  	v2 =	vld [tilespmem:s1+$0x80]  }
0x114: {  	v3 =	vld [tilespmem:s0+$0xFFFFFF80]  }
0x115: {  	v4 =	vld [tilespmem:s1+$0xFFFFFF80]  }
0x116: {  	v5 =	vld [tilespmem:s0+$0x0]  }
0x117: {  	v6 =	vld [tilespmem:s1+$0x0]  }
0x118: {  	v7 =	vld [tilespmem:s0+$0xFFFFFF00];
	v1 =	vadd.f32 v2, v1  }
0x119: {  	v2 =	vld [tilespmem:s1+$0xFFFFFF00]  }
0x11a: {  	[tilespmem:s0+$0x80] =	vst v1;
	v1 =	vld [tilespmem:s0+$0x90]  }
0x11b: {  	v3 =	vadd.f32 v4, v3;
	v4 =	vld [tilespmem:s1+$0x90]  }
0x11c: {  	v8 =	vld [tilespmem:s0+$0xFFFFFF10]  }
0x11d: {  	[tilespmem:s0+$0xFFFFFF80] =	vst v3;
	v3 =	vadd.f32 v6, v5;
	v5 =	vld [tilespmem:s0+$0xFFFFFF90]  }
0x11e: {  	v6 =	vld [tilespmem:s1+$0xFFFFFF90];
	v2 =	vadd.f32 v2, v7  }
0x11f: {  	[tilespmem:s0+$0x0] =	vst v3;
	v3 =	vld [tilespmem:s0+$0x10]  }
0x120: {  	v7 =	vld [tilespmem:s1+$0x10];
	[tilespmem:s0+$0xFFFFFF00] =	vst v2;
	v1 =	vadd.f32 v4, v1  }
0x121: {  	v2 =	vld [tilespmem:s1+$0xFFFFFF10]  }
0x122: {  	[tilespmem:s0+$0x90] =	vst v1;
	v1 =	vld [tilespmem:s0+$0xA0]  }
0x123: {  	v4 =	vadd.f32 v6, v5;
	v5 =	vld [tilespmem:s1+$0xA0]  }
0x124: {  	v6 =	vld [tilespmem:s0+$0xFFFFFF20]  }
0x125: {  	[tilespmem:s0+$0xFFFFFF90] =	vst v4;
	v3 =	vadd.f32 v7, v3;
	v4 =	vld [tilespmem:s0+$0xFFFFFFA0]  }
0x126: {  	v7 =	vld [tilespmem:s1+$0xFFFFFFA0];
	v2 =	vadd.f32 v2, v8  }
0x127: {  	[tilespmem:s0+$0x10] =	vst v3;
	v3 =	vld [tilespmem:s0+$0x20]  }
0x128: {  	v8 =	vld [tilespmem:s1+$0x20];
	[tilespmem:s0+$0xFFFFFF10] =	vst v2;
	v1 =	vadd.f32 v5, v1  }
0x129: {  	v2 =	vld [tilespmem:s1+$0xFFFFFF20]  }
0x12a: {  	[tilespmem:s0+$0xA0] =	vst v1;
	v1 =	vld [tilespmem:s0+$0xB0]  }
0x12b: {  	v4 =	vadd.f32 v7, v4;
	v5 =	vld [tilespmem:s1+$0xB0]  }
0x12c: {  	v7 =	vld [tilespmem:s0+$0xFFFFFF30]  }
0x12d: {  	[tilespmem:s0+$0xFFFFFFA0] =	vst v4;
	v3 =	vadd.f32 v8, v3;
	v4 =	vld [tilespmem:s0+$0xFFFFFFB0]  }
0x12e: {  	v8 =	vld [tilespmem:s1+$0xFFFFFFB0];
	v2 =	vadd.f32 v2, v6  }
0x12f: {  	[tilespmem:s0+$0x20] =	vst v3;
	v3 =	vld [tilespmem:s0+$0x30]  }
0x130: {  	v6 =	vld [tilespmem:s1+$0x30];
	[tilespmem:s0+$0xFFFFFF20] =	vst v2;
	v1 =	vadd.f32 v5, v1  }
0x131: {  	v2 =	vld [tilespmem:s1+$0xFFFFFF30]  }
0x132: {  	[tilespmem:s0+$0xB0] =	vst v1;
	v1 =	vld [tilespmem:s0+$0xC0]  }
0x133: {  	v4 =	vadd.f32 v8, v4;
	v5 =	vld [tilespmem:s1+$0xC0]  }
0x134: {  	v8 =	vld [tilespmem:s0+$0xFFFFFF40]  }
0x135: {  	[tilespmem:s0+$0xFFFFFFB0] =	vst v4;
	v3 =	vadd.f32 v6, v3;
	v4 =	vld [tilespmem:s0+$0xFFFFFFC0]  }
0x136: {  	v6 =	vld [tilespmem:s1+$0xFFFFFFC0];
	v2 =	vadd.f32 v2, v7  }
0x137: {  	[tilespmem:s0+$0x30] =	vst v3;
	v3 =	vld [tilespmem:s0+$0x40]  }
0x138: {  	v7 =	vld [tilespmem:s1+$0x40];
	[tilespmem:s0+$0xFFFFFF30] =	vst v2;
	v1 =	vadd.f32 v5, v1  }
0x139: {  	v2 =	vld [tilespmem:s1+$0xFFFFFF40]  }
0x13a: {  	[tilespmem:s0+$0xC0] =	vst v1;
	v1 =	vld [tilespmem:s0+$0xD0]  }
0x13b: {  	v4 =	vadd.f32 v6, v4;
	v5 =	vld [tilespmem:s1+$0xD0]  }
0x13c: {  	v6 =	vld [tilespmem:s0+$0xFFFFFF50]  }
0x13d: {  	[tilespmem:s0+$0xFFFFFFC0] =	vst v4;
	v3 =	vadd.f32 v7, v3;
	v4 =	vld [tilespmem:s0+$0xFFFFFFD0]  }
0x13e: {  	v7 =	vld [tilespmem:s1+$0xFFFFFFD0];
	v2 =	vadd.f32 v2, v8  }
0x13f: {  	[tilespmem:s0+$0x40] =	vst v3;
	v3 =	vld [tilespmem:s0+$0x50]  }
0x140: {  	v8 =	vld [tilespmem:s1+$0x50];
	[tilespmem:s0+$0xFFFFFF40] =	vst v2;
	v1 =	vadd.f32 v5, v1  }
0x141: {  	v2 =	vld [tilespmem:s1+$0xFFFFFF50]  }
0x142: {  	[tilespmem:s0+$0xD0] =	vst v1;
	v1 =	vld [tilespmem:s0+$0xE0]  }
0x143: {  	v4 =	vadd.f32 v7, v4;
	v5 =	vld [tilespmem:s1+$0xE0]  }
0x144: {  	v7 =	vld [tilespmem:s0+$0xFFFFFF60]  }
0x145: {  	[tilespmem:s0+$0xFFFFFFD0] =	vst v4;
	v3 =	vadd.f32 v8, v3;
	v4 =	vld [tilespmem:s0+$0xFFFFFFE0]  }
0x146: {  	v8 =	vld [tilespmem:s1+$0xFFFFFFE0];
	v2 =	vadd.f32 v2, v6  }
0x147: {  	[tilespmem:s0+$0x50] =	vst v3;
	v3 =	vld [tilespmem:s0+$0x60]  }
0x148: {  	v6 =	vld [tilespmem:s1+$0x60];
	[tilespmem:s0+$0xFFFFFF50] =	vst v2;
	v1 =	vadd.f32 v5, v1  }
0x149: {  	v5 =	vld [tilespmem:s1+$0xFFFFFF60]  }
0x14a: {  	v9 =	vld [tilespmem:s0+$0xF0];
	[tilespmem:s0+$0xE0] =	vst v1  }
0x14b: {  	v2 =	vadd.f32 v8, v4;
	v8 =	vld [tilespmem:s1+$0xF0]  }
0x14c: {  	v1 =	vld [tilespmem:s0+$0xFFFFFF70]  }
0x14d: {  	[tilespmem:s0+$0xFFFFFFE0] =	vst v2;
	v3 =	vadd.f32 v6, v3;
	v2 =	vld [tilespmem:s0+$0xFFFFFFF0]  }
0x14e: {  	v4 =	vld [tilespmem:s1+$0xFFFFFFF0];
	v5 =	vadd.f32 v5, v7  }
0x14f: {  	[tilespmem:s0+$0x60] =	vst v3;
	v3 =	vld [tilespmem:s0+$0x70]  }
0x150: {  	[tilespmem:s0+$0xFFFFFF60] =	vst v5;
	v5 =	vld [tilespmem:s1+$0x70];
	v7 =	vadd.f32 v8, v9  }
0x151: {  	s5 =	simm.s32 $0x0;
	s9 =	simm.s32 $0xAB00;
	v6 =	vld [tilespmem:s1+$0xFFFFFF70]  }
.LBB2_9:
0x152: {  	v8 =	vld [tilespmem:s9+$0x80];
	[tilespmem:s0+$0xF0] =	vst v7;
	s1 =	sadd.s32 $0x200, s1  }
0x153: {  	s5 =	sadd.s32 $0x4, s5;
	v7 =	vld [tilespmem:s1+$0x80];
	v2 =	vadd.f32 v4, v2  }
0x154: {  	p0 =	slt.u32 s5, $0x4C;
	v4 =	vld [tilespmem:s1+$0xFFFFFF00]  }
0x155: {  	v9 =	vld [tilespmem:s9+$0xFFFFFF80];
	[tilespmem:s0+$0xFFFFFFF0] =	vst v2;
	v2 =	vadd.f32 v5, v3  }
0x156: {  	v3 =	vld [tilespmem:s1+$0xFFFFFF80];
	v1 =	vadd.f32 v6, v1  }
0x157: {  	v5 =	vld [tilespmem:s9+$0x0];
	[tilespmem:s0+$0x70] =	vst v2  }
0x158: {  	v2 =	vld [tilespmem:s1+$0x0];
	v6 =	vadd.f32 v7, v8;
	[tilespmem:s0+$0xFFFFFF70] =	vst v1;
	s0 =	smov.u32 s9  }
0x159: {  	v1 =	vld [tilespmem:s9+$0xFFFFFF00]  }
0x15a: {  	[tilespmem:s9+$0x80] =	vst v6;
	v6 =	vld [tilespmem:s9+$0x90]  }
0x15b: {  	v3 =	vadd.f32 v3, v9;
	v7 =	vld [tilespmem:s1+$0x90]  }
0x15c: {  	v8 =	vld [tilespmem:s9+$0xFFFFFF10]  }
0x15d: {  	[tilespmem:s9+$0xFFFFFF80] =	vst v3;
	v3 =	vld [tilespmem:s9+$0xFFFFFF90];
	v2 =	vadd.f32 v2, v5  }
0x15e: {  	v1 =	vadd.f32 v4, v1;
	v4 =	vld [tilespmem:s1+$0xFFFFFF90]  }
0x15f: {  	[tilespmem:s9+$0x0] =	vst v2;
	v2 =	vld [tilespmem:s9+$0x10]  }
0x160: {  	[tilespmem:s9+$0xFFFFFF00] =	vst v1;
	v1 =	vld [tilespmem:s1+$0x10];
	v5 =	vadd.f32 v7, v6  }
0x161: {  	v6 =	vld [tilespmem:s1+$0xFFFFFF10]  }
0x162: {  	[tilespmem:s9+$0x90] =	vst v5;
	v5 =	vld [tilespmem:s9+$0xA0]  }
0x163: {  	v3 =	vadd.f32 v4, v3;
	v4 =	vld [tilespmem:s1+$0xA0]  }
0x164: {  	v7 =	vld [tilespmem:s9+$0xFFFFFF20]  }
0x165: {  	[tilespmem:s9+$0xFFFFFF90] =	vst v3;
	v3 =	vld [tilespmem:s9+$0xFFFFFFA0];
	v1 =	vadd.f32 v1, v2  }
0x166: {  	v2 =	vadd.f32 v6, v8;
	v6 =	vld [tilespmem:s1+$0xFFFFFFA0]  }
0x167: {  	[tilespmem:s9+$0x10] =	vst v1;
	v1 =	vld [tilespmem:s9+$0x20]  }
0x168: {  	[tilespmem:s9+$0xFFFFFF10] =	vst v2;
	v2 =	vld [tilespmem:s1+$0x20];
	v4 =	vadd.f32 v4, v5  }
0x169: {  	v5 =	vld [tilespmem:s1+$0xFFFFFF20]  }
0x16a: {  	[tilespmem:s9+$0xA0] =	vst v4;
	v4 =	vld [tilespmem:s9+$0xB0]  }
0x16b: {  	v3 =	vadd.f32 v6, v3;
	v6 =	vld [tilespmem:s1+$0xB0]  }
0x16c: {  	v8 =	vld [tilespmem:s9+$0xFFFFFF30]  }
0x16d: {  	[tilespmem:s9+$0xFFFFFFA0] =	vst v3;
	v3 =	vld [tilespmem:s9+$0xFFFFFFB0];
	v1 =	vadd.f32 v2, v1  }
0x16e: {  	v2 =	vadd.f32 v5, v7;
	v5 =	vld [tilespmem:s1+$0xFFFFFFB0]  }
0x16f: {  	[tilespmem:s9+$0x20] =	vst v1;
	v1 =	vld [tilespmem:s9+$0x30]  }
0x170: {  	[tilespmem:s9+$0xFFFFFF20] =	vst v2;
	v2 =	vld [tilespmem:s1+$0x30];
	v4 =	vadd.f32 v6, v4  }
0x171: {  	v6 =	vld [tilespmem:s1+$0xFFFFFF30]  }
0x172: {  	[tilespmem:s9+$0xB0] =	vst v4;
	v4 =	vld [tilespmem:s9+$0xC0]  }
0x173: {  	v3 =	vadd.f32 v5, v3;
	v5 =	vld [tilespmem:s1+$0xC0]  }
0x174: {  	v7 =	vld [tilespmem:s9+$0xFFFFFF40]  }
0x175: {  	[tilespmem:s9+$0xFFFFFFB0] =	vst v3;
	v3 =	vld [tilespmem:s9+$0xFFFFFFC0];
	v1 =	vadd.f32 v2, v1  }
0x176: {  	v2 =	vadd.f32 v6, v8;
	v6 =	vld [tilespmem:s1+$0xFFFFFFC0]  }
0x177: {  	[tilespmem:s9+$0x30] =	vst v1;
	v1 =	vld [tilespmem:s9+$0x40]  }
0x178: {  	[tilespmem:s9+$0xFFFFFF30] =	vst v2;
	v2 =	vld [tilespmem:s1+$0x40];
	v4 =	vadd.f32 v5, v4  }
0x179: {  	v5 =	vld [tilespmem:s1+$0xFFFFFF40]  }
0x17a: {  	[tilespmem:s9+$0xC0] =	vst v4;
	v4 =	vld [tilespmem:s9+$0xD0]  }
0x17b: {  	v3 =	vadd.f32 v6, v3;
	v6 =	vld [tilespmem:s1+$0xD0]  }
0x17c: {  	v8 =	vld [tilespmem:s9+$0xFFFFFF50]  }
0x17d: {  	[tilespmem:s9+$0xFFFFFFC0] =	vst v3;
	v3 =	vld [tilespmem:s9+$0xFFFFFFD0];
	v1 =	vadd.f32 v2, v1  }
0x17e: {  	v2 =	vadd.f32 v5, v7;
	v5 =	vld [tilespmem:s1+$0xFFFFFFD0]  }
0x17f: {  	[tilespmem:s9+$0x40] =	vst v1;
	v1 =	vld [tilespmem:s9+$0x50]  }
0x180: {  	[tilespmem:s9+$0xFFFFFF40] =	vst v2;
	v2 =	vld [tilespmem:s1+$0x50];
	v4 =	vadd.f32 v6, v4  }
0x181: {  	v6 =	vld [tilespmem:s1+$0xFFFFFF50]  }
0x182: {  	[tilespmem:s9+$0xD0] =	vst v4;
	v4 =	vld [tilespmem:s9+$0xE0]  }
0x183: {  	v3 =	vadd.f32 v5, v3;
	v5 =	vld [tilespmem:s1+$0xE0]  }
0x184: {  	v7 =	vld [tilespmem:s9+$0xFFFFFF60]  }
0x185: {  	[tilespmem:s9+$0xFFFFFFD0] =	vst v3;
	v3 =	vld [tilespmem:s9+$0xFFFFFFE0];
	v1 =	vadd.f32 v2, v1  }
0x186: {  	v2 =	vadd.f32 v6, v8;
	v6 =	vld [tilespmem:s1+$0xFFFFFFE0]  }
0x187: {  	[tilespmem:s9+$0x50] =	vst v1;
	v8 =	vld [tilespmem:s9+$0x60]  }
0x188: {  	[tilespmem:s9+$0xFFFFFF50] =	vst v2;
	v9 =	vld [tilespmem:s1+$0x60];
	v1 =	vadd.f32 v5, v4  }
0x189: {  	v4 =	vld [tilespmem:s1+$0xFFFFFF60]  }
0x18a: {  	[tilespmem:s9+$0xE0] =	vst v1;
	v10 =	vld [tilespmem:s9+$0xF0]  }
0x18b: {  	v2 =	vadd.f32 v6, v3;
	v6 =	vld [tilespmem:s1+$0xF0]  }
0x18c: {  	v1 =	vld [tilespmem:s9+$0xFFFFFF70]  }
.Ltmp9:
0x18d: {  	[tilespmem:s9+$0xFFFFFFE0] =	vst v2;
	v2 =	vld [tilespmem:s9+$0xFFFFFFF0];
	v3 =	vadd.f32 v9, v8;
	(pc) =	sbr.rel @p0 .LBB2_9-.Ltmp9, $4  }
0x18e: {  	v5 =	vadd.f32 v4, v7;
	v4 =	vld [tilespmem:s1+$0xFFFFFFF0]  }
0x18f: {  	[tilespmem:s9+$0x60] =	vst v3;
	v3 =	vld [tilespmem:s9+$0x70]  }
0x190: {  	[tilespmem:s9+$0xFFFFFF60] =	vst v5;
	v5 =	vld [tilespmem:s1+$0x70];
	v7 =	vadd.f32 v6, v10  }
0x191: {  	s9 =	sadd.s32 $0x200, s9;
	v6 =	vld [tilespmem:s1+$0xFFFFFF70]  }
0x192: {  	_ =	sdelay $0x1  }
0x193: {  	v2 =	vadd.f32 v4, v2;
	_ =	sdelay $0x1  }
0x194: {  	[tilespmem:s0+$0xFFFFFFF0] =	vst v2;
	v2 =	vmov s25;
	v1 =	vadd.f32 v6, v1;
	_ =	sdelay $0x1  }
0x195: {  	v3 =	vadd.f32 v5, v3;
	[tilespmem:s0+$0xFFFFFF70] =	vst v1;
	v1 =	vmov s28  }
0x196: {  	[tilespmem:s0+$0xF0] =	vst v7  }
0x197: {  	s1 =	simm.s32 $0x0;
	[tilespmem:s0+$0x70] =	vst v3  }
0x198: {  	v3 =	vld.idx.msk [tilespmem:v2+s1+$0x0 ss:$0x1], $0xffff;
	_ =	sdelay $0x1  }
0x199: {  	v4 =	vld.idx.msk [tilespmem:v1+s1+$0x0 ss:$0x1], $0xffff;
	_ =	sdelay $0x2  }
0x19a: {  	v3 =	vshll.u32 v3, $0x2  }
0x19b: {  	v5 =	vor.u32 $0x1, v3  }
0x19c: {  	v4 =	vshll.u32 v4, $0x2  }
0x19d: {  	v61 =	vor.u32 $0x1, v4  }
0x19e: {  	v62 =	vor.u32 $0x2, v3  }
0x19f: {  	v8 =	vor.u32 $0x2, v4;
	v3 =	vld.idx.msk [tilespmem:v3+s14+$0x0], $0xffff  }
0x1a0: {  	v5 =	vld.idx.msk [tilespmem:v5+s14+$0x0], $0xffff  }
0x1a1: {  	v4 =	vld.idx.msk [tilespmem:v4+s14+$0x0], $0xffff  }
0x1a2: {  	v6 =	vld.idx.msk [tilespmem:v61+s14+$0x0], $0xffff  }
0x1a3: {  	v7 =	vld.idx.msk [tilespmem:v62+s14+$0x0], $0xffff  }
0x1a4: {  	v8 =	vld.idx.msk [tilespmem:v8+s14+$0x0], $0xffff;
	_ =	sdelay $0x2  }
0x1a5: {  	v3 =	vsub.f32 v3, v4;
	v4 =	vsub.f32 v5, v6;
	_ =	sdelay $0x1  }
0x1a6: {  	v5 =	vsub.f32 v7, v8;
	v3 =	vmul.f32 v3, v3;
	v4 =	vmul.f32 v4, v4  }
0x1a7: {  	v63 =	vor.u32 s30, v0  }
0x1a8: {  	v3 =	vadd.f32 v4, v3;
	v4 =	vmul.f32 v5, v5;
	_ =	sdelay $0x1  }
0x1a9: {  	v3 =	vadd.f32 v4, v3  }
0x1aa: {  	s31 =	smul.u32 $0x5, s31  }
0x1ab: {  	s5 =	simm.s32 $0x10;
	[tilespmem:v63+s22+$0x0] =	vst.idx.msk $0xffff, v3  }
0x1ac: {  	s0 =	ssub.s32 s29, s31;
	s1 =	simm.s32 $0x80;
	v3 =	vld.idx.msk [tilespmem:v2+s5+$0x0 ss:$0x1], $0xffff  }
.LBB2_11:
0x1ad: {  	p0 =	sne.s32 s1, $0x100;
	v4 =	vld.idx.msk [tilespmem:v1+s5+$0x0 ss:$0x1], $0xffff;
	_ =	sdelay $0x3  }
0x1ae: {  	v3 =	vshll.u32 v3, $0x2  }
0x1af: {  	v5 =	vor.u32 $0x1, v3  }
0x1b0: {  	v4 =	vshll.u32 v4, $0x2  }
0x1b1: {  	v6 =	vor.u32 $0x1, v4  }
0x1b2: {  	v7 =	vor.u32 $0x2, v3  }
0x1b3: {  	v8 =	vor.u32 $0x2, v4;
	v3 =	vld.idx.msk [tilespmem:v3+s14+$0x0], $0xffff  }
0x1b4: {  	v5 =	vld.idx.msk [tilespmem:v5+s14+$0x0], $0xffff  }
0x1b5: {  	v4 =	vld.idx.msk [tilespmem:v4+s14+$0x0], $0xffff  }
0x1b6: {  	v6 =	vld.idx.msk [tilespmem:v6+s14+$0x0], $0xffff  }
0x1b7: {  	v7 =	vld.idx.msk [tilespmem:v7+s14+$0x0], $0xffff  }
0x1b8: {  	v8 =	vld.idx.msk [tilespmem:v8+s14+$0x0], $0xffff;
	_ =	sdelay $0x3  }
0x1b9: {  	v3 =	vsub.f32 v3, v4;
	v4 =	vsub.f32 v5, v6;
	_ =	sdelay $0x1  }
0x1ba: {  	s30 =	sadd.s32 $0x10, s30;
	v3 =	vmul.f32 v3, v3;
	v5 =	vsub.f32 v7, v8;
	v4 =	vmul.f32 v4, v4  }
0x1bb: {  	v6 =	vor.u32 s30, v0  }
0x1bc: {  	v3 =	vadd.f32 v4, v3;
	v4 =	vmul.f32 v5, v5;
	_ =	sdelay $0x1  }
.Ltmp10:
0x1bd: {  	v3 =	vadd.f32 v4, v3;
	(pc) =	sbr.rel @p0 .LBB2_11-.Ltmp10, $4  }
0x1be: {  	_ = 	snop  }
0x1bf: {  	s5 =	sshra.s32 s1, $0x2;
	[tilespmem:v6+s22+$0x0] =	vst.idx.msk $0xffff, v3  }
0x1c0: {  	v3 =	vld.idx.msk [tilespmem:v2+s5+$0x0 ss:$0x1], $0xffff  }
0x1c1: {  	s1 =	sadd.s32 $0x40, s1  }
0x1c2: {  	_ =	sdelay $0x3  }
0x1c3: {  	v1 =	vld.idx.msk [tilespmem:v1+s5+$0x0 ss:$0x1], $0xffff;
	_ =	sdelay $0x2  }
0x1c4: {  	v2 =	vshll.u32 v3, $0x2  }
0x1c5: {  	v3 =	vor.u32 $0x1, v2  }
0x1c6: {  	v1 =	vshll.u32 v1, $0x2  }
0x1c7: {  	v4 =	vor.u32 $0x1, v1  }
0x1c8: {  	v5 =	vor.u32 $0x2, v2  }
0x1c9: {  	v6 =	vor.u32 $0x2, v1;
	v2 =	vld.idx.msk [tilespmem:v2+s14+$0x0], $0xffff  }
0x1ca: {  	v3 =	vld.idx.msk [tilespmem:v3+s14+$0x0], $0xffff  }
0x1cb: {  	v1 =	vld.idx.msk [tilespmem:v1+s14+$0x0], $0xffff  }
0x1cc: {  	v4 =	vld.idx.msk [tilespmem:v4+s14+$0x0], $0xffff  }
0x1cd: {  	v5 =	vld.idx.msk [tilespmem:v5+s14+$0x0], $0xffff  }
0x1ce: {  	v6 =	vld.idx.msk [tilespmem:v6+s14+$0x0], $0xffff;
	_ =	sdelay $0x2  }
0x1cf: {  	v1 =	vsub.f32 v2, v1;
	v2 =	vsub.f32 v3, v4;
	_ =	sdelay $0x1  }
0x1d0: {  	s1 =	sadd.s32 $0x10, s30;
	v3 =	vsub.f32 v5, v6;
	v1 =	vmul.f32 v1, v1;
	v2 =	vmul.f32 v2, v2  }
0x1d1: {  	v63 =	vor.u32 s1, v0  }
0x1d2: {  	s1 =	smul.u32 $0x50, s29;
	v1 =	vadd.f32 v2, v1;
	v2 =	vmul.f32 v3, v3;
	_ =	sdelay $0x1  }
0x1d3: {  	s31 =	sadd.s32 s7, s1;
	v1 =	vadd.f32 v2, v1  }
0x1d4: {  	s5 =	sshll.u32 s31, $0x4  }
0x1d5: {  	p0 =	sne.s32 s0, $0x4;
	s5 =	sadd.s32 s6, s5;
	[tilespmem:v63+s22+$0x0] =	vst.idx.msk $0xffff, v1  }
0x1d6: {  	[hbm4b:s5+s3] =	stream.linear.scatter [tilespmem:s20], [sflag:$0x4], $0x2800, $0x38;
	[tilespmem:$0x1BE80] =	vst v63  }
.Ltmp11:
0x1d7: {  	_ = 	snop;
	(pc) =	sbr.rel @p0 .LBB2_14-.Ltmp11, $4  }
.Ltmp12:
0x1d8: {  	_ = 	snop;
	(pc) =	sbr.rel @!p0 .LBB2_13-.Ltmp12, $4  }
0x1d9: {  	_ =	swait.ge [sflag:s23], $0x2800  }
0x1da: {  	[sflag:s23] =	ssyncset.done $0x0  }
0x1db: {  	s5 =	simm.s32 $0x3;
	[sflag:s23] =	ssyncadd.s32 $0xFFFFD800  }
0x1dc: {  	_ = 	snop  }
.LBB2_16:
0x1dd: {  	_ =	sfence.sel $0x180000  }
0x1de: {  	[bflag:$0x0] =	sbarrier.arrive $0xFFFF  }
0x1df: {  	_ =	strace $0x90000047  }
0x1e0: {  	s0 =	stileid.u32;
	[bflag:$0x2] =	sbarrier.arrive $0xFFFF  }
0x1e1: {  	p0 =	sne.s32 s0, $0x0;
	s0 =	rddreg [dreg:$0x2]  }
0x1e2: {  	s0 =	sadd.s32 @!p0 $0x100000, s0  }
0x1e3: {  	[sflag:s0] =	ssyncadd.tile.s32 @!p0 $0x1;
	_ =	shalt  }
.Lfunc_end2:
_tile_overlayer_lowered:
.L_overlay_start_2:
0x1e4: {  	(tag) =	ssettag $0x2  }
0x1e5: {  	s0 =	rddreg [dreg:$0x0];
	s2 =	stileid.u32  }
0x1e6: {  	s1 =	rddreg [dreg:$0x1];
	p0 =	sne.s32 s2, $0x0  }
0x1e7: {  	s3 =	rddreg [dreg:$0x2];
	[bflag:$0x3] =	sbarrier.arrive $0xFFFF;
	s2 =	simm.s32 @!p0 $0x1C03  }
0x1e8: {  	[timem:s3], [sflag:s2] =	dma.local @!p0 [hbm:s0], s1  }
0x1e9: {  	s0 =	simm.s32 @!p0 $0x3  }
0x1ea: {  	_ =	swait.ge @!p0 [sflag:s0], s1  }
0x1eb: {  	s1 =	ssub.s32 @!p0 $0x0, s1;
	[sflag:s0] =	ssyncset.done @!p0 $0x0  }
0x1ec: {  	[sflag:s0] =	ssyncadd.s32 @!p0 s1  }
0x1ed: {  	[bflag:$0x3] =	sbarrier.arrive $0xFFFF  }
0x1ee: {  	_ =	shalt  }

</sc_bundles>
